<compile_context>
chip_gen: v7x
topology: tpu7x:2x2x1
jax: 0.10.2.dev20260603
libtpu: 0.0.44.dev20260713+nightly
codegen_flags: <defaults>
</compile_context>

<pallas_src>
import functools

import jax
import jax.numpy as jnp
import numpy as np
from jax import lax
from jax.experimental import pallas as pl
from jax.experimental.pallas import tpu as pltpu
from jax.experimental.pallas import tpu_sc as plsc

_VOCAB = 1_000_000
_D = 16
_N_TOK = 16384
_N_NEG = 2048

_KS1 = 42
_KS2 = (0x1BD11BDA ^ 42) & 0xFFFFFFFF

_CR = 96
_VR = -(-_VOCAB // 128)
_VRP = -(-_VR // _CR) * _CR
_VP = _VRP * 128

_R_TC = 5568
_V_TC0 = _R_TC * 128
_V_SC = _VOCAB - _V_TC0
_C_SC = 4288
_NCH_SC = _V_SC // _C_SC
_SC_U = 4
_SC_STEPS = _C_SC // (16 * _SC_U)
_SC_ROWS = _N_NEG // 32


def _rotl(x, d):
    return (x << d) | (x >> (32 - d))


def _bits_from_x1(b):
    b = b + jnp.uint32(_KS1)
    a = b
    b = _rotl(b, 13) ^ a
    for r in (15, 26, 6):
        a = a + b
        b = _rotl(b, r) ^ a
    a = a + jnp.uint32(_KS1)
    b = b + jnp.uint32(_KS2 + 1)
    for r in (17, 29, 16, 24):
        a = a + b
        b = _rotl(b, r) ^ a
    a = a + jnp.uint32(_KS2)
    b = b + jnp.uint32(2)
    for r in (13, 15, 26, 6):
        a = a + b
        b = _rotl(b, r) ^ a
    b = b + jnp.uint32(_KS1 + 3)
    for r in (17, 29, 16, 24):
        a = a + b
        b = _rotl(b, r) ^ a
    a = a + jnp.uint32(_KS1)
    b = b + jnp.uint32(_KS2 + 4)
    for r in (13, 15, 26, 6):
        a = a + b
        b = _rotl(b, r) ^ a
    a = a + jnp.uint32(_KS2)
    b = b + jnp.uint32(5)
    return a ^ b


def _recip_body(p_ref, o_ref):
    o_ref[...] = jnp.float32(2.0 ** -23) / (p_ref[...] + jnp.float32(1e-10))


def _recip(p_pad, interpret=False):
    return pl.pallas_call(
        _recip_body,
        out_shape=jax.ShapeDtypeStruct(p_pad.shape, jnp.float32),
        interpret=interpret,
    )(p_pad)


def _sample_body(r_ref, out_ref, os_ref, *, vocab, n_chunk, cr):
    s = pl.program_id(0)
    base = (s * vocab).astype(jnp.uint32)
    voff = (lax.broadcasted_iota(jnp.uint32, (cr, 128), 0) * 128
            + lax.broadcasted_iota(jnp.uint32, (cr, 128), 1))

    def chunk(c, carry):
        minv, mini = carry
        x1 = voff + (base + (c * (cr * 128)).astype(jnp.uint32))
        bits = _bits_from_x1(x1)
        w = (jnp.uint32(1 << 23) - (bits >> 9)).astype(jnp.float32)
        score = w * r_ref[pl.ds(c * cr, cr), :]
        pred = score < minv
        minv = jnp.where(pred, score, minv)
        mini = jnp.where(pred, x1, mini)
        return minv, mini

    minv, mini = lax.fori_loop(
        0, n_chunk, chunk,
        (jnp.full((cr, 128), jnp.inf, jnp.float32),
         jnp.zeros((cr, 128), jnp.uint32)))
    mall = jnp.min(minv)
    mflip = lax.bitcast_convert_type(mini ^ jnp.uint32(0x80000000), jnp.int32)
    bestf = jnp.min(jnp.where(minv == mall, mflip, jnp.int32(2 ** 31 - 1)))
    best = (lax.bitcast_convert_type(bestf, jnp.uint32) ^ jnp.uint32(0x80000000)
            ) - base
    out_ref[...] = jnp.broadcast_to(best.astype(jnp.int32), (1, 1, 1))
    os_ref[...] = jnp.broadcast_to(mall, (1, 1, 1))


def _sample(r_pad, n_samples, vocab, rows, cr, interpret=False):
    n_chunk = rows // cr
    return pl.pallas_call(
        functools.partial(_sample_body, vocab=vocab, n_chunk=n_chunk, cr=cr),
        grid=(n_samples,),
        in_specs=[pl.BlockSpec((rows, 128), lambda s: (0, 0))],
        out_specs=[pl.BlockSpec((1, 1, 1), lambda s: (s, 0, 0)),
                   pl.BlockSpec((1, 1, 1), lambda s: (s, 0, 0))],
        out_shape=[jax.ShapeDtypeStruct((n_samples, 1, 1), jnp.int32),
                   jax.ShapeDtypeStruct((n_samples, 1, 1), jnp.float32)],
        interpret=interpret,
    )(r_pad)


def _sc_race(r_flat):
    mesh = plsc.VectorSubcoreMesh(core_axis_name="c", subcore_axis_name="s")
    n_lane = _SC_ROWS * 16

    @functools.partial(
        pl.kernel, mesh=mesh,
        compiler_params=pltpu.CompilerParams(use_tc_tiling_on_sc=False),
        out_type=[jax.ShapeDtypeStruct((_N_NEG * 16,), jnp.float32),
                  jax.ShapeDtypeStruct((_N_NEG * 16,), jnp.int32)],
        scratch_types=[
            pltpu.VMEM((_C_SC,), jnp.float32),
            pltpu.VMEM((n_lane,), jnp.float32),
            pltpu.VMEM((n_lane,), jnp.int32),
        ],
    )
    def k(r_hbm, score_out, idxf_out, r_v, minv_v, mini_v):
        wid = lax.axis_index("s") * 2 + lax.axis_index("c")
        row0 = wid * _SC_ROWS
        lanes = lax.iota(jnp.uint32, 16)
        inf16 = jnp.full((16,), jnp.inf, jnp.float32)
        zero16 = jnp.zeros((16,), jnp.int32)

        def init_row(i, _):
            minv_v[pl.ds(i * 16, 16)] = inf16
            mini_v[pl.ds(i * 16, 16)] = zero16
            return 0
        lax.fori_loop(0, _SC_ROWS, init_row, 0)

        def merge(ma, ia, mb, ib):
            tk = (mb < ma) | ((mb == ma) & (ib < ia))
            return jnp.where(tk, mb, ma), jnp.where(tk, ib, ia)

        def do_chunk(c, _):
            off = c * _C_SC
            pltpu.sync_copy(r_hbm.at[pl.ds(_V_TC0 + off, _C_SC)], r_v)

            def do_row(rr, _):
                baseu = (((row0 + rr) * _VOCAB).astype(jnp.uint32)
                         + jnp.uint32(_V_TC0) + off.astype(jnp.uint32))

                def step(t, cy):
                    ms = list(cy[:_SC_U])
                    xs = list(cy[_SC_U:])
                    sbase = t * (16 * _SC_U)
                    for u in range(_SC_U):
                        o = sbase + u * 16
                        x1 = lanes + (baseu + o.astype(jnp.uint32))
                        bits = _bits_from_x1(x1)
                        w = (jnp.uint32(1 << 23) - (bits >> 9)
                             ).astype(jnp.float32)
                        sc = w * r_v[pl.ds(o, 16)]
                        xf = lax.bitcast_convert_type(
                            x1 ^ jnp.uint32(0x80000000), jnp.int32)
                        pred = sc < ms[u]
                        ms[u] = jnp.where(pred, sc, ms[u])
                        xs[u] = jnp.where(pred, xf, xs[u])
                    return tuple(ms) + tuple(xs)

                cy = lax.fori_loop(
                    0, _SC_STEPS, step,
                    (inf16,) * _SC_U + (zero16,) * _SC_U)
                ma, ia = merge(cy[0], cy[_SC_U], cy[1], cy[_SC_U + 1])
                mb, ib = merge(cy[2], cy[_SC_U + 2], cy[3], cy[_SC_U + 3])
                mm, im = merge(ma, ia, mb, ib)
                mr = minv_v[pl.ds(rr * 16, 16)]
                ir = mini_v[pl.ds(rr * 16, 16)]
                mf, jf = merge(mr, ir, mm, im)
                minv_v[pl.ds(rr * 16, 16)] = mf
                mini_v[pl.ds(rr * 16, 16)] = jf
                return 0

            lax.fori_loop(0, _SC_ROWS, do_row, 0)
            return 0

        lax.fori_loop(0, _NCH_SC, do_chunk, 0)
        pltpu.sync_copy(minv_v, score_out.at[pl.ds(row0 * 16, n_lane)])
        pltpu.sync_copy(mini_v, idxf_out.at[pl.ds(row0 * 16, n_lane)])

    return k(r_flat)


def _combine_body(tcs_ref, tci_ref, scs_ref, sci_ref, o_ref):
    tcs = tcs_ref[...]
    tci = tci_ref[...]
    scs = scs_ref[...]
    sci = sci_ref[...]
    m = jnp.min(scs, axis=1, keepdims=True)
    cf = jnp.min(jnp.where(scs == m, sci, jnp.int32(2 ** 31 - 1)),
                 axis=1, keepdims=True)
    cu = lax.bitcast_convert_type(cf, jnp.uint32) ^ jnp.uint32(0x80000000)
    rows = lax.broadcasted_iota(jnp.int32, cu.shape, 0)
    scv = lax.bitcast_convert_type(
        cu - lax.bitcast_convert_type(rows * _VOCAB, jnp.uint32), jnp.int32)
    take = (m < tcs) | ((m == tcs) & (scv < tci))
    o_ref[...] = jnp.where(take, scv, tci)


def _combine(tc_s, tc_i, sc_s, sc_if, interpret=False):
    return pl.pallas_call(
        _combine_body,
        out_shape=jax.ShapeDtypeStruct((tc_s.shape[0], 1), jnp.int32),
        interpret=interpret,
    )(tc_s, tc_i, sc_s, sc_if)


def _gather(emb, probs, idx, batch):
    nw = 32
    bpw = batch // nw
    mesh = plsc.VectorSubcoreMesh(core_axis_name="c", subcore_axis_name="s")

    @functools.partial(
        pl.kernel, mesh=mesh,
        compiler_params=pltpu.CompilerParams(use_tc_tiling_on_sc=False),
        out_type=[jax.ShapeDtypeStruct((batch, _D), jnp.float32),
                  jax.ShapeDtypeStruct((batch,), jnp.float32)],
        scratch_types=[
            pltpu.VMEM((bpw,), jnp.int32),
            pltpu.VMEM((bpw, _D), jnp.float32),
            pltpu.VMEM((bpw,), jnp.float32),
            pltpu.SemaphoreType.DMA,
            pltpu.SemaphoreType.DMA,
        ],
    )
    def k(emb_hbm, probs_hbm, idx_hbm, rows_out, p_out, idx_v, rows_v, p_v,
          sem1, sem2):
        wid = lax.axis_index("s") * 2 + lax.axis_index("c")
        base = wid * bpw
        pltpu.sync_copy(idx_hbm.at[pl.ds(base, bpw)], idx_v)
        c1 = pltpu.async_copy(emb_hbm.at[idx_v], rows_v, sem1)
        c2 = pltpu.async_copy(probs_hbm.at[idx_v], p_v, sem2)
        c1.wait()
        c2.wait()
        pltpu.sync_copy(rows_v, rows_out.at[pl.ds(base, bpw)])
        pltpu.sync_copy(p_v, p_out.at[pl.ds(base, bpw)])

    return k(emb, probs, idx)


def _loss_body(h_ref, ep_ref, y_ref, tp_ref, en_ref, sid_ref, sp_ref,
               out_ref, acc_ref):
    i = pl.program_id(0)

    @pl.when(i == 0)
    def _init():
        acc_ref[0] = jnp.float32(0.0)
        acc_ref[1] = jnp.float32(0.0)

    h = h_ref[...]
    y = y_ref[0]
    tp = tp_ref[0]
    en = en_ref[...]
    sid = sid_ref[...]
    sp = sp_ref[...]

    neg = lax.dot_general(h, en, (((1,), (1,)), ((), ())),
                          preferred_element_type=jnp.float32)
    neg = jnp.where(y == sid, jnp.float32(-1e9), neg)
    negl = neg - jnp.log(sp + jnp.float32(1e-10))
    pos = (jnp.sum(h * ep_ref[...], axis=1, keepdims=True)
           - jnp.log(tp + jnp.float32(1e-10)))
    mx = jnp.maximum(jnp.max(negl, axis=1, keepdims=True), pos)
    se = jnp.sum(jnp.exp(negl - mx), axis=1, keepdims=True) + jnp.exp(pos - mx)
    pt = mx + jnp.log(se) - pos
    msk = y != 0
    acc_ref[0] += jnp.sum(jnp.where(msk, pt, jnp.float32(0.0)))
    acc_ref[1] += jnp.sum(msk.astype(jnp.float32))

    @pl.when(i == pl.num_programs(0) - 1)
    def _fin():
        out_ref[0, 0] = acc_ref[0] / acc_ref[1]


def _loss(hidden, e_pos, y3, tp3, e_neg, sid2, sp2, n_tok, n_neg,
          interpret=False):
    tb = 2048 if n_tok % 2048 == 0 else n_tok
    grid = n_tok // tb
    return pl.pallas_call(
        _loss_body,
        grid=(grid,),
        in_specs=[
            pl.BlockSpec((tb, _D), lambda i: (i, 0)),
            pl.BlockSpec((tb, _D), lambda i: (i, 0)),
            pl.BlockSpec((1, tb, 1), lambda i: (i, 0, 0)),
            pl.BlockSpec((1, tb, 1), lambda i: (i, 0, 0)),
            pl.BlockSpec((n_neg, _D), lambda i: (0, 0)),
            pl.BlockSpec((1, n_neg), lambda i: (0, 0)),
            pl.BlockSpec((1, n_neg), lambda i: (0, 0)),
        ],
        out_specs=pl.BlockSpec((1, 1), lambda i: (0, 0), memory_space=pltpu.SMEM),
        out_shape=jax.ShapeDtypeStruct((1, 1), jnp.float32),
        scratch_shapes=[pltpu.SMEM((2,), jnp.float32)],
        interpret=interpret,
    )(hidden, e_pos, y3, tp3, e_neg, sid2, sp2)


def kernel(hidden, y, emb_table, sampling_probs):
    y = y.astype(jnp.int32)
    p_pad = jnp.pad(sampling_probs, (0, _VP - _VOCAB)).reshape(_VRP, 128)
    r_pad = _recip(p_pad)
    sc_s, sc_if = _sc_race(r_pad.reshape(_VP))
    tc_i, tc_s = _sample(r_pad, _N_NEG, _VOCAB, _R_TC, _CR)
    sampled = _combine(tc_s.reshape(_N_NEG, 1), tc_i.reshape(_N_NEG, 1),
                       sc_s.reshape(_N_NEG, 16), sc_if.reshape(_N_NEG, 16)
                       ).reshape(_N_NEG)
    e_pos, tp = _gather(emb_table, sampling_probs, y, _N_TOK)
    e_neg, sp = _gather(emb_table, sampling_probs, sampled, _N_NEG)
    loss = _loss(hidden, e_pos,
                 y.reshape(_N_TOK // 2048, 2048, 1),
                 tp.reshape(_N_TOK // 2048, 2048, 1),
                 e_neg,
                 sampled.reshape(1, _N_NEG),
                 sp.reshape(1, _N_NEG),
                 _N_TOK, _N_NEG)
    return loss[0, 0]

# --- scband reference (transcript-rebuilt; emitter-appended) ---
"""Pipeline reference for scband-sampled-softmax-prediction-head-18193481466227 (READ-ONLY COPY).

The authoritative reference and input builder live on the scoring server;
editing this copy changes nothing except your own understanding.
"""

import jax, jax.numpy as jnp
import numpy as np

VOCAB = 1000000
D = 16
N_TOK = 16384
N_NEG = 2048
TEMP = 1.0


def setup_inputs(seed: int = 0) -> dict:
    key = jax.random.key(seed)
    k1, k2, k3, k4 = jax.random.split(key, 4)
    hidden = jax.random.normal(k1, (N_TOK, D), dtype=jnp.float32)
    y = jax.random.randint(k2, (N_TOK,), 0, VOCAB)
    emb_table = jax.random.normal(k3, (VOCAB, D), dtype=jnp.float32) * 0.02
    raw = jax.random.uniform(k4, (VOCAB,), minval=0.1, maxval=1.0, dtype=jnp.float32)
    sampling_probs = raw / raw.sum()
    return {"hidden": hidden, "y": y, "emb_table": emb_table, "sampling_probs": sampling_probs}


def reference(hidden, y, emb_table, sampling_probs):
    # mask out padding tokens (y == 0), as in the torch loss()
    mask = y != 0
    h = hidden
    yy = y
    # Sampler: multinomial with replacement over sampling_probs
    skey = jax.random.key(42)
    sampled_indices = jax.random.categorical(
        skey, jnp.log(sampling_probs + 1e-10), shape=(N_NEG,))
    true_probs = sampling_probs[yy]
    sample_probs = sampling_probs[sampled_indices]
    # track_embedder lookups
    e_pos = jnp.take(emb_table, yy, axis=0)
    e_neg = jnp.take(emb_table, sampled_indices, axis=0)
    pos_logits = (h * e_pos).sum(axis=1)
    neg_logits = h @ e_neg.T
    collision_mask = yy[:, None] == sampled_indices[None, :]
    neg_logits = jnp.where(collision_mask, -1e9, neg_logits)
    # SampledSoftmaxLoss
    pos = pos_logits / TEMP - jnp.log(true_probs + 1e-10)
    neg = neg_logits / TEMP - jnp.log(sample_probs[None, :] + 1e-10)
    logits = jnp.concatenate([pos[:, None], neg], axis=1)
    # cross entropy with labels == 0
    per_token = jax.nn.logsumexp(logits, axis=1) - logits[:, 0]
    loss = jnp.sum(jnp.where(mask, per_token, 0.0)) / jnp.sum(mask).astype(per_token.dtype)
    return loss

if __name__ == "__main__":
    import jax
    _d = setup_inputs()
    print(jax.jit(kernel)(*tuple(_d.values())))

</pallas_src>

<mosaic_0001>
#map = affine_map<(d0, d1) -> (0)>
module attributes {stable_mosaic.version = 14 : i64} {
  func.func @k(%arg0: i32, %arg1: i32, %arg2: memref<1007616xf32, #tpu.memory_space<hbm>>, %arg3: memref<32768xf32, #tpu.memory_space<hbm>>, %arg4: memref<32768xi32, #tpu.memory_space<hbm>>, %arg5: memref<4288xf32, #tpu.memory_space<vmem>>, %arg6: memref<1024xf32, #tpu.memory_space<vmem>>, %arg7: memref<1024xi32, #tpu.memory_space<vmem>>) attributes {dimension_semantics = [#tpu.dimension_semantics<core_parallel>, #tpu.dimension_semantics<subcore_parallel>], iteration_bounds = array<i64: 2, 16>, scalar_prefetch = 0 : i64, scratch_operands = 3 : i64, tpu.core_type = #tpu.core_type<sc_vector_subcore>, window_params = [{transform_indices = #map}, {transform_indices = #map}, {transform_indices = #map}]} {
    %mul3A = arith.constant 2 : i32
    %mul3A_0 = arith.muli %arg1, %mul3A : i32
    %add3A = arith.addi %mul3A_0, %arg0 : i32
    %mul3A_1 = arith.constant 64 : i32
    %mul3A_2 = arith.muli %add3A, %mul3A_1 : i32
    %iota3A = tpu.iota {dimensions = array<i32: 0>} : vector<16xi32>
    %broadcast_in_dim3A = arith.constant 0x7F800000 : f32
    %broadcast_in_dim3A_3 = vector.broadcast %broadcast_in_dim3A : f32 to vector<16xf32>
    %broadcast_in_dim3A_4 = arith.constant 0 : i32
    %broadcast_in_dim3A_5 = vector.broadcast %broadcast_in_dim3A_4 : i32 to vector<16xi32>
    %scan3A = arith.constant 0 : i32
    %scan3A_6 = arith.constant 0 : i32
    %scan3A_7 = arith.constant 64 : i32
    %scan3A_8 = arith.addi %scan3A_6, %scan3A_7 : i32
    %scan3A_9 = arith.constant 1 : i32
    %scan3A_10 = scf.for %scan3A_23 = %scan3A_6 to %scan3A_8 step %scan3A_9 iter_args(%scan3A_24 = %scan3A) -> (i32)  : i32 {
      %mul3A_25 = arith.constant 16 : i32
      %mul3A_26 = arith.muli %scan3A_23, %mul3A_25 : i32
      %swap3A = arith.index_cast %mul3A_26 : i32 to index
      %swap3A_27 = tpu.vector_load %arg6[%swap3A] {strides = array<i32>} : memref<1024xf32, #tpu.memory_space<vmem>>, vector<16xf32>,
      %swap3A_28 = vector.shape_cast %swap3A_27 : vector<16xf32> to vector<16xf32>
      %swap3A_29 = vector.shape_cast %broadcast_in_dim3A_3 : vector<16xf32> to vector<16xf32>
      tpu.vector_store %arg6[%swap3A], %swap3A_29 {strides = array<i32>} : memref<1024xf32, #tpu.memory_space<vmem>>, vector<16xf32>,
      %mul3A_30 = arith.constant 16 : i32
      %mul3A_31 = arith.muli %scan3A_23, %mul3A_30 : i32
      %swap3A_32 = arith.index_cast %mul3A_31 : i32 to index
      %swap3A_33 = tpu.vector_load %arg7[%swap3A_32] {strides = array<i32>} : memref<1024xi32, #tpu.memory_space<vmem>>, vector<16xi32>,
      %swap3A_34 = vector.shape_cast %swap3A_33 : vector<16xi32> to vector<16xi32>
      %swap3A_35 = vector.shape_cast %broadcast_in_dim3A_5 : vector<16xi32> to vector<16xi32>
      tpu.vector_store %arg7[%swap3A_32], %swap3A_35 {strides = array<i32>} : memref<1024xi32, #tpu.memory_space<vmem>>, vector<16xi32>,
      %scan3A_36 = arith.constant 0 : i32
      scf.yield %scan3A_36 : i32
    }
    %scan3A_11 = arith.constant 64 : i32
    %scan3A_12 = arith.constant 0 : i32
    %scan3A_13 = arith.constant 0 : i32
    %scan3A_14 = arith.constant 67 : i32
    %scan3A_15 = arith.addi %scan3A_13, %scan3A_14 : i32
    %scan3A_16 = arith.constant 1 : i32
    %scan3A_17 = scf.for %scan3A_23 = %scan3A_13 to %scan3A_15 step %scan3A_16 iter_args(%scan3A_24 = %scan3A_12) -> (i32)  : i32 {
      %mul3A_25 = arith.constant 4288 : i32
      %mul3A_26 = arith.muli %scan3A_23, %mul3A_25 : i32
      %add3A_27 = arith.constant 712704 : i32
      %add3A_28 = arith.addi %add3A_27, %mul3A_26 : i32
      "tpu.region"() ({
        %run_scoped3A = tpu.sem_alloc : memref<!tpu.dma_semaphore, #tpu.memory_space<semaphore_mem>>
        %dma_start3A = tpu.memref_slice %arg2[%add3A_28] : memref<1007616xf32, #tpu.memory_space<hbm>> -> memref<4288xf32, #tpu.memory_space<hbm>>
        %dma_start3A_37 = tpu.memref_slice %arg2[%add3A_28] : memref<1007616xf32, #tpu.memory_space<hbm>> -> memref<4288xf32, #tpu.memory_space<hbm>>
        tpu.enqueue_dma source(%dma_start3A_37 : memref<4288xf32, #tpu.memory_space<hbm>>) target(%arg5 : memref<4288xf32, #tpu.memory_space<vmem>>) target_semaphore(%run_scoped3A : memref<!tpu.dma_semaphore, #tpu.memory_space<semaphore_mem>>)
        %dma_wait3A = tpu.memref_slice %arg2[%add3A_28] : memref<1007616xf32, #tpu.memory_space<hbm>> -> memref<4288xf32, #tpu.memory_space<hbm>>
        %dma_wait3A_38 = tpu.memref_slice %arg2[%add3A_28] : memref<1007616xf32, #tpu.memory_space<hbm>> -> memref<4288xf32, #tpu.memory_space<hbm>>
        tpu.wait_dma2 semaphore(%run_scoped3A : memref<!tpu.dma_semaphore, #tpu.memory_space<semaphore_mem>>) src(%dma_wait3A_38 : memref<4288xf32, #tpu.memory_space<hbm>>) dst(%arg5 : memref<4288xf32, #tpu.memory_space<vmem>>)
        tpu.yield
      }) : () -> ()
      %scan3A_29 = arith.constant 0 : i32
      %scan3A_30 = arith.constant 0 : i32
      %scan3A_31 = arith.constant 64 : i32
      %scan3A_32 = arith.addi %scan3A_30, %scan3A_31 : i32
      %scan3A_33 = arith.constant 1 : i32
      %scan3A_34 = scf.for %scan3A_37 = %scan3A_30 to %scan3A_32 step %scan3A_33 iter_args(%scan3A_38 = %scan3A_29) -> (i32)  : i32 {
        %add3A_39 = arith.addi %mul3A_2, %scan3A_37 : i32
        %mul3A_40 = arith.constant 1000000 : i32
        %mul3A_41 = arith.muli %add3A_39, %mul3A_40 : i32
        %add3A_42 = arith.constant 712704 : i32
        %add3A_43 = arith.addi %mul3A_41, %add3A_42 : i32
        %add3A_44 = arith.addi %add3A_43, %mul3A_26 : i32
        %scan3A_45 = arith.constant 0 : i32
        %scan3A_46 = arith.constant 67 : i32
        %scan3A_47 = arith.addi %scan3A_45, %scan3A_46 : i32
        %scan3A_48 = arith.constant 1 : i32
        %scan3A_49:8 = scf.for %scan3A_95 = %scan3A_45 to %scan3A_47 step %scan3A_48 iter_args(%scan3A_96 = %broadcast_in_dim3A_3, %scan3A_97 = %broadcast_in_dim3A_3, %scan3A_98 = %broadcast_in_dim3A_3, %scan3A_99 = %broadcast_in_dim3A_3, %scan3A_100 = %broadcast_in_dim3A_5, %scan3A_101 = %broadcast_in_dim3A_5, %scan3A_102 = %broadcast_in_dim3A_5, %scan3A_103 = %broadcast_in_dim3A_5) -> (vector<16xf32>, vector<16xf32>, vector<16xf32>, vector<16xf32>, vector<16xi32>, vector<16xi32>, vector<16xi32>, vector<16xi32>)  : i32 {
          %mul3A_104 = arith.constant 64 : i32
          %mul3A_105 = arith.muli %scan3A_95, %mul3A_104 : i32
          %add3A_106 = arith.constant 0 : i32
          %add3A_107 = arith.addi %mul3A_105, %add3A_106 : i32
          %add3A_108 = arith.addi %add3A_44, %add3A_107 : i32
          %add3A_109 = vector.broadcast %add3A_108 : i32 to vector<16xi32>
          %add3A_110 = arith.addi %iota3A, %add3A_109 : vector<16xi32>
          %add3A_111 = arith.constant 42 : i32
          %add3A_112 = vector.broadcast %add3A_111 : i32 to vector<16xi32>
          %add3A_113 = arith.addi %add3A_110, %add3A_112 : vector<16xi32>
          %shift_left3A = arith.constant 13 : i32
          %shift_left3A_114 = vector.broadcast %shift_left3A : i32 to vector<16xi32>
          %shift_left3A_115 = arith.shli %add3A_113, %shift_left3A_114 : vector<16xi32>
          %shift_right_logical3A = arith.constant 19 : i32
          %shift_right_logical3A_116 = vector.broadcast %shift_right_logical3A : i32 to vector<16xi32>
          %shift_right_logical3A_117 = arith.shrui %add3A_113, %shift_right_logical3A_116 : vector<16xi32>
          %or3A_118 = arith.ori %shift_left3A_115, %shift_right_logical3A_117 : vector<16xi32>
          %xor3A = arith.xori %or3A_118, %add3A_113 : vector<16xi32>
          %add3A_119 = arith.addi %add3A_113, %xor3A : vector<16xi32>
          %shift_left3A_120 = arith.constant 15 : i32
          %shift_left3A_121 = vector.broadcast %shift_left3A_120 : i32 to vector<16xi32>
          %shift_left3A_122 = arith.shli %xor3A, %shift_left3A_121 : vector<16xi32>
          %shift_right_logical3A_123 = arith.constant 17 : i32
          %shift_right_logical3A_124 = vector.broadcast %shift_right_logical3A_123 : i32 to vector<16xi32>
          %shift_right_logical3A_125 = arith.shrui %xor3A, %shift_right_logical3A_124 : vector<16xi32>
          %or3A_126 = arith.ori %shift_left3A_122, %shift_right_logical3A_125 : vector<16xi32>
          %xor3A_127 = arith.xori %or3A_126, %add3A_119 : vector<16xi32>
          %add3A_128 = arith.addi %add3A_119, %xor3A_127 : vector<16xi32>
          %shift_left3A_129 = arith.constant 26 : i32
          %shift_left3A_130 = vector.broadcast %shift_left3A_129 : i32 to vector<16xi32>
          %shift_left3A_131 = arith.shli %xor3A_127, %shift_left3A_130 : vector<16xi32>
          %shift_right_logical3A_132 = arith.constant 6 : i32
          %shift_right_logical3A_133 = vector.broadcast %shift_right_logical3A_132 : i32 to vector<16xi32>
          %shift_right_logical3A_134 = arith.shrui %xor3A_127, %shift_right_logical3A_133 : vector<16xi32>
          %or3A_135 = arith.ori %shift_left3A_131, %shift_right_logical3A_134 : vector<16xi32>
          %xor3A_136 = arith.xori %or3A_135, %add3A_128 : vector<16xi32>
          %add3A_137 = arith.addi %add3A_128, %xor3A_136 : vector<16xi32>
          %shift_left3A_138 = arith.constant 6 : i32
          %shift_left3A_139 = vector.broadcast %shift_left3A_138 : i32 to vector<16xi32>
          %shift_left3A_140 = arith.shli %xor3A_136, %shift_left3A_139 : vector<16xi32>
          %shift_right_logical3A_141 = arith.constant 26 : i32
          %shift_right_logical3A_142 = vector.broadcast %shift_right_logical3A_141 : i32 to vector<16xi32>
          %shift_right_logical3A_143 = arith.shrui %xor3A_136, %shift_right_logical3A_142 : vector<16xi32>
          %or3A_144 = arith.ori %shift_left3A_140, %shift_right_logical3A_143 : vector<16xi32>
          %xor3A_145 = arith.xori %or3A_144, %add3A_137 : vector<16xi32>
          %add3A_146 = arith.constant 42 : i32
          %add3A_147 = vector.broadcast %add3A_146 : i32 to vector<16xi32>
          %add3A_148 = arith.addi %add3A_137, %add3A_147 : vector<16xi32>
          %add3A_149 = arith.constant 466689009 : i32
          %add3A_150 = vector.broadcast %add3A_149 : i32 to vector<16xi32>
          %add3A_151 = arith.addi %xor3A_145, %add3A_150 : vector<16xi32>
          %add3A_152 = arith.addi %add3A_148, %add3A_151 : vector<16xi32>
          %shift_left3A_153 = arith.constant 17 : i32
          %shift_left3A_154 = vector.broadcast %shift_left3A_153 : i32 to vector<16xi32>
          %shift_left3A_155 = arith.shli %add3A_151, %shift_left3A_154 : vector<16xi32>
          %shift_right_logical3A_156 = arith.constant 15 : i32
          %shift_right_logical3A_157 = vector.broadcast %shift_right_logical3A_156 : i32 to vector<16xi32>
          %shift_right_logical3A_158 = arith.shrui %add3A_151, %shift_right_logical3A_157 : vector<16xi32>
          %or3A_159 = arith.ori %shift_left3A_155, %shift_right_logical3A_158 : vector<16xi32>
          %xor3A_160 = arith.xori %or3A_159, %add3A_152 : vector<16xi32>
          %add3A_161 = arith.addi %add3A_152, %xor3A_160 : vector<16xi32>
          %shift_left3A_162 = arith.constant 29 : i32
          %shift_left3A_163 = vector.broadcast %shift_left3A_162 : i32 to vector<16xi32>
          %shift_left3A_164 = arith.shli %xor3A_160, %shift_left3A_163 : vector<16xi32>
          %shift_right_logical3A_165 = arith.constant 3 : i32
          %shift_right_logical3A_166 = vector.broadcast %shift_right_logical3A_165 : i32 to vector<16xi32>
          %shift_right_logical3A_167 = arith.shrui %xor3A_160, %shift_right_logical3A_166 : vector<16xi32>
          %or3A_168 = arith.ori %shift_left3A_164, %shift_right_logical3A_167 : vector<16xi32>
          %xor3A_169 = arith.xori %or3A_168, %add3A_161 : vector<16xi32>
          %add3A_170 = arith.addi %add3A_161, %xor3A_169 : vector<16xi32>
          %shift_left3A_171 = arith.constant 16 : i32
          %shift_left3A_172 = vector.broadcast %shift_left3A_171 : i32 to vector<16xi32>
          %shift_left3A_173 = arith.shli %xor3A_169, %shift_left3A_172 : vector<16xi32>
          %shift_right_logical3A_174 = arith.constant 16 : i32
          %shift_right_logical3A_175 = vector.broadcast %shift_right_logical3A_174 : i32 to vector<16xi32>
          %shift_right_logical3A_176 = arith.shrui %xor3A_169, %shift_right_logical3A_175 : vector<16xi32>
          %or3A_177 = arith.ori %shift_left3A_173, %shift_right_logical3A_176 : vector<16xi32>
          %xor3A_178 = arith.xori %or3A_177, %add3A_170 : vector<16xi32>
          %add3A_179 = arith.addi %add3A_170, %xor3A_178 : vector<16xi32>
          %shift_left3A_180 = arith.constant 24 : i32
          %shift_left3A_181 = vector.broadcast %shift_left3A_180 : i32 to vector<16xi32>
          %shift_left3A_182 = arith.shli %xor3A_178, %shift_left3A_181 : vector<16xi32>
          %shift_right_logical3A_183 = arith.constant 8 : i32
          %shift_right_logical3A_184 = vector.broadcast %shift_right_logical3A_183 : i32 to vector<16xi32>
          %shift_right_logical3A_185 = arith.shrui %xor3A_178, %shift_right_logical3A_184 : vector<16xi32>
          %or3A_186 = arith.ori %shift_left3A_182, %shift_right_logical3A_185 : vector<16xi32>
          %xor3A_187 = arith.xori %or3A_186, %add3A_179 : vector<16xi32>
          %add3A_188 = arith.constant 466689008 : i32
          %add3A_189 = vector.broadcast %add3A_188 : i32 to vector<16xi32>
          %add3A_190 = arith.addi %add3A_179, %add3A_189 : vector<16xi32>
          %add3A_191 = arith.constant 2 : i32
          %add3A_192 = vector.broadcast %add3A_191 : i32 to vector<16xi32>
          %add3A_193 = arith.addi %xor3A_187, %add3A_192 : vector<16xi32>
          %add3A_194 = arith.addi %add3A_190, %add3A_193 : vector<16xi32>
          %shift_left3A_195 = arith.constant 13 : i32
          %shift_left3A_196 = vector.broadcast %shift_left3A_195 : i32 to vector<16xi32>
          %shift_left3A_197 = arith.shli %add3A_193, %shift_left3A_196 : vector<16xi32>
          %shift_right_logical3A_198 = arith.constant 19 : i32
          %shift_right_logical3A_199 = vector.broadcast %shift_right_logical3A_198 : i32 to vector<16xi32>
          %shift_right_logical3A_200 = arith.shrui %add3A_193, %shift_right_logical3A_199 : vector<16xi32>
          %or3A_201 = arith.ori %shift_left3A_197, %shift_right_logical3A_200 : vector<16xi32>
          %xor3A_202 = arith.xori %or3A_201, %add3A_194 : vector<16xi32>
          %add3A_203 = arith.addi %add3A_194, %xor3A_202 : vector<16xi32>
          %shift_left3A_204 = arith.constant 15 : i32
          %shift_left3A_205 = vector.broadcast %shift_left3A_204 : i32 to vector<16xi32>
          %shift_left3A_206 = arith.shli %xor3A_202, %shift_left3A_205 : vector<16xi32>
          %shift_right_logical3A_207 = arith.constant 17 : i32
          %shift_right_logical3A_208 = vector.broadcast %shift_right_logical3A_207 : i32 to vector<16xi32>
          %shift_right_logical3A_209 = arith.shrui %xor3A_202, %shift_right_logical3A_208 : vector<16xi32>
          %or3A_210 = arith.ori %shift_left3A_206, %shift_right_logical3A_209 : vector<16xi32>
          %xor3A_211 = arith.xori %or3A_210, %add3A_203 : vector<16xi32>
          %add3A_212 = arith.addi %add3A_203, %xor3A_211 : vector<16xi32>
          %shift_left3A_213 = arith.constant 26 : i32
          %shift_left3A_214 = vector.broadcast %shift_left3A_213 : i32 to vector<16xi32>
          %shift_left3A_215 = arith.shli %xor3A_211, %shift_left3A_214 : vector<16xi32>
          %shift_right_logical3A_216 = arith.constant 6 : i32
          %shift_right_logical3A_217 = vector.broadcast %shift_right_logical3A_216 : i32 to vector<16xi32>
          %shift_right_logical3A_218 = arith.shrui %xor3A_211, %shift_right_logical3A_217 : vector<16xi32>
          %or3A_219 = arith.ori %shift_left3A_215, %shift_right_logical3A_218 : vector<16xi32>
          %xor3A_220 = arith.xori %or3A_219, %add3A_212 : vector<16xi32>
          %add3A_221 = arith.addi %add3A_212, %xor3A_220 : vector<16xi32>
          %shift_left3A_222 = arith.constant 6 : i32
          %shift_left3A_223 = vector.broadcast %shift_left3A_222 : i32 to vector<16xi32>
          %shift_left3A_224 = arith.shli %xor3A_220, %shift_left3A_223 : vector<16xi32>
          %shift_right_logical3A_225 = arith.constant 26 : i32
          %shift_right_logical3A_226 = vector.broadcast %shift_right_logical3A_225 : i32 to vector<16xi32>
          %shift_right_logical3A_227 = arith.shrui %xor3A_220, %shift_right_logical3A_226 : vector<16xi32>
          %or3A_228 = arith.ori %shift_left3A_224, %shift_right_logical3A_227 : vector<16xi32>
          %xor3A_229 = arith.xori %or3A_228, %add3A_221 : vector<16xi32>
          %add3A_230 = arith.constant 45 : i32
          %add3A_231 = vector.broadcast %add3A_230 : i32 to vector<16xi32>
          %add3A_232 = arith.addi %xor3A_229, %add3A_231 : vector<16xi32>
          %add3A_233 = arith.addi %add3A_221, %add3A_232 : vector<16xi32>
          %shift_left3A_234 = arith.constant 17 : i32
          %shift_left3A_235 = vector.broadcast %shift_left3A_234 : i32 to vector<16xi32>
          %shift_left3A_236 = arith.shli %add3A_232, %shift_left3A_235 : vector<16xi32>
          %shift_right_logical3A_237 = arith.constant 15 : i32
          %shift_right_logical3A_238 = vector.broadcast %shift_right_logical3A_237 : i32 to vector<16xi32>
          %shift_right_logical3A_239 = arith.shrui %add3A_232, %shift_right_logical3A_238 : vector<16xi32>
          %or3A_240 = arith.ori %shift_left3A_236, %shift_right_logical3A_239 : vector<16xi32>
          %xor3A_241 = arith.xori %or3A_240, %add3A_233 : vector<16xi32>
          %add3A_242 = arith.addi %add3A_233, %xor3A_241 : vector<16xi32>
          %shift_left3A_243 = arith.constant 29 : i32
          %shift_left3A_244 = vector.broadcast %shift_left3A_243 : i32 to vector<16xi32>
          %shift_left3A_245 = arith.shli %xor3A_241, %shift_left3A_244 : vector<16xi32>
          %shift_right_logical3A_246 = arith.constant 3 : i32
          %shift_right_logical3A_247 = vector.broadcast %shift_right_logical3A_246 : i32 to vector<16xi32>
          %shift_right_logical3A_248 = arith.shrui %xor3A_241, %shift_right_logical3A_247 : vector<16xi32>
          %or3A_249 = arith.ori %shift_left3A_245, %shift_right_logical3A_248 : vector<16xi32>
          %xor3A_250 = arith.xori %or3A_249, %add3A_242 : vector<16xi32>
          %add3A_251 = arith.addi %add3A_242, %xor3A_250 : vector<16xi32>
          %shift_left3A_252 = arith.constant 16 : i32
          %shift_left3A_253 = vector.broadcast %shift_left3A_252 : i32 to vector<16xi32>
          %shift_left3A_254 = arith.shli %xor3A_250, %shift_left3A_253 : vector<16xi32>
          %shift_right_logical3A_255 = arith.constant 16 : i32
          %shift_right_logical3A_256 = vector.broadcast %shift_right_logical3A_255 : i32 to vector<16xi32>
          %shift_right_logical3A_257 = arith.shrui %xor3A_250, %shift_right_logical3A_256 : vector<16xi32>
          %or3A_258 = arith.ori %shift_left3A_254, %shift_right_logical3A_257 : vector<16xi32>
          %xor3A_259 = arith.xori %or3A_258, %add3A_251 : vector<16xi32>
          %add3A_260 = arith.addi %add3A_251, %xor3A_259 : vector<16xi32>
          %shift_left3A_261 = arith.constant 24 : i32
          %shift_left3A_262 = vector.broadcast %shift_left3A_261 : i32 to vector<16xi32>
          %shift_left3A_263 = arith.shli %xor3A_259, %shift_left3A_262 : vector<16xi32>
          %shift_right_logical3A_264 = arith.constant 8 : i32
          %shift_right_logical3A_265 = vector.broadcast %shift_right_logical3A_264 : i32 to vector<16xi32>
          %shift_right_logical3A_266 = arith.shrui %xor3A_259, %shift_right_logical3A_265 : vector<16xi32>
          %or3A_267 = arith.ori %shift_left3A_263, %shift_right_logical3A_266 : vector<16xi32>
          %xor3A_268 = arith.xori %or3A_267, %add3A_260 : vector<16xi32>
          %add3A_269 = arith.constant 42 : i32
          %add3A_270 = vector.broadcast %add3A_269 : i32 to vector<16xi32>
          %add3A_271 = arith.addi %add3A_260, %add3A_270 : vector<16xi32>
          %add3A_272 = arith.constant 466689012 : i32
          %add3A_273 = vector.broadcast %add3A_272 : i32 to vector<16xi32>
          %add3A_274 = arith.addi %xor3A_268, %add3A_273 : vector<16xi32>
          %add3A_275 = arith.addi %add3A_271, %add3A_274 : vector<16xi32>
          %shift_left3A_276 = arith.constant 13 : i32
          %shift_left3A_277 = vector.broadcast %shift_left3A_276 : i32 to vector<16xi32>
          %shift_left3A_278 = arith.shli %add3A_274, %shift_left3A_277 : vector<16xi32>
          %shift_right_logical3A_279 = arith.constant 19 : i32
          %shift_right_logical3A_280 = vector.broadcast %shift_right_logical3A_279 : i32 to vector<16xi32>
          %shift_right_logical3A_281 = arith.shrui %add3A_274, %shift_right_logical3A_280 : vector<16xi32>
          %or3A_282 = arith.ori %shift_left3A_278, %shift_right_logical3A_281 : vector<16xi32>
          %xor3A_283 = arith.xori %or3A_282, %add3A_275 : vector<16xi32>
          %add3A_284 = arith.addi %add3A_275, %xor3A_283 : vector<16xi32>
          %shift_left3A_285 = arith.constant 15 : i32
          %shift_left3A_286 = vector.broadcast %shift_left3A_285 : i32 to vector<16xi32>
          %shift_left3A_287 = arith.shli %xor3A_283, %shift_left3A_286 : vector<16xi32>
          %shift_right_logical3A_288 = arith.constant 17 : i32
          %shift_right_logical3A_289 = vector.broadcast %shift_right_logical3A_288 : i32 to vector<16xi32>
          %shift_right_logical3A_290 = arith.shrui %xor3A_283, %shift_right_logical3A_289 : vector<16xi32>
          %or3A_291 = arith.ori %shift_left3A_287, %shift_right_logical3A_290 : vector<16xi32>
          %xor3A_292 = arith.xori %or3A_291, %add3A_284 : vector<16xi32>
          %add3A_293 = arith.addi %add3A_284, %xor3A_292 : vector<16xi32>
          %shift_left3A_294 = arith.constant 26 : i32
          %shift_left3A_295 = vector.broadcast %shift_left3A_294 : i32 to vector<16xi32>
          %shift_left3A_296 = arith.shli %xor3A_292, %shift_left3A_295 : vector<16xi32>
          %shift_right_logical3A_297 = arith.constant 6 : i32
          %shift_right_logical3A_298 = vector.broadcast %shift_right_logical3A_297 : i32 to vector<16xi32>
          %shift_right_logical3A_299 = arith.shrui %xor3A_292, %shift_right_logical3A_298 : vector<16xi32>
          %or3A_300 = arith.ori %shift_left3A_296, %shift_right_logical3A_299 : vector<16xi32>
          %xor3A_301 = arith.xori %or3A_300, %add3A_293 : vector<16xi32>
          %add3A_302 = arith.addi %add3A_293, %xor3A_301 : vector<16xi32>
          %shift_left3A_303 = arith.constant 6 : i32
          %shift_left3A_304 = vector.broadcast %shift_left3A_303 : i32 to vector<16xi32>
          %shift_left3A_305 = arith.shli %xor3A_301, %shift_left3A_304 : vector<16xi32>
          %shift_right_logical3A_306 = arith.constant 26 : i32
          %shift_right_logical3A_307 = vector.broadcast %shift_right_logical3A_306 : i32 to vector<16xi32>
          %shift_right_logical3A_308 = arith.shrui %xor3A_301, %shift_right_logical3A_307 : vector<16xi32>
          %or3A_309 = arith.ori %shift_left3A_305, %shift_right_logical3A_308 : vector<16xi32>
          %xor3A_310 = arith.xori %or3A_309, %add3A_302 : vector<16xi32>
          %add3A_311 = arith.constant 466689008 : i32
          %add3A_312 = vector.broadcast %add3A_311 : i32 to vector<16xi32>
          %add3A_313 = arith.addi %add3A_302, %add3A_312 : vector<16xi32>
          %add3A_314 = arith.constant 5 : i32
          %add3A_315 = vector.broadcast %add3A_314 : i32 to vector<16xi32>
          %add3A_316 = arith.addi %xor3A_310, %add3A_315 : vector<16xi32>
          %xor3A_317 = arith.xori %add3A_313, %add3A_316 : vector<16xi32>
          %shift_right_logical3A_318 = arith.constant 9 : i32
          %shift_right_logical3A_319 = vector.broadcast %shift_right_logical3A_318 : i32 to vector<16xi32>
          %shift_right_logical3A_320 = arith.shrui %xor3A_317, %shift_right_logical3A_319 : vector<16xi32>
          %sub3A = arith.constant 8388608 : i32
          %sub3A_321 = vector.broadcast %sub3A : i32 to vector<16xi32>
          %sub3A_322 = arith.subi %sub3A_321, %shift_right_logical3A_320 : vector<16xi32>
          %convert_element_type3A = arith.uitofp %sub3A_322 : vector<16xi32> to vector<16xf32>
          %get3A_323 = arith.index_cast %add3A_107 : i32 to index
          %get3A_324 = tpu.vector_load %arg5[%get3A_323] {strides = array<i32>} : memref<4288xf32, #tpu.memory_space<vmem>>, vector<16xf32>,
          %get3A_325 = vector.shape_cast %get3A_324 : vector<16xf32> to vector<16xf32>
          %mul3A_326 = arith.mulf %convert_element_type3A, %get3A_325 : vector<16xf32>
          %xor3A_327 = arith.constant -2147483648 : i32
          %xor3A_328 = vector.broadcast %xor3A_327 : i32 to vector<16xi32>
          %xor3A_329 = arith.xori %add3A_110, %xor3A_328 : vector<16xi32>
          %bitcast_convert_type3A = tpu.bitcast %xor3A_329 : vector<16xi32> -> vector<16xi32>
          %lt3A_330 = arith.cmpf olt, %mul3A_326, %scan3A_96 : vector<16xf32>
          %select_n3A_331 = arith.select %lt3A_330, %mul3A_326, %scan3A_96 : vector<16xi1>, vector<16xf32>
          %select_n3A_332 = arith.select %lt3A_330, %bitcast_convert_type3A, %scan3A_100 : vector<16xi1>, vector<16xi32>
          %add3A_333 = arith.constant 16 : i32
          %add3A_334 = arith.addi %mul3A_105, %add3A_333 : i32
          %add3A_335 = arith.addi %add3A_44, %add3A_334 : i32
          %add3A_336 = vector.broadcast %add3A_335 : i32 to vector<16xi32>
          %add3A_337 = arith.addi %iota3A, %add3A_336 : vector<16xi32>
          %add3A_338 = arith.constant 42 : i32
          %add3A_339 = vector.broadcast %add3A_338 : i32 to vector<16xi32>
          %add3A_340 = arith.addi %add3A_337, %add3A_339 : vector<16xi32>
          %shift_left3A_341 = arith.constant 13 : i32
          %shift_left3A_342 = vector.broadcast %shift_left3A_341 : i32 to vector<16xi32>
          %shift_left3A_343 = arith.shli %add3A_340, %shift_left3A_342 : vector<16xi32>
          %shift_right_logical3A_344 = arith.constant 19 : i32
          %shift_right_logical3A_345 = vector.broadcast %shift_right_logical3A_344 : i32 to vector<16xi32>
          %shift_right_logical3A_346 = arith.shrui %add3A_340, %shift_right_logical3A_345 : vector<16xi32>
          %or3A_347 = arith.ori %shift_left3A_343, %shift_right_logical3A_346 : vector<16xi32>
          %xor3A_348 = arith.xori %or3A_347, %add3A_340 : vector<16xi32>
          %add3A_349 = arith.addi %add3A_340, %xor3A_348 : vector<16xi32>
          %shift_left3A_350 = arith.constant 15 : i32
          %shift_left3A_351 = vector.broadcast %shift_left3A_350 : i32 to vector<16xi32>
          %shift_left3A_352 = arith.shli %xor3A_348, %shift_left3A_351 : vector<16xi32>
          %shift_right_logical3A_353 = arith.constant 17 : i32
          %shift_right_logical3A_354 = vector.broadcast %shift_right_logical3A_353 : i32 to vector<16xi32>
          %shift_right_logical3A_355 = arith.shrui %xor3A_348, %shift_right_logical3A_354 : vector<16xi32>
          %or3A_356 = arith.ori %shift_left3A_352, %shift_right_logical3A_355 : vector<16xi32>
          %xor3A_357 = arith.xori %or3A_356, %add3A_349 : vector<16xi32>
          %add3A_358 = arith.addi %add3A_349, %xor3A_357 : vector<16xi32>
          %shift_left3A_359 = arith.constant 26 : i32
          %shift_left3A_360 = vector.broadcast %shift_left3A_359 : i32 to vector<16xi32>
          %shift_left3A_361 = arith.shli %xor3A_357, %shift_left3A_360 : vector<16xi32>
          %shift_right_logical3A_362 = arith.constant 6 : i32
          %shift_right_logical3A_363 = vector.broadcast %shift_right_logical3A_362 : i32 to vector<16xi32>
          %shift_right_logical3A_364 = arith.shrui %xor3A_357, %shift_right_logical3A_363 : vector<16xi32>
          %or3A_365 = arith.ori %shift_left3A_361, %shift_right_logical3A_364 : vector<16xi32>
          %xor3A_366 = arith.xori %or3A_365, %add3A_358 : vector<16xi32>
          %add3A_367 = arith.addi %add3A_358, %xor3A_366 : vector<16xi32>
          %shift_left3A_368 = arith.constant 6 : i32
          %shift_left3A_369 = vector.broadcast %shift_left3A_368 : i32 to vector<16xi32>
          %shift_left3A_370 = arith.shli %xor3A_366, %shift_left3A_369 : vector<16xi32>
          %shift_right_logical3A_371 = arith.constant 26 : i32
          %shift_right_logical3A_372 = vector.broadcast %shift_right_logical3A_371 : i32 to vector<16xi32>
          %shift_right_logical3A_373 = arith.shrui %xor3A_366, %shift_right_logical3A_372 : vector<16xi32>
          %or3A_374 = arith.ori %shift_left3A_370, %shift_right_logical3A_373 : vector<16xi32>
          %xor3A_375 = arith.xori %or3A_374, %add3A_367 : vector<16xi32>
          %add3A_376 = arith.constant 42 : i32
          %add3A_377 = vector.broadcast %add3A_376 : i32 to vector<16xi32>
          %add3A_378 = arith.addi %add3A_367, %add3A_377 : vector<16xi32>
          %add3A_379 = arith.constant 466689009 : i32
          %add3A_380 = vector.broadcast %add3A_379 : i32 to vector<16xi32>
          %add3A_381 = arith.addi %xor3A_375, %add3A_380 : vector<16xi32>
          %add3A_382 = arith.addi %add3A_378, %add3A_381 : vector<16xi32>
          %shift_left3A_383 = arith.constant 17 : i32
          %shift_left3A_384 = vector.broadcast %shift_left3A_383 : i32 to vector<16xi32>
          %shift_left3A_385 = arith.shli %add3A_381, %shift_left3A_384 : vector<16xi32>
          %shift_right_logical3A_386 = arith.constant 15 : i32
          %shift_right_logical3A_387 = vector.broadcast %shift_right_logical3A_386 : i32 to vector<16xi32>
          %shift_right_logical3A_388 = arith.shrui %add3A_381, %shift_right_logical3A_387 : vector<16xi32>
          %or3A_389 = arith.ori %shift_left3A_385, %shift_right_logical3A_388 : vector<16xi32>
          %xor3A_390 = arith.xori %or3A_389, %add3A_382 : vector<16xi32>
          %add3A_391 = arith.addi %add3A_382, %xor3A_390 : vector<16xi32>
          %shift_left3A_392 = arith.constant 29 : i32
          %shift_left3A_393 = vector.broadcast %shift_left3A_392 : i32 to vector<16xi32>
          %shift_left3A_394 = arith.shli %xor3A_390, %shift_left3A_393 : vector<16xi32>
          %shift_right_logical3A_395 = arith.constant 3 : i32
          %shift_right_logical3A_396 = vector.broadcast %shift_right_logical3A_395 : i32 to vector<16xi32>
          %shift_right_logical3A_397 = arith.shrui %xor3A_390, %shift_right_logical3A_396 : vector<16xi32>
          %or3A_398 = arith.ori %shift_left3A_394, %shift_right_logical3A_397 : vector<16xi32>
          %xor3A_399 = arith.xori %or3A_398, %add3A_391 : vector<16xi32>
          %add3A_400 = arith.addi %add3A_391, %xor3A_399 : vector<16xi32>
          %shift_left3A_401 = arith.constant 16 : i32
          %shift_left3A_402 = vector.broadcast %shift_left3A_401 : i32 to vector<16xi32>
          %shift_left3A_403 = arith.shli %xor3A_399, %shift_left3A_402 : vector<16xi32>
          %shift_right_logical3A_404 = arith.constant 16 : i32
          %shift_right_logical3A_405 = vector.broadcast %shift_right_logical3A_404 : i32 to vector<16xi32>
          %shift_right_logical3A_406 = arith.shrui %xor3A_399, %shift_right_logical3A_405 : vector<16xi32>
          %or3A_407 = arith.ori %shift_left3A_403, %shift_right_logical3A_406 : vector<16xi32>
          %xor3A_408 = arith.xori %or3A_407, %add3A_400 : vector<16xi32>
          %add3A_409 = arith.addi %add3A_400, %xor3A_408 : vector<16xi32>
          %shift_left3A_410 = arith.constant 24 : i32
          %shift_left3A_411 = vector.broadcast %shift_left3A_410 : i32 to vector<16xi32>
          %shift_left3A_412 = arith.shli %xor3A_408, %shift_left3A_411 : vector<16xi32>
          %shift_right_logical3A_413 = arith.constant 8 : i32
          %shift_right_logical3A_414 = vector.broadcast %shift_right_logical3A_413 : i32 to vector<16xi32>
          %shift_right_logical3A_415 = arith.shrui %xor3A_408, %shift_right_logical3A_414 : vector<16xi32>
          %or3A_416 = arith.ori %shift_left3A_412, %shift_right_logical3A_415 : vector<16xi32>
          %xor3A_417 = arith.xori %or3A_416, %add3A_409 : vector<16xi32>
          %add3A_418 = arith.constant 466689008 : i32
          %add3A_419 = vector.broadcast %add3A_418 : i32 to vector<16xi32>
          %add3A_420 = arith.addi %add3A_409, %add3A_419 : vector<16xi32>
          %add3A_421 = arith.constant 2 : i32
          %add3A_422 = vector.broadcast %add3A_421 : i32 to vector<16xi32>
          %add3A_423 = arith.addi %xor3A_417, %add3A_422 : vector<16xi32>
          %add3A_424 = arith.addi %add3A_420, %add3A_423 : vector<16xi32>
          %shift_left3A_425 = arith.constant 13 : i32
          %shift_left3A_426 = vector.broadcast %shift_left3A_425 : i32 to vector<16xi32>
          %shift_left3A_427 = arith.shli %add3A_423, %shift_left3A_426 : vector<16xi32>
          %shift_right_logical3A_428 = arith.constant 19 : i32
          %shift_right_logical3A_429 = vector.broadcast %shift_right_logical3A_428 : i32 to vector<16xi32>
          %shift_right_logical3A_430 = arith.shrui %add3A_423, %shift_right_logical3A_429 : vector<16xi32>
          %or3A_431 = arith.ori %shift_left3A_427, %shift_right_logical3A_430 : vector<16xi32>
          %xor3A_432 = arith.xori %or3A_431, %add3A_424 : vector<16xi32>
          %add3A_433 = arith.addi %add3A_424, %xor3A_432 : vector<16xi32>
          %shift_left3A_434 = arith.constant 15 : i32
          %shift_left3A_435 = vector.broadcast %shift_left3A_434 : i32 to vector<16xi32>
          %shift_left3A_436 = arith.shli %xor3A_432, %shift_left3A_435 : vector<16xi32>
          %shift_right_logical3A_437 = arith.constant 17 : i32
          %shift_right_logical3A_438 = vector.broadcast %shift_right_logical3A_437 : i32 to vector<16xi32>
          %shift_right_logical3A_439 = arith.shrui %xor3A_432, %shift_right_logical3A_438 : vector<16xi32>
          %or3A_440 = arith.ori %shift_left3A_436, %shift_right_logical3A_439 : vector<16xi32>
          %xor3A_441 = arith.xori %or3A_440, %add3A_433 : vector<16xi32>
          %add3A_442 = arith.addi %add3A_433, %xor3A_441 : vector<16xi32>
          %shift_left3A_443 = arith.constant 26 : i32
          %shift_left3A_444 = vector.broadcast %shift_left3A_443 : i32 to vector<16xi32>
          %shift_left3A_445 = arith.shli %xor3A_441, %shift_left3A_444 : vector<16xi32>
          %shift_right_logical3A_446 = arith.constant 6 : i32
          %shift_right_logical3A_447 = vector.broadcast %shift_right_logical3A_446 : i32 to vector<16xi32>
          %shift_right_logical3A_448 = arith.shrui %xor3A_441, %shift_right_logical3A_447 : vector<16xi32>
          %or3A_449 = arith.ori %shift_left3A_445, %shift_right_logical3A_448 : vector<16xi32>
          %xor3A_450 = arith.xori %or3A_449, %add3A_442 : vector<16xi32>
          %add3A_451 = arith.addi %add3A_442, %xor3A_450 : vector<16xi32>
          %shift_left3A_452 = arith.constant 6 : i32
          %shift_left3A_453 = vector.broadcast %shift_left3A_452 : i32 to vector<16xi32>
          %shift_left3A_454 = arith.shli %xor3A_450, %shift_left3A_453 : vector<16xi32>
          %shift_right_logical3A_455 = arith.constant 26 : i32
          %shift_right_logical3A_456 = vector.broadcast %shift_right_logical3A_455 : i32 to vector<16xi32>
          %shift_right_logical3A_457 = arith.shrui %xor3A_450, %shift_right_logical3A_456 : vector<16xi32>
          %or3A_458 = arith.ori %shift_left3A_454, %shift_right_logical3A_457 : vector<16xi32>
          %xor3A_459 = arith.xori %or3A_458, %add3A_451 : vector<16xi32>
          %add3A_460 = arith.constant 45 : i32
          %add3A_461 = vector.broadcast %add3A_460 : i32 to vector<16xi32>
          %add3A_462 = arith.addi %xor3A_459, %add3A_461 : vector<16xi32>
          %add3A_463 = arith.addi %add3A_451, %add3A_462 : vector<16xi32>
          %shift_left3A_464 = arith.constant 17 : i32
          %shift_left3A_465 = vector.broadcast %shift_left3A_464 : i32 to vector<16xi32>
          %shift_left3A_466 = arith.shli %add3A_462, %shift_left3A_465 : vector<16xi32>
          %shift_right_logical3A_467 = arith.constant 15 : i32
          %shift_right_logical3A_468 = vector.broadcast %shift_right_logical3A_467 : i32 to vector<16xi32>
          %shift_right_logical3A_469 = arith.shrui %add3A_462, %shift_right_logical3A_468 : vector<16xi32>
          %or3A_470 = arith.ori %shift_left3A_466, %shift_right_logical3A_469 : vector<16xi32>
          %xor3A_471 = arith.xori %or3A_470, %add3A_463 : vector<16xi32>
          %add3A_472 = arith.addi %add3A_463, %xor3A_471 : vector<16xi32>
          %shift_left3A_473 = arith.constant 29 : i32
          %shift_left3A_474 = vector.broadcast %shift_left3A_473 : i32 to vector<16xi32>
          %shift_left3A_475 = arith.shli %xor3A_471, %shift_left3A_474 : vector<16xi32>
          %shift_right_logical3A_476 = arith.constant 3 : i32
          %shift_right_logical3A_477 = vector.broadcast %shift_right_logical3A_476 : i32 to vector<16xi32>
          %shift_right_logical3A_478 = arith.shrui %xor3A_471, %shift_right_logical3A_477 : vector<16xi32>
          %or3A_479 = arith.ori %shift_left3A_475, %shift_right_logical3A_478 : vector<16xi32>
          %xor3A_480 = arith.xori %or3A_479, %add3A_472 : vector<16xi32>
          %add3A_481 = arith.addi %add3A_472, %xor3A_480 : vector<16xi32>
          %shift_left3A_482 = arith.constant 16 : i32
          %shift_left3A_483 = vector.broadcast %shift_left3A_482 : i32 to vector<16xi32>
          %shift_left3A_484 = arith.shli %xor3A_480, %shift_left3A_483 : vector<16xi32>
          %shift_right_logical3A_485 = arith.constant 16 : i32
          %shift_right_logical3A_486 = vector.broadcast %shift_right_logical3A_485 : i32 to vector<16xi32>
          %shift_right_logical3A_487 = arith.shrui %xor3A_480, %shift_right_logical3A_486 : vector<16xi32>
          %or3A_488 = arith.ori %shift_left3A_484, %shift_right_logical3A_487 : vector<16xi32>
          %xor3A_489 = arith.xori %or3A_488, %add3A_481 : vector<16xi32>
          %add3A_490 = arith.addi %add3A_481, %xor3A_489 : vector<16xi32>
          %shift_left3A_491 = arith.constant 24 : i32
          %shift_left3A_492 = vector.broadcast %shift_left3A_491 : i32 to vector<16xi32>
          %shift_left3A_493 = arith.shli %xor3A_489, %shift_left3A_492 : vector<16xi32>
          %shift_right_logical3A_494 = arith.constant 8 : i32
          %shift_right_logical3A_495 = vector.broadcast %shift_right_logical3A_494 : i32 to vector<16xi32>
          %shift_right_logical3A_496 = arith.shrui %xor3A_489, %shift_right_logical3A_495 : vector<16xi32>
          %or3A_497 = arith.ori %shift_left3A_493, %shift_right_logical3A_496 : vector<16xi32>
          %xor3A_498 = arith.xori %or3A_497, %add3A_490 : vector<16xi32>
          %add3A_499 = arith.constant 42 : i32
          %add3A_500 = vector.broadcast %add3A_499 : i32 to vector<16xi32>
          %add3A_501 = arith.addi %add3A_490, %add3A_500 : vector<16xi32>
          %add3A_502 = arith.constant 466689012 : i32
          %add3A_503 = vector.broadcast %add3A_502 : i32 to vector<16xi32>
          %add3A_504 = arith.addi %xor3A_498, %add3A_503 : vector<16xi32>
          %add3A_505 = arith.addi %add3A_501, %add3A_504 : vector<16xi32>
          %shift_left3A_506 = arith.constant 13 : i32
          %shift_left3A_507 = vector.broadcast %shift_left3A_506 : i32 to vector<16xi32>
          %shift_left3A_508 = arith.shli %add3A_504, %shift_left3A_507 : vector<16xi32>
          %shift_right_logical3A_509 = arith.constant 19 : i32
          %shift_right_logical3A_510 = vector.broadcast %shift_right_logical3A_509 : i32 to vector<16xi32>
          %shift_right_logical3A_511 = arith.shrui %add3A_504, %shift_right_logical3A_510 : vector<16xi32>
          %or3A_512 = arith.ori %shift_left3A_508, %shift_right_logical3A_511 : vector<16xi32>
          %xor3A_513 = arith.xori %or3A_512, %add3A_505 : vector<16xi32>
          %add3A_514 = arith.addi %add3A_505, %xor3A_513 : vector<16xi32>
          %shift_left3A_515 = arith.constant 15 : i32
          %shift_left3A_516 = vector.broadcast %shift_left3A_515 : i32 to vector<16xi32>
          %shift_left3A_517 = arith.shli %xor3A_513, %shift_left3A_516 : vector<16xi32>
          %shift_right_logical3A_518 = arith.constant 17 : i32
          %shift_right_logical3A_519 = vector.broadcast %shift_right_logical3A_518 : i32 to vector<16xi32>
          %shift_right_logical3A_520 = arith.shrui %xor3A_513, %shift_right_logical3A_519 : vector<16xi32>
          %or3A_521 = arith.ori %shift_left3A_517, %shift_right_logical3A_520 : vector<16xi32>
          %xor3A_522 = arith.xori %or3A_521, %add3A_514 : vector<16xi32>
          %add3A_523 = arith.addi %add3A_514, %xor3A_522 : vector<16xi32>
          %shift_left3A_524 = arith.constant 26 : i32
          %shift_left3A_525 = vector.broadcast %shift_left3A_524 : i32 to vector<16xi32>
          %shift_left3A_526 = arith.shli %xor3A_522, %shift_left3A_525 : vector<16xi32>
          %shift_right_logical3A_527 = arith.constant 6 : i32
          %shift_right_logical3A_528 = vector.broadcast %shift_right_logical3A_527 : i32 to vector<16xi32>
          %shift_right_logical3A_529 = arith.shrui %xor3A_522, %shift_right_logical3A_528 : vector<16xi32>
          %or3A_530 = arith.ori %shift_left3A_526, %shift_right_logical3A_529 : vector<16xi32>
          %xor3A_531 = arith.xori %or3A_530, %add3A_523 : vector<16xi32>
          %add3A_532 = arith.addi %add3A_523, %xor3A_531 : vector<16xi32>
          %shift_left3A_533 = arith.constant 6 : i32
          %shift_left3A_534 = vector.broadcast %shift_left3A_533 : i32 to vector<16xi32>
          %shift_left3A_535 = arith.shli %xor3A_531, %shift_left3A_534 : vector<16xi32>
          %shift_right_logical3A_536 = arith.constant 26 : i32
          %shift_right_logical3A_537 = vector.broadcast %shift_right_logical3A_536 : i32 to vector<16xi32>
          %shift_right_logical3A_538 = arith.shrui %xor3A_531, %shift_right_logical3A_537 : vector<16xi32>
          %or3A_539 = arith.ori %shift_left3A_535, %shift_right_logical3A_538 : vector<16xi32>
          %xor3A_540 = arith.xori %or3A_539, %add3A_532 : vector<16xi32>
          %add3A_541 = arith.constant 466689008 : i32
          %add3A_542 = vector.broadcast %add3A_541 : i32 to vector<16xi32>
          %add3A_543 = arith.addi %add3A_532, %add3A_542 : vector<16xi32>
          %add3A_544 = arith.constant 5 : i32
          %add3A_545 = vector.broadcast %add3A_544 : i32 to vector<16xi32>
          %add3A_546 = arith.addi %xor3A_540, %add3A_545 : vector<16xi32>
          %xor3A_547 = arith.xori %add3A_543, %add3A_546 : vector<16xi32>
          %shift_right_logical3A_548 = arith.constant 9 : i32
          %shift_right_logical3A_549 = vector.broadcast %shift_right_logical3A_548 : i32 to vector<16xi32>
          %shift_right_logical3A_550 = arith.shrui %xor3A_547, %shift_right_logical3A_549 : vector<16xi32>
          %sub3A_551 = arith.constant 8388608 : i32
          %sub3A_552 = vector.broadcast %sub3A_551 : i32 to vector<16xi32>
          %sub3A_553 = arith.subi %sub3A_552, %shift_right_logical3A_550 : vector<16xi32>
          %convert_element_type3A_554 = arith.uitofp %sub3A_553 : vector<16xi32> to vector<16xf32>
          %get3A_555 = arith.index_cast %add3A_334 : i32 to index
          %get3A_556 = tpu.vector_load %arg5[%get3A_555] {strides = array<i32>} : memref<4288xf32, #tpu.memory_space<vmem>>, vector<16xf32>,
          %get3A_557 = vector.shape_cast %get3A_556 : vector<16xf32> to vector<16xf32>
          %mul3A_558 = arith.mulf %convert_element_type3A_554, %get3A_557 : vector<16xf32>
          %xor3A_559 = arith.constant -2147483648 : i32
          %xor3A_560 = vector.broadcast %xor3A_559 : i32 to vector<16xi32>
          %xor3A_561 = arith.xori %add3A_337, %xor3A_560 : vector<16xi32>
          %bitcast_convert_type3A_562 = tpu.bitcast %xor3A_561 : vector<16xi32> -> vector<16xi32>
          %lt3A_563 = arith.cmpf olt, %mul3A_558, %scan3A_97 : vector<16xf32>
          %select_n3A_564 = arith.select %lt3A_563, %mul3A_558, %scan3A_97 : vector<16xi1>, vector<16xf32>
          %select_n3A_565 = arith.select %lt3A_563, %bitcast_convert_type3A_562, %scan3A_101 : vector<16xi1>, vector<16xi32>
          %add3A_566 = arith.constant 32 : i32
          %add3A_567 = arith.addi %mul3A_105, %add3A_566 : i32
          %add3A_568 = arith.addi %add3A_44, %add3A_567 : i32
          %add3A_569 = vector.broadcast %add3A_568 : i32 to vector<16xi32>
          %add3A_570 = arith.addi %iota3A, %add3A_569 : vector<16xi32>
          %add3A_571 = arith.constant 42 : i32
          %add3A_572 = vector.broadcast %add3A_571 : i32 to vector<16xi32>
          %add3A_573 = arith.addi %add3A_570, %add3A_572 : vector<16xi32>
          %shift_left3A_574 = arith.constant 13 : i32
          %shift_left3A_575 = vector.broadcast %shift_left3A_574 : i32 to vector<16xi32>
          %shift_left3A_576 = arith.shli %add3A_573, %shift_left3A_575 : vector<16xi32>
          %shift_right_logical3A_577 = arith.constant 19 : i32
          %shift_right_logical3A_578 = vector.broadcast %shift_right_logical3A_577 : i32 to vector<16xi32>
          %shift_right_logical3A_579 = arith.shrui %add3A_573, %shift_right_logical3A_578 : vector<16xi32>
          %or3A_580 = arith.ori %shift_left3A_576, %shift_right_logical3A_579 : vector<16xi32>
          %xor3A_581 = arith.xori %or3A_580, %add3A_573 : vector<16xi32>
          %add3A_582 = arith.addi %add3A_573, %xor3A_581 : vector<16xi32>
          %shift_left3A_583 = arith.constant 15 : i32
          %shift_left3A_584 = vector.broadcast %shift_left3A_583 : i32 to vector<16xi32>
          %shift_left3A_585 = arith.shli %xor3A_581, %shift_left3A_584 : vector<16xi32>
          %shift_right_logical3A_586 = arith.constant 17 : i32
          %shift_right_logical3A_587 = vector.broadcast %shift_right_logical3A_586 : i32 to vector<16xi32>
          %shift_right_logical3A_588 = arith.shrui %xor3A_581, %shift_right_logical3A_587 : vector<16xi32>
          %or3A_589 = arith.ori %shift_left3A_585, %shift_right_logical3A_588 : vector<16xi32>
          %xor3A_590 = arith.xori %or3A_589, %add3A_582 : vector<16xi32>
          %add3A_591 = arith.addi %add3A_582, %xor3A_590 : vector<16xi32>
          %shift_left3A_592 = arith.constant 26 : i32
          %shift_left3A_593 = vector.broadcast %shift_left3A_592 : i32 to vector<16xi32>
          %shift_left3A_594 = arith.shli %xor3A_590, %shift_left3A_593 : vector<16xi32>
          %shift_right_logical3A_595 = arith.constant 6 : i32
          %shift_right_logical3A_596 = vector.broadcast %shift_right_logical3A_595 : i32 to vector<16xi32>
          %shift_right_logical3A_597 = arith.shrui %xor3A_590, %shift_right_logical3A_596 : vector<16xi32>
          %or3A_598 = arith.ori %shift_left3A_594, %shift_right_logical3A_597 : vector<16xi32>
          %xor3A_599 = arith.xori %or3A_598, %add3A_591 : vector<16xi32>
          %add3A_600 = arith.addi %add3A_591, %xor3A_599 : vector<16xi32>
          %shift_left3A_601 = arith.constant 6 : i32
          %shift_left3A_602 = vector.broadcast %shift_left3A_601 : i32 to vector<16xi32>
          %shift_left3A_603 = arith.shli %xor3A_599, %shift_left3A_602 : vector<16xi32>
          %shift_right_logical3A_604 = arith.constant 26 : i32
          %shift_right_logical3A_605 = vector.broadcast %shift_right_logical3A_604 : i32 to vector<16xi32>
          %shift_right_logical3A_606 = arith.shrui %xor3A_599, %shift_right_logical3A_605 : vector<16xi32>
          %or3A_607 = arith.ori %shift_left3A_603, %shift_right_logical3A_606 : vector<16xi32>
          %xor3A_608 = arith.xori %or3A_607, %add3A_600 : vector<16xi32>
          %add3A_609 = arith.constant 42 : i32
          %add3A_610 = vector.broadcast %add3A_609 : i32 to vector<16xi32>
          %add3A_611 = arith.addi %add3A_600, %add3A_610 : vector<16xi32>
          %add3A_612 = arith.constant 466689009 : i32
          %add3A_613 = vector.broadcast %add3A_612 : i32 to vector<16xi32>
          %add3A_614 = arith.addi %xor3A_608, %add3A_613 : vector<16xi32>
          %add3A_615 = arith.addi %add3A_611, %add3A_614 : vector<16xi32>
          %shift_left3A_616 = arith.constant 17 : i32
          %shift_left3A_617 = vector.broadcast %shift_left3A_616 : i32 to vector<16xi32>
          %shift_left3A_618 = arith.shli %add3A_614, %shift_left3A_617 : vector<16xi32>
          %shift_right_logical3A_619 = arith.constant 15 : i32
          %shift_right_logical3A_620 = vector.broadcast %shift_right_logical3A_619 : i32 to vector<16xi32>
          %shift_right_logical3A_621 = arith.shrui %add3A_614, %shift_right_logical3A_620 : vector<16xi32>
          %or3A_622 = arith.ori %shift_left3A_618, %shift_right_logical3A_621 : vector<16xi32>
          %xor3A_623 = arith.xori %or3A_622, %add3A_615 : vector<16xi32>
          %add3A_624 = arith.addi %add3A_615, %xor3A_623 : vector<16xi32>
          %shift_left3A_625 = arith.constant 29 : i32
          %shift_left3A_626 = vector.broadcast %shift_left3A_625 : i32 to vector<16xi32>
          %shift_left3A_627 = arith.shli %xor3A_623, %shift_left3A_626 : vector<16xi32>
          %shift_right_logical3A_628 = arith.constant 3 : i32
          %shift_right_logical3A_629 = vector.broadcast %shift_right_logical3A_628 : i32 to vector<16xi32>
          %shift_right_logical3A_630 = arith.shrui %xor3A_623, %shift_right_logical3A_629 : vector<16xi32>
          %or3A_631 = arith.ori %shift_left3A_627, %shift_right_logical3A_630 : vector<16xi32>
          %xor3A_632 = arith.xori %or3A_631, %add3A_624 : vector<16xi32>
          %add3A_633 = arith.addi %add3A_624, %xor3A_632 : vector<16xi32>
          %shift_left3A_634 = arith.constant 16 : i32
          %shift_left3A_635 = vector.broadcast %shift_left3A_634 : i32 to vector<16xi32>
          %shift_left3A_636 = arith.shli %xor3A_632, %shift_left3A_635 : vector<16xi32>
          %shift_right_logical3A_637 = arith.constant 16 : i32
          %shift_right_logical3A_638 = vector.broadcast %shift_right_logical3A_637 : i32 to vector<16xi32>
          %shift_right_logical3A_639 = arith.shrui %xor3A_632, %shift_right_logical3A_638 : vector<16xi32>
          %or3A_640 = arith.ori %shift_left3A_636, %shift_right_logical3A_639 : vector<16xi32>
          %xor3A_641 = arith.xori %or3A_640, %add3A_633 : vector<16xi32>
          %add3A_642 = arith.addi %add3A_633, %xor3A_641 : vector<16xi32>
          %shift_left3A_643 = arith.constant 24 : i32
          %shift_left3A_644 = vector.broadcast %shift_left3A_643 : i32 to vector<16xi32>
          %shift_left3A_645 = arith.shli %xor3A_641, %shift_left3A_644 : vector<16xi32>
          %shift_right_logical3A_646 = arith.constant 8 : i32
          %shift_right_logical3A_647 = vector.broadcast %shift_right_logical3A_646 : i32 to vector<16xi32>
          %shift_right_logical3A_648 = arith.shrui %xor3A_641, %shift_right_logical3A_647 : vector<16xi32>
          %or3A_649 = arith.ori %shift_left3A_645, %shift_right_logical3A_648 : vector<16xi32>
          %xor3A_650 = arith.xori %or3A_649, %add3A_642 : vector<16xi32>
          %add3A_651 = arith.constant 466689008 : i32
          %add3A_652 = vector.broadcast %add3A_651 : i32 to vector<16xi32>
          %add3A_653 = arith.addi %add3A_642, %add3A_652 : vector<16xi32>
          %add3A_654 = arith.constant 2 : i32
          %add3A_655 = vector.broadcast %add3A_654 : i32 to vector<16xi32>
          %add3A_656 = arith.addi %xor3A_650, %add3A_655 : vector<16xi32>
          %add3A_657 = arith.addi %add3A_653, %add3A_656 : vector<16xi32>
          %shift_left3A_658 = arith.constant 13 : i32
          %shift_left3A_659 = vector.broadcast %shift_left3A_658 : i32 to vector<16xi32>
          %shift_left3A_660 = arith.shli %add3A_656, %shift_left3A_659 : vector<16xi32>
          %shift_right_logical3A_661 = arith.constant 19 : i32
          %shift_right_logical3A_662 = vector.broadcast %shift_right_logical3A_661 : i32 to vector<16xi32>
          %shift_right_logical3A_663 = arith.shrui %add3A_656, %shift_right_logical3A_662 : vector<16xi32>
          %or3A_664 = arith.ori %shift_left3A_660, %shift_right_logical3A_663 : vector<16xi32>
          %xor3A_665 = arith.xori %or3A_664, %add3A_657 : vector<16xi32>
          %add3A_666 = arith.addi %add3A_657, %xor3A_665 : vector<16xi32>
          %shift_left3A_667 = arith.constant 15 : i32
          %shift_left3A_668 = vector.broadcast %shift_left3A_667 : i32 to vector<16xi32>
          %shift_left3A_669 = arith.shli %xor3A_665, %shift_left3A_668 : vector<16xi32>
          %shift_right_logical3A_670 = arith.constant 17 : i32
          %shift_right_logical3A_671 = vector.broadcast %shift_right_logical3A_670 : i32 to vector<16xi32>
          %shift_right_logical3A_672 = arith.shrui %xor3A_665, %shift_right_logical3A_671 : vector<16xi32>
          %or3A_673 = arith.ori %shift_left3A_669, %shift_right_logical3A_672 : vector<16xi32>
          %xor3A_674 = arith.xori %or3A_673, %add3A_666 : vector<16xi32>
          %add3A_675 = arith.addi %add3A_666, %xor3A_674 : vector<16xi32>
          %shift_left3A_676 = arith.constant 26 : i32
          %shift_left3A_677 = vector.broadcast %shift_left3A_676 : i32 to vector<16xi32>
          %shift_left3A_678 = arith.shli %xor3A_674, %shift_left3A_677 : vector<16xi32>
          %shift_right_logical3A_679 = arith.constant 6 : i32
          %shift_right_logical3A_680 = vector.broadcast %shift_right_logical3A_679 : i32 to vector<16xi32>
          %shift_right_logical3A_681 = arith.shrui %xor3A_674, %shift_right_logical3A_680 : vector<16xi32>
          %or3A_682 = arith.ori %shift_left3A_678, %shift_right_logical3A_681 : vector<16xi32>
          %xor3A_683 = arith.xori %or3A_682, %add3A_675 : vector<16xi32>
          %add3A_684 = arith.addi %add3A_675, %xor3A_683 : vector<16xi32>
          %shift_left3A_685 = arith.constant 6 : i32
          %shift_left3A_686 = vector.broadcast %shift_left3A_685 : i32 to vector<16xi32>
          %shift_left3A_687 = arith.shli %xor3A_683, %shift_left3A_686 : vector<16xi32>
          %shift_right_logical3A_688 = arith.constant 26 : i32
          %shift_right_logical3A_689 = vector.broadcast %shift_right_logical3A_688 : i32 to vector<16xi32>
          %shift_right_logical3A_690 = arith.shrui %xor3A_683, %shift_right_logical3A_689 : vector<16xi32>
          %or3A_691 = arith.ori %shift_left3A_687, %shift_right_logical3A_690 : vector<16xi32>
          %xor3A_692 = arith.xori %or3A_691, %add3A_684 : vector<16xi32>
          %add3A_693 = arith.constant 45 : i32
          %add3A_694 = vector.broadcast %add3A_693 : i32 to vector<16xi32>
          %add3A_695 = arith.addi %xor3A_692, %add3A_694 : vector<16xi32>
          %add3A_696 = arith.addi %add3A_684, %add3A_695 : vector<16xi32>
          %shift_left3A_697 = arith.constant 17 : i32
          %shift_left3A_698 = vector.broadcast %shift_left3A_697 : i32 to vector<16xi32>
          %shift_left3A_699 = arith.shli %add3A_695, %shift_left3A_698 : vector<16xi32>
          %shift_right_logical3A_700 = arith.constant 15 : i32
          %shift_right_logical3A_701 = vector.broadcast %shift_right_logical3A_700 : i32 to vector<16xi32>
          %shift_right_logical3A_702 = arith.shrui %add3A_695, %shift_right_logical3A_701 : vector<16xi32>
          %or3A_703 = arith.ori %shift_left3A_699, %shift_right_logical3A_702 : vector<16xi32>
          %xor3A_704 = arith.xori %or3A_703, %add3A_696 : vector<16xi32>
          %add3A_705 = arith.addi %add3A_696, %xor3A_704 : vector<16xi32>
          %shift_left3A_706 = arith.constant 29 : i32
          %shift_left3A_707 = vector.broadcast %shift_left3A_706 : i32 to vector<16xi32>
          %shift_left3A_708 = arith.shli %xor3A_704, %shift_left3A_707 : vector<16xi32>
          %shift_right_logical3A_709 = arith.constant 3 : i32
          %shift_right_logical3A_710 = vector.broadcast %shift_right_logical3A_709 : i32 to vector<16xi32>
          %shift_right_logical3A_711 = arith.shrui %xor3A_704, %shift_right_logical3A_710 : vector<16xi32>
          %or3A_712 = arith.ori %shift_left3A_708, %shift_right_logical3A_711 : vector<16xi32>
          %xor3A_713 = arith.xori %or3A_712, %add3A_705 : vector<16xi32>
          %add3A_714 = arith.addi %add3A_705, %xor3A_713 : vector<16xi32>
          %shift_left3A_715 = arith.constant 16 : i32
          %shift_left3A_716 = vector.broadcast %shift_left3A_715 : i32 to vector<16xi32>
          %shift_left3A_717 = arith.shli %xor3A_713, %shift_left3A_716 : vector<16xi32>
          %shift_right_logical3A_718 = arith.constant 16 : i32
          %shift_right_logical3A_719 = vector.broadcast %shift_right_logical3A_718 : i32 to vector<16xi32>
          %shift_right_logical3A_720 = arith.shrui %xor3A_713, %shift_right_logical3A_719 : vector<16xi32>
          %or3A_721 = arith.ori %shift_left3A_717, %shift_right_logical3A_720 : vector<16xi32>
          %xor3A_722 = arith.xori %or3A_721, %add3A_714 : vector<16xi32>
          %add3A_723 = arith.addi %add3A_714, %xor3A_722 : vector<16xi32>
          %shift_left3A_724 = arith.constant 24 : i32
          %shift_left3A_725 = vector.broadcast %shift_left3A_724 : i32 to vector<16xi32>
          %shift_left3A_726 = arith.shli %xor3A_722, %shift_left3A_725 : vector<16xi32>
          %shift_right_logical3A_727 = arith.constant 8 : i32
          %shift_right_logical3A_728 = vector.broadcast %shift_right_logical3A_727 : i32 to vector<16xi32>
          %shift_right_logical3A_729 = arith.shrui %xor3A_722, %shift_right_logical3A_728 : vector<16xi32>
          %or3A_730 = arith.ori %shift_left3A_726, %shift_right_logical3A_729 : vector<16xi32>
          %xor3A_731 = arith.xori %or3A_730, %add3A_723 : vector<16xi32>
          %add3A_732 = arith.constant 42 : i32
          %add3A_733 = vector.broadcast %add3A_732 : i32 to vector<16xi32>
          %add3A_734 = arith.addi %add3A_723, %add3A_733 : vector<16xi32>
          %add3A_735 = arith.constant 466689012 : i32
          %add3A_736 = vector.broadcast %add3A_735 : i32 to vector<16xi32>
          %add3A_737 = arith.addi %xor3A_731, %add3A_736 : vector<16xi32>
          %add3A_738 = arith.addi %add3A_734, %add3A_737 : vector<16xi32>
          %shift_left3A_739 = arith.constant 13 : i32
          %shift_left3A_740 = vector.broadcast %shift_left3A_739 : i32 to vector<16xi32>
          %shift_left3A_741 = arith.shli %add3A_737, %shift_left3A_740 : vector<16xi32>
          %shift_right_logical3A_742 = arith.constant 19 : i32
          %shift_right_logical3A_743 = vector.broadcast %shift_right_logical3A_742 : i32 to vector<16xi32>
          %shift_right_logical3A_744 = arith.shrui %add3A_737, %shift_right_logical3A_743 : vector<16xi32>
          %or3A_745 = arith.ori %shift_left3A_741, %shift_right_logical3A_744 : vector<16xi32>
          %xor3A_746 = arith.xori %or3A_745, %add3A_738 : vector<16xi32>
          %add3A_747 = arith.addi %add3A_738, %xor3A_746 : vector<16xi32>
          %shift_left3A_748 = arith.constant 15 : i32
          %shift_left3A_749 = vector.broadcast %shift_left3A_748 : i32 to vector<16xi32>
          %shift_left3A_750 = arith.shli %xor3A_746, %shift_left3A_749 : vector<16xi32>
          %shift_right_logical3A_751 = arith.constant 17 : i32
          %shift_right_logical3A_752 = vector.broadcast %shift_right_logical3A_751 : i32 to vector<16xi32>
          %shift_right_logical3A_753 = arith.shrui %xor3A_746, %shift_right_logical3A_752 : vector<16xi32>
          %or3A_754 = arith.ori %shift_left3A_750, %shift_right_logical3A_753 : vector<16xi32>
          %xor3A_755 = arith.xori %or3A_754, %add3A_747 : vector<16xi32>
          %add3A_756 = arith.addi %add3A_747, %xor3A_755 : vector<16xi32>
          %shift_left3A_757 = arith.constant 26 : i32
          %shift_left3A_758 = vector.broadcast %shift_left3A_757 : i32 to vector<16xi32>
          %shift_left3A_759 = arith.shli %xor3A_755, %shift_left3A_758 : vector<16xi32>
          %shift_right_logical3A_760 = arith.constant 6 : i32
          %shift_right_logical3A_761 = vector.broadcast %shift_right_logical3A_760 : i32 to vector<16xi32>
          %shift_right_logical3A_762 = arith.shrui %xor3A_755, %shift_right_logical3A_761 : vector<16xi32>
          %or3A_763 = arith.ori %shift_left3A_759, %shift_right_logical3A_762 : vector<16xi32>
          %xor3A_764 = arith.xori %or3A_763, %add3A_756 : vector<16xi32>
          %add3A_765 = arith.addi %add3A_756, %xor3A_764 : vector<16xi32>
          %shift_left3A_766 = arith.constant 6 : i32
          %shift_left3A_767 = vector.broadcast %shift_left3A_766 : i32 to vector<16xi32>
          %shift_left3A_768 = arith.shli %xor3A_764, %shift_left3A_767 : vector<16xi32>
          %shift_right_logical3A_769 = arith.constant 26 : i32
          %shift_right_logical3A_770 = vector.broadcast %shift_right_logical3A_769 : i32 to vector<16xi32>
          %shift_right_logical3A_771 = arith.shrui %xor3A_764, %shift_right_logical3A_770 : vector<16xi32>
          %or3A_772 = arith.ori %shift_left3A_768, %shift_right_logical3A_771 : vector<16xi32>
          %xor3A_773 = arith.xori %or3A_772, %add3A_765 : vector<16xi32>
          %add3A_774 = arith.constant 466689008 : i32
          %add3A_775 = vector.broadcast %add3A_774 : i32 to vector<16xi32>
          %add3A_776 = arith.addi %add3A_765, %add3A_775 : vector<16xi32>
          %add3A_777 = arith.constant 5 : i32
          %add3A_778 = vector.broadcast %add3A_777 : i32 to vector<16xi32>
          %add3A_779 = arith.addi %xor3A_773, %add3A_778 : vector<16xi32>
          %xor3A_780 = arith.xori %add3A_776, %add3A_779 : vector<16xi32>
          %shift_right_logical3A_781 = arith.constant 9 : i32
          %shift_right_logical3A_782 = vector.broadcast %shift_right_logical3A_781 : i32 to vector<16xi32>
          %shift_right_logical3A_783 = arith.shrui %xor3A_780, %shift_right_logical3A_782 : vector<16xi32>
          %sub3A_784 = arith.constant 8388608 : i32
          %sub3A_785 = vector.broadcast %sub3A_784 : i32 to vector<16xi32>
          %sub3A_786 = arith.subi %sub3A_785, %shift_right_logical3A_783 : vector<16xi32>
          %convert_element_type3A_787 = arith.uitofp %sub3A_786 : vector<16xi32> to vector<16xf32>
          %get3A_788 = arith.index_cast %add3A_567 : i32 to index
          %get3A_789 = tpu.vector_load %arg5[%get3A_788] {strides = array<i32>} : memref<4288xf32, #tpu.memory_space<vmem>>, vector<16xf32>,
          %get3A_790 = vector.shape_cast %get3A_789 : vector<16xf32> to vector<16xf32>
          %mul3A_791 = arith.mulf %convert_element_type3A_787, %get3A_790 : vector<16xf32>
          %xor3A_792 = arith.constant -2147483648 : i32
          %xor3A_793 = vector.broadcast %xor3A_792 : i32 to vector<16xi32>
          %xor3A_794 = arith.xori %add3A_570, %xor3A_793 : vector<16xi32>
          %bitcast_convert_type3A_795 = tpu.bitcast %xor3A_794 : vector<16xi32> -> vector<16xi32>
          %lt3A_796 = arith.cmpf olt, %mul3A_791, %scan3A_98 : vector<16xf32>
          %select_n3A_797 = arith.select %lt3A_796, %mul3A_791, %scan3A_98 : vector<16xi1>, vector<16xf32>
          %select_n3A_798 = arith.select %lt3A_796, %bitcast_convert_type3A_795, %scan3A_102 : vector<16xi1>, vector<16xi32>
          %add3A_799 = arith.constant 48 : i32
          %add3A_800 = arith.addi %mul3A_105, %add3A_799 : i32
          %add3A_801 = arith.addi %add3A_44, %add3A_800 : i32
          %add3A_802 = vector.broadcast %add3A_801 : i32 to vector<16xi32>
          %add3A_803 = arith.addi %iota3A, %add3A_802 : vector<16xi32>
          %add3A_804 = arith.constant 42 : i32
          %add3A_805 = vector.broadcast %add3A_804 : i32 to vector<16xi32>
          %add3A_806 = arith.addi %add3A_803, %add3A_805 : vector<16xi32>
          %shift_left3A_807 = arith.constant 13 : i32
          %shift_left3A_808 = vector.broadcast %shift_left3A_807 : i32 to vector<16xi32>
          %shift_left3A_809 = arith.shli %add3A_806, %shift_left3A_808 : vector<16xi32>
          %shift_right_logical3A_810 = arith.constant 19 : i32
          %shift_right_logical3A_811 = vector.broadcast %shift_right_logical3A_810 : i32 to vector<16xi32>
          %shift_right_logical3A_812 = arith.shrui %add3A_806, %shift_right_logical3A_811 : vector<16xi32>
          %or3A_813 = arith.ori %shift_left3A_809, %shift_right_logical3A_812 : vector<16xi32>
          %xor3A_814 = arith.xori %or3A_813, %add3A_806 : vector<16xi32>
          %add3A_815 = arith.addi %add3A_806, %xor3A_814 : vector<16xi32>
          %shift_left3A_816 = arith.constant 15 : i32
          %shift_left3A_817 = vector.broadcast %shift_left3A_816 : i32 to vector<16xi32>
          %shift_left3A_818 = arith.shli %xor3A_814, %shift_left3A_817 : vector<16xi32>
          %shift_right_logical3A_819 = arith.constant 17 : i32
          %shift_right_logical3A_820 = vector.broadcast %shift_right_logical3A_819 : i32 to vector<16xi32>
          %shift_right_logical3A_821 = arith.shrui %xor3A_814, %shift_right_logical3A_820 : vector<16xi32>
          %or3A_822 = arith.ori %shift_left3A_818, %shift_right_logical3A_821 : vector<16xi32>
          %xor3A_823 = arith.xori %or3A_822, %add3A_815 : vector<16xi32>
          %add3A_824 = arith.addi %add3A_815, %xor3A_823 : vector<16xi32>
          %shift_left3A_825 = arith.constant 26 : i32
          %shift_left3A_826 = vector.broadcast %shift_left3A_825 : i32 to vector<16xi32>
          %shift_left3A_827 = arith.shli %xor3A_823, %shift_left3A_826 : vector<16xi32>
          %shift_right_logical3A_828 = arith.constant 6 : i32
          %shift_right_logical3A_829 = vector.broadcast %shift_right_logical3A_828 : i32 to vector<16xi32>
          %shift_right_logical3A_830 = arith.shrui %xor3A_823, %shift_right_logical3A_829 : vector<16xi32>
          %or3A_831 = arith.ori %shift_left3A_827, %shift_right_logical3A_830 : vector<16xi32>
          %xor3A_832 = arith.xori %or3A_831, %add3A_824 : vector<16xi32>
          %add3A_833 = arith.addi %add3A_824, %xor3A_832 : vector<16xi32>
          %shift_left3A_834 = arith.constant 6 : i32
          %shift_left3A_835 = vector.broadcast %shift_left3A_834 : i32 to vector<16xi32>
          %shift_left3A_836 = arith.shli %xor3A_832, %shift_left3A_835 : vector<16xi32>
          %shift_right_logical3A_837 = arith.constant 26 : i32
          %shift_right_logical3A_838 = vector.broadcast %shift_right_logical3A_837 : i32 to vector<16xi32>
          %shift_right_logical3A_839 = arith.shrui %xor3A_832, %shift_right_logical3A_838 : vector<16xi32>
          %or3A_840 = arith.ori %shift_left3A_836, %shift_right_logical3A_839 : vector<16xi32>
          %xor3A_841 = arith.xori %or3A_840, %add3A_833 : vector<16xi32>
          %add3A_842 = arith.constant 42 : i32
          %add3A_843 = vector.broadcast %add3A_842 : i32 to vector<16xi32>
          %add3A_844 = arith.addi %add3A_833, %add3A_843 : vector<16xi32>
          %add3A_845 = arith.constant 466689009 : i32
          %add3A_846 = vector.broadcast %add3A_845 : i32 to vector<16xi32>
          %add3A_847 = arith.addi %xor3A_841, %add3A_846 : vector<16xi32>
          %add3A_848 = arith.addi %add3A_844, %add3A_847 : vector<16xi32>
          %shift_left3A_849 = arith.constant 17 : i32
          %shift_left3A_850 = vector.broadcast %shift_left3A_849 : i32 to vector<16xi32>
          %shift_left3A_851 = arith.shli %add3A_847, %shift_left3A_850 : vector<16xi32>
          %shift_right_logical3A_852 = arith.constant 15 : i32
          %shift_right_logical3A_853 = vector.broadcast %shift_right_logical3A_852 : i32 to vector<16xi32>
          %shift_right_logical3A_854 = arith.shrui %add3A_847, %shift_right_logical3A_853 : vector<16xi32>
          %or3A_855 = arith.ori %shift_left3A_851, %shift_right_logical3A_854 : vector<16xi32>
          %xor3A_856 = arith.xori %or3A_855, %add3A_848 : vector<16xi32>
          %add3A_857 = arith.addi %add3A_848, %xor3A_856 : vector<16xi32>
          %shift_left3A_858 = arith.constant 29 : i32
          %shift_left3A_859 = vector.broadcast %shift_left3A_858 : i32 to vector<16xi32>
          %shift_left3A_860 = arith.shli %xor3A_856, %shift_left3A_859 : vector<16xi32>
          %shift_right_logical3A_861 = arith.constant 3 : i32
          %shift_right_logical3A_862 = vector.broadcast %shift_right_logical3A_861 : i32 to vector<16xi32>
          %shift_right_logical3A_863 = arith.shrui %xor3A_856, %shift_right_logical3A_862 : vector<16xi32>
          %or3A_864 = arith.ori %shift_left3A_860, %shift_right_logical3A_863 : vector<16xi32>
          %xor3A_865 = arith.xori %or3A_864, %add3A_857 : vector<16xi32>
          %add3A_866 = arith.addi %add3A_857, %xor3A_865 : vector<16xi32>
          %shift_left3A_867 = arith.constant 16 : i32
          %shift_left3A_868 = vector.broadcast %shift_left3A_867 : i32 to vector<16xi32>
          %shift_left3A_869 = arith.shli %xor3A_865, %shift_left3A_868 : vector<16xi32>
          %shift_right_logical3A_870 = arith.constant 16 : i32
          %shift_right_logical3A_871 = vector.broadcast %shift_right_logical3A_870 : i32 to vector<16xi32>
          %shift_right_logical3A_872 = arith.shrui %xor3A_865, %shift_right_logical3A_871 : vector<16xi32>
          %or3A_873 = arith.ori %shift_left3A_869, %shift_right_logical3A_872 : vector<16xi32>
          %xor3A_874 = arith.xori %or3A_873, %add3A_866 : vector<16xi32>
          %add3A_875 = arith.addi %add3A_866, %xor3A_874 : vector<16xi32>
          %shift_left3A_876 = arith.constant 24 : i32
          %shift_left3A_877 = vector.broadcast %shift_left3A_876 : i32 to vector<16xi32>
          %shift_left3A_878 = arith.shli %xor3A_874, %shift_left3A_877 : vector<16xi32>
          %shift_right_logical3A_879 = arith.constant 8 : i32
          %shift_right_logical3A_880 = vector.broadcast %shift_right_logical3A_879 : i32 to vector<16xi32>
          %shift_right_logical3A_881 = arith.shrui %xor3A_874, %shift_right_logical3A_880 : vector<16xi32>
          %or3A_882 = arith.ori %shift_left3A_878, %shift_right_logical3A_881 : vector<16xi32>
          %xor3A_883 = arith.xori %or3A_882, %add3A_875 : vector<16xi32>
          %add3A_884 = arith.constant 466689008 : i32
          %add3A_885 = vector.broadcast %add3A_884 : i32 to vector<16xi32>
          %add3A_886 = arith.addi %add3A_875, %add3A_885 : vector<16xi32>
          %add3A_887 = arith.constant 2 : i32
          %add3A_888 = vector.broadcast %add3A_887 : i32 to vector<16xi32>
          %add3A_889 = arith.addi %xor3A_883, %add3A_888 : vector<16xi32>
          %add3A_890 = arith.addi %add3A_886, %add3A_889 : vector<16xi32>
          %shift_left3A_891 = arith.constant 13 : i32
          %shift_left3A_892 = vector.broadcast %shift_left3A_891 : i32 to vector<16xi32>
          %shift_left3A_893 = arith.shli %add3A_889, %shift_left3A_892 : vector<16xi32>
          %shift_right_logical3A_894 = arith.constant 19 : i32
          %shift_right_logical3A_895 = vector.broadcast %shift_right_logical3A_894 : i32 to vector<16xi32>
          %shift_right_logical3A_896 = arith.shrui %add3A_889, %shift_right_logical3A_895 : vector<16xi32>
          %or3A_897 = arith.ori %shift_left3A_893, %shift_right_logical3A_896 : vector<16xi32>
          %xor3A_898 = arith.xori %or3A_897, %add3A_890 : vector<16xi32>
          %add3A_899 = arith.addi %add3A_890, %xor3A_898 : vector<16xi32>
          %shift_left3A_900 = arith.constant 15 : i32
          %shift_left3A_901 = vector.broadcast %shift_left3A_900 : i32 to vector<16xi32>
          %shift_left3A_902 = arith.shli %xor3A_898, %shift_left3A_901 : vector<16xi32>
          %shift_right_logical3A_903 = arith.constant 17 : i32
          %shift_right_logical3A_904 = vector.broadcast %shift_right_logical3A_903 : i32 to vector<16xi32>
          %shift_right_logical3A_905 = arith.shrui %xor3A_898, %shift_right_logical3A_904 : vector<16xi32>
          %or3A_906 = arith.ori %shift_left3A_902, %shift_right_logical3A_905 : vector<16xi32>
          %xor3A_907 = arith.xori %or3A_906, %add3A_899 : vector<16xi32>
          %add3A_908 = arith.addi %add3A_899, %xor3A_907 : vector<16xi32>
          %shift_left3A_909 = arith.constant 26 : i32
          %shift_left3A_910 = vector.broadcast %shift_left3A_909 : i32 to vector<16xi32>
          %shift_left3A_911 = arith.shli %xor3A_907, %shift_left3A_910 : vector<16xi32>
          %shift_right_logical3A_912 = arith.constant 6 : i32
          %shift_right_logical3A_913 = vector.broadcast %shift_right_logical3A_912 : i32 to vector<16xi32>
          %shift_right_logical3A_914 = arith.shrui %xor3A_907, %shift_right_logical3A_913 : vector<16xi32>
          %or3A_915 = arith.ori %shift_left3A_911, %shift_right_logical3A_914 : vector<16xi32>
          %xor3A_916 = arith.xori %or3A_915, %add3A_908 : vector<16xi32>
          %add3A_917 = arith.addi %add3A_908, %xor3A_916 : vector<16xi32>
          %shift_left3A_918 = arith.constant 6 : i32
          %shift_left3A_919 = vector.broadcast %shift_left3A_918 : i32 to vector<16xi32>
          %shift_left3A_920 = arith.shli %xor3A_916, %shift_left3A_919 : vector<16xi32>
          %shift_right_logical3A_921 = arith.constant 26 : i32
          %shift_right_logical3A_922 = vector.broadcast %shift_right_logical3A_921 : i32 to vector<16xi32>
          %shift_right_logical3A_923 = arith.shrui %xor3A_916, %shift_right_logical3A_922 : vector<16xi32>
          %or3A_924 = arith.ori %shift_left3A_920, %shift_right_logical3A_923 : vector<16xi32>
          %xor3A_925 = arith.xori %or3A_924, %add3A_917 : vector<16xi32>
          %add3A_926 = arith.constant 45 : i32
          %add3A_927 = vector.broadcast %add3A_926 : i32 to vector<16xi32>
          %add3A_928 = arith.addi %xor3A_925, %add3A_927 : vector<16xi32>
          %add3A_929 = arith.addi %add3A_917, %add3A_928 : vector<16xi32>
          %shift_left3A_930 = arith.constant 17 : i32
          %shift_left3A_931 = vector.broadcast %shift_left3A_930 : i32 to vector<16xi32>
          %shift_left3A_932 = arith.shli %add3A_928, %shift_left3A_931 : vector<16xi32>
          %shift_right_logical3A_933 = arith.constant 15 : i32
          %shift_right_logical3A_934 = vector.broadcast %shift_right_logical3A_933 : i32 to vector<16xi32>
          %shift_right_logical3A_935 = arith.shrui %add3A_928, %shift_right_logical3A_934 : vector<16xi32>
          %or3A_936 = arith.ori %shift_left3A_932, %shift_right_logical3A_935 : vector<16xi32>
          %xor3A_937 = arith.xori %or3A_936, %add3A_929 : vector<16xi32>
          %add3A_938 = arith.addi %add3A_929, %xor3A_937 : vector<16xi32>
          %shift_left3A_939 = arith.constant 29 : i32
          %shift_left3A_940 = vector.broadcast %shift_left3A_939 : i32 to vector<16xi32>
          %shift_left3A_941 = arith.shli %xor3A_937, %shift_left3A_940 : vector<16xi32>
          %shift_right_logical3A_942 = arith.constant 3 : i32
          %shift_right_logical3A_943 = vector.broadcast %shift_right_logical3A_942 : i32 to vector<16xi32>
          %shift_right_logical3A_944 = arith.shrui %xor3A_937, %shift_right_logical3A_943 : vector<16xi32>
          %or3A_945 = arith.ori %shift_left3A_941, %shift_right_logical3A_944 : vector<16xi32>
          %xor3A_946 = arith.xori %or3A_945, %add3A_938 : vector<16xi32>
          %add3A_947 = arith.addi %add3A_938, %xor3A_946 : vector<16xi32>
          %shift_left3A_948 = arith.constant 16 : i32
          %shift_left3A_949 = vector.broadcast %shift_left3A_948 : i32 to vector<16xi32>
          %shift_left3A_950 = arith.shli %xor3A_946, %shift_left3A_949 : vector<16xi32>
          %shift_right_logical3A_951 = arith.constant 16 : i32
          %shift_right_logical3A_952 = vector.broadcast %shift_right_logical3A_951 : i32 to vector<16xi32>
          %shift_right_logical3A_953 = arith.shrui %xor3A_946, %shift_right_logical3A_952 : vector<16xi32>
          %or3A_954 = arith.ori %shift_left3A_950, %shift_right_logical3A_953 : vector<16xi32>
          %xor3A_955 = arith.xori %or3A_954, %add3A_947 : vector<16xi32>
          %add3A_956 = arith.addi %add3A_947, %xor3A_955 : vector<16xi32>
          %shift_left3A_957 = arith.constant 24 : i32
          %shift_left3A_958 = vector.broadcast %shift_left3A_957 : i32 to vector<16xi32>
          %shift_left3A_959 = arith.shli %xor3A_955, %shift_left3A_958 : vector<16xi32>
          %shift_right_logical3A_960 = arith.constant 8 : i32
          %shift_right_logical3A_961 = vector.broadcast %shift_right_logical3A_960 : i32 to vector<16xi32>
          %shift_right_logical3A_962 = arith.shrui %xor3A_955, %shift_right_logical3A_961 : vector<16xi32>
          %or3A_963 = arith.ori %shift_left3A_959, %shift_right_logical3A_962 : vector<16xi32>
          %xor3A_964 = arith.xori %or3A_963, %add3A_956 : vector<16xi32>
          %add3A_965 = arith.constant 42 : i32
          %add3A_966 = vector.broadcast %add3A_965 : i32 to vector<16xi32>
          %add3A_967 = arith.addi %add3A_956, %add3A_966 : vector<16xi32>
          %add3A_968 = arith.constant 466689012 : i32
          %add3A_969 = vector.broadcast %add3A_968 : i32 to vector<16xi32>
          %add3A_970 = arith.addi %xor3A_964, %add3A_969 : vector<16xi32>
          %add3A_971 = arith.addi %add3A_967, %add3A_970 : vector<16xi32>
          %shift_left3A_972 = arith.constant 13 : i32
          %shift_left3A_973 = vector.broadcast %shift_left3A_972 : i32 to vector<16xi32>
          %shift_left3A_974 = arith.shli %add3A_970, %shift_left3A_973 : vector<16xi32>
          %shift_right_logical3A_975 = arith.constant 19 : i32
          %shift_right_logical3A_976 = vector.broadcast %shift_right_logical3A_975 : i32 to vector<16xi32>
          %shift_right_logical3A_977 = arith.shrui %add3A_970, %shift_right_logical3A_976 : vector<16xi32>
          %or3A_978 = arith.ori %shift_left3A_974, %shift_right_logical3A_977 : vector<16xi32>
          %xor3A_979 = arith.xori %or3A_978, %add3A_971 : vector<16xi32>
          %add3A_980 = arith.addi %add3A_971, %xor3A_979 : vector<16xi32>
          %shift_left3A_981 = arith.constant 15 : i32
          %shift_left3A_982 = vector.broadcast %shift_left3A_981 : i32 to vector<16xi32>
          %shift_left3A_983 = arith.shli %xor3A_979, %shift_left3A_982 : vector<16xi32>
          %shift_right_logical3A_984 = arith.constant 17 : i32
          %shift_right_logical3A_985 = vector.broadcast %shift_right_logical3A_984 : i32 to vector<16xi32>
          %shift_right_logical3A_986 = arith.shrui %xor3A_979, %shift_right_logical3A_985 : vector<16xi32>
          %or3A_987 = arith.ori %shift_left3A_983, %shift_right_logical3A_986 : vector<16xi32>
          %xor3A_988 = arith.xori %or3A_987, %add3A_980 : vector<16xi32>
          %add3A_989 = arith.addi %add3A_980, %xor3A_988 : vector<16xi32>
          %shift_left3A_990 = arith.constant 26 : i32
          %shift_left3A_991 = vector.broadcast %shift_left3A_990 : i32 to vector<16xi32>
          %shift_left3A_992 = arith.shli %xor3A_988, %shift_left3A_991 : vector<16xi32>
          %shift_right_logical3A_993 = arith.constant 6 : i32
          %shift_right_logical3A_994 = vector.broadcast %shift_right_logical3A_993 : i32 to vector<16xi32>
          %shift_right_logical3A_995 = arith.shrui %xor3A_988, %shift_right_logical3A_994 : vector<16xi32>
          %or3A_996 = arith.ori %shift_left3A_992, %shift_right_logical3A_995 : vector<16xi32>
          %xor3A_997 = arith.xori %or3A_996, %add3A_989 : vector<16xi32>
          %add3A_998 = arith.addi %add3A_989, %xor3A_997 : vector<16xi32>
          %shift_left3A_999 = arith.constant 6 : i32
          %shift_left3A_1000 = vector.broadcast %shift_left3A_999 : i32 to vector<16xi32>
          %shift_left3A_1001 = arith.shli %xor3A_997, %shift_left3A_1000 : vector<16xi32>
          %shift_right_logical3A_1002 = arith.constant 26 : i32
          %shift_right_logical3A_1003 = vector.broadcast %shift_right_logical3A_1002 : i32 to vector<16xi32>
          %shift_right_logical3A_1004 = arith.shrui %xor3A_997, %shift_right_logical3A_1003 : vector<16xi32>
          %or3A_1005 = arith.ori %shift_left3A_1001, %shift_right_logical3A_1004 : vector<16xi32>
          %xor3A_1006 = arith.xori %or3A_1005, %add3A_998 : vector<16xi32>
          %add3A_1007 = arith.constant 466689008 : i32
          %add3A_1008 = vector.broadcast %add3A_1007 : i32 to vector<16xi32>
          %add3A_1009 = arith.addi %add3A_998, %add3A_1008 : vector<16xi32>
          %add3A_1010 = arith.constant 5 : i32
          %add3A_1011 = vector.broadcast %add3A_1010 : i32 to vector<16xi32>
          %add3A_1012 = arith.addi %xor3A_1006, %add3A_1011 : vector<16xi32>
          %xor3A_1013 = arith.xori %add3A_1009, %add3A_1012 : vector<16xi32>
          %shift_right_logical3A_1014 = arith.constant 9 : i32
          %shift_right_logical3A_1015 = vector.broadcast %shift_right_logical3A_1014 : i32 to vector<16xi32>
          %shift_right_logical3A_1016 = arith.shrui %xor3A_1013, %shift_right_logical3A_1015 : vector<16xi32>
          %sub3A_1017 = arith.constant 8388608 : i32
          %sub3A_1018 = vector.broadcast %sub3A_1017 : i32 to vector<16xi32>
          %sub3A_1019 = arith.subi %sub3A_1018, %shift_right_logical3A_1016 : vector<16xi32>
          %convert_element_type3A_1020 = arith.uitofp %sub3A_1019 : vector<16xi32> to vector<16xf32>
          %get3A_1021 = arith.index_cast %add3A_800 : i32 to index
          %get3A_1022 = tpu.vector_load %arg5[%get3A_1021] {strides = array<i32>} : memref<4288xf32, #tpu.memory_space<vmem>>, vector<16xf32>,
          %get3A_1023 = vector.shape_cast %get3A_1022 : vector<16xf32> to vector<16xf32>
          %mul3A_1024 = arith.mulf %convert_element_type3A_1020, %get3A_1023 : vector<16xf32>
          %xor3A_1025 = arith.constant -2147483648 : i32
          %xor3A_1026 = vector.broadcast %xor3A_1025 : i32 to vector<16xi32>
          %xor3A_1027 = arith.xori %add3A_803, %xor3A_1026 : vector<16xi32>
          %bitcast_convert_type3A_1028 = tpu.bitcast %xor3A_1027 : vector<16xi32> -> vector<16xi32>
          %lt3A_1029 = arith.cmpf olt, %mul3A_1024, %scan3A_99 : vector<16xf32>
          %select_n3A_1030 = arith.select %lt3A_1029, %mul3A_1024, %scan3A_99 : vector<16xi1>, vector<16xf32>
          %select_n3A_1031 = arith.select %lt3A_1029, %bitcast_convert_type3A_1028, %scan3A_103 : vector<16xi1>, vector<16xi32>
          scf.yield %select_n3A_331, %select_n3A_564, %select_n3A_797, %select_n3A_1030, %select_n3A_332, %select_n3A_565, %select_n3A_798, %select_n3A_1031 : vector<16xf32>, vector<16xf32>, vector<16xf32>, vector<16xf32>, vector<16xi32>, vector<16xi32>, vector<16xi32>, vector<16xi32>
        }
        %scan3A_50 = arith.constant 67 : i32
        %lt3A = arith.cmpf olt, %scan3A_49#1, %scan3A_49#0 : vector<16xf32>
        %eq3A = arith.cmpf oeq, %scan3A_49#1, %scan3A_49#0 : vector<16xf32>
        %lt3A_51 = arith.cmpi slt, %scan3A_49#5, %scan3A_49#4 : vector<16xi32>
        %and3A = arith.andi %eq3A, %lt3A_51 : vector<16xi1>
        %or3A = arith.ori %lt3A, %and3A : vector<16xi1>
        %select_n3A = arith.select %or3A, %scan3A_49#1, %scan3A_49#0 : vector<16xi1>, vector<16xf32>
        %select_n3A_52 = arith.select %or3A, %scan3A_49#5, %scan3A_49#4 : vector<16xi1>, vector<16xi32>
        %lt3A_53 = arith.cmpf olt, %scan3A_49#3, %scan3A_49#2 : vector<16xf32>
        %eq3A_54 = arith.cmpf oeq, %scan3A_49#3, %scan3A_49#2 : vector<16xf32>
        %lt3A_55 = arith.cmpi slt, %scan3A_49#7, %scan3A_49#6 : vector<16xi32>
        %and3A_56 = arith.andi %eq3A_54, %lt3A_55 : vector<16xi1>
        %or3A_57 = arith.ori %lt3A_53, %and3A_56 : vector<16xi1>
        %select_n3A_58 = arith.select %or3A_57, %scan3A_49#3, %scan3A_49#2 : vector<16xi1>, vector<16xf32>
        %select_n3A_59 = arith.select %or3A_57, %scan3A_49#7, %scan3A_49#6 : vector<16xi1>, vector<16xi32>
        %lt3A_60 = arith.cmpf olt, %select_n3A_58, %select_n3A : vector<16xf32>
        %eq3A_61 = arith.cmpf oeq, %select_n3A_58, %select_n3A : vector<16xf32>
        %lt3A_62 = arith.cmpi slt, %select_n3A_59, %select_n3A_52 : vector<16xi32>
        %and3A_63 = arith.andi %eq3A_61, %lt3A_62 : vector<16xi1>
        %or3A_64 = arith.ori %lt3A_60, %and3A_63 : vector<16xi1>
        %select_n3A_65 = arith.select %or3A_64, %select_n3A_58, %select_n3A : vector<16xi1>, vector<16xf32>
        %select_n3A_66 = arith.select %or3A_64, %select_n3A_59, %select_n3A_52 : vector<16xi1>, vector<16xi32>
        %mul3A_67 = arith.constant 16 : i32
        %mul3A_68 = arith.muli %scan3A_37, %mul3A_67 : i32
        %get3A = arith.index_cast %mul3A_68 : i32 to index
        %get3A_69 = tpu.vector_load %arg6[%get3A] {strides = array<i32>} : memref<1024xf32, #tpu.memory_space<vmem>>, vector<16xf32>,
        %get3A_70 = vector.shape_cast %get3A_69 : vector<16xf32> to vector<16xf32>
        %mul3A_71 = arith.constant 16 : i32
        %mul3A_72 = arith.muli %scan3A_37, %mul3A_71 : i32
        %get3A_73 = arith.index_cast %mul3A_72 : i32 to index
        %get3A_74 = tpu.vector_load %arg7[%get3A_73] {strides = array<i32>} : memref<1024xi32, #tpu.memory_space<vmem>>, vector<16xi32>,
        %get3A_75 = vector.shape_cast %get3A_74 : vector<16xi32> to vector<16xi32>
        %lt3A_76 = arith.cmpf olt, %select_n3A_65, %get3A_70 : vector<16xf32>
        %eq3A_77 = arith.cmpf oeq, %select_n3A_65, %get3A_70 : vector<16xf32>
        %lt3A_78 = arith.cmpi slt, %select_n3A_66, %get3A_75 : vector<16xi32>
        %and3A_79 = arith.andi %eq3A_77, %lt3A_78 : vector<16xi1>
        %or3A_80 = arith.ori %lt3A_76, %and3A_79 : vector<16xi1>
        %select_n3A_81 = arith.select %or3A_80, %select_n3A_65, %get3A_70 : vector<16xi1>, vector<16xf32>
        %select_n3A_82 = arith.select %or3A_80, %select_n3A_66, %get3A_75 : vector<16xi1>, vector<16xi32>
        %mul3A_83 = arith.constant 16 : i32
        %mul3A_84 = arith.muli %scan3A_37, %mul3A_83 : i32
        %swap3A = arith.index_cast %mul3A_84 : i32 to index
        %swap3A_85 = tpu.vector_load %arg6[%swap3A] {strides = array<i32>} : memref<1024xf32, #tpu.memory_space<vmem>>, vector<16xf32>,
        %swap3A_86 = vector.shape_cast %swap3A_85 : vector<16xf32> to vector<16xf32>
        %swap3A_87 = vector.shape_cast %select_n3A_81 : vector<16xf32> to vector<16xf32>
        tpu.vector_store %arg6[%swap3A], %swap3A_87 {strides = array<i32>} : memref<1024xf32, #tpu.memory_space<vmem>>, vector<16xf32>,
        %mul3A_88 = arith.constant 16 : i32
        %mul3A_89 = arith.muli %scan3A_37, %mul3A_88 : i32
        %swap3A_90 = arith.index_cast %mul3A_89 : i32 to index
        %swap3A_91 = tpu.vector_load %arg7[%swap3A_90] {strides = array<i32>} : memref<1024xi32, #tpu.memory_space<vmem>>, vector<16xi32>,
        %swap3A_92 = vector.shape_cast %swap3A_91 : vector<16xi32> to vector<16xi32>
        %swap3A_93 = vector.shape_cast %select_n3A_82 : vector<16xi32> to vector<16xi32>
        tpu.vector_store %arg7[%swap3A_90], %swap3A_93 {strides = array<i32>} : memref<1024xi32, #tpu.memory_space<vmem>>, vector<16xi32>,
        %scan3A_94 = arith.constant 0 : i32
        scf.yield %scan3A_94 : i32
      }
      %scan3A_35 = arith.constant 64 : i32
      %scan3A_36 = arith.constant 0 : i32
      scf.yield %scan3A_36 : i32
    }
    %scan3A_18 = arith.constant 67 : i32
    %mul3A_19 = arith.constant 16 : i32
    %mul3A_20 = arith.muli %mul3A_2, %mul3A_19 : i32
    "tpu.region"() ({
      %run_scoped3A = tpu.sem_alloc : memref<!tpu.dma_semaphore, #tpu.memory_space<semaphore_mem>>
      %dma_start3A = tpu.memref_slice %arg3[%mul3A_20] : memref<32768xf32, #tpu.memory_space<hbm>> -> memref<1024xf32, #tpu.memory_space<hbm>>
      %dma_start3A_23 = tpu.memref_slice %arg3[%mul3A_20] : memref<32768xf32, #tpu.memory_space<hbm>> -> memref<1024xf32, #tpu.memory_space<hbm>>
      tpu.enqueue_dma source(%arg6 : memref<1024xf32, #tpu.memory_space<vmem>>) target(%dma_start3A_23 : memref<1024xf32, #tpu.memory_space<hbm>>) target_semaphore(%run_scoped3A : memref<!tpu.dma_semaphore, #tpu.memory_space<semaphore_mem>>)
      %dma_wait3A = tpu.memref_slice %arg3[%mul3A_20] : memref<32768xf32, #tpu.memory_space<hbm>> -> memref<1024xf32, #tpu.memory_space<hbm>>
      %dma_wait3A_24 = tpu.memref_slice %arg3[%mul3A_20] : memref<32768xf32, #tpu.memory_space<hbm>> -> memref<1024xf32, #tpu.memory_space<hbm>>
      tpu.wait_dma2 semaphore(%run_scoped3A : memref<!tpu.dma_semaphore, #tpu.memory_space<semaphore_mem>>) src(%arg6 : memref<1024xf32, #tpu.memory_space<vmem>>) dst(%dma_wait3A_24 : memref<1024xf32, #tpu.memory_space<hbm>>)
      tpu.yield
    }) : () -> ()
    %mul3A_21 = arith.constant 16 : i32
    %mul3A_22 = arith.muli %mul3A_2, %mul3A_21 : i32
    "tpu.region"() ({
      %run_scoped3A = tpu.sem_alloc : memref<!tpu.dma_semaphore, #tpu.memory_space<semaphore_mem>>
      %dma_start3A = tpu.memref_slice %arg4[%mul3A_22] : memref<32768xi32, #tpu.memory_space<hbm>> -> memref<1024xi32, #tpu.memory_space<hbm>>
      %dma_start3A_23 = tpu.memref_slice %arg4[%mul3A_22] : memref<32768xi32, #tpu.memory_space<hbm>> -> memref<1024xi32, #tpu.memory_space<hbm>>
      tpu.enqueue_dma source(%arg7 : memref<1024xi32, #tpu.memory_space<vmem>>) target(%dma_start3A_23 : memref<1024xi32, #tpu.memory_space<hbm>>) target_semaphore(%run_scoped3A : memref<!tpu.dma_semaphore, #tpu.memory_space<semaphore_mem>>)
      %dma_wait3A = tpu.memref_slice %arg4[%mul3A_22] : memref<32768xi32, #tpu.memory_space<hbm>> -> memref<1024xi32, #tpu.memory_space<hbm>>
      %dma_wait3A_24 = tpu.memref_slice %arg4[%mul3A_22] : memref<32768xi32, #tpu.memory_space<hbm>> -> memref<1024xi32, #tpu.memory_space<hbm>>
      tpu.wait_dma2 semaphore(%run_scoped3A : memref<!tpu.dma_semaphore, #tpu.memory_space<semaphore_mem>>) src(%arg7 : memref<1024xi32, #tpu.memory_space<vmem>>) dst(%dma_wait3A_24 : memref<1024xi32, #tpu.memory_space<hbm>>)
      tpu.yield
    }) : () -> ()
    return
  }
}

#map = affine_map<(d0, d1) -> (0, 0)>
#map1 = affine_map<(d0, d1) -> (0)>
module attributes {stable_mosaic.version = 14 : i64} {
  func.func @k(%arg0: i32, %arg1: i32, %arg2: memref<1000000x16xf32, #tpu.memory_space<hbm>>, %arg3: memref<1000000xf32, #tpu.memory_space<hbm>>, %arg4: memref<2048xi32, #tpu.memory_space<hbm>>, %arg5: memref<2048x16xf32, #tpu.memory_space<hbm>>, %arg6: memref<2048xf32, #tpu.memory_space<hbm>>, %arg7: memref<64xi32, #tpu.memory_space<vmem>>, %arg8: memref<64x16xf32, #tpu.memory_space<vmem>>, %arg9: memref<64xf32, #tpu.memory_space<vmem>>, %arg10: memref<!tpu.dma_semaphore, #tpu.memory_space<semaphore_mem>>, %arg11: memref<!tpu.dma_semaphore, #tpu.memory_space<semaphore_mem>>) attributes {dimension_semantics = [#tpu.dimension_semantics<core_parallel>, #tpu.dimension_semantics<subcore_parallel>], iteration_bounds = array<i64: 2, 16>, scalar_prefetch = 0 : i64, scratch_operands = 5 : i64, tpu.core_type = #tpu.core_type<sc_vector_subcore>, window_params = [{transform_indices = #map}, {transform_indices = #map1}, {transform_indices = #map1}, {transform_indices = #map}, {transform_indices = #map1}]} {
    %mul3A = arith.constant 2 : i32
    %mul3A_0 = arith.muli %arg1, %mul3A : i32
    %add3A = arith.addi %mul3A_0, %arg0 : i32
    %mul3A_1 = arith.constant 64 : i32
    %mul3A_2 = arith.muli %add3A, %mul3A_1 : i32
    "tpu.region"() ({
      %run_scoped3A = tpu.sem_alloc : memref<!tpu.dma_semaphore, #tpu.memory_space<semaphore_mem>>
      %dma_start3A_11 = tpu.memref_slice %arg4[%mul3A_2] : memref<2048xi32, #tpu.memory_space<hbm>> -> memref<64xi32, #tpu.memory_space<hbm>>
      %dma_start3A_12 = tpu.memref_slice %arg4[%mul3A_2] : memref<2048xi32, #tpu.memory_space<hbm>> -> memref<64xi32, #tpu.memory_space<hbm>>
      tpu.enqueue_dma source(%dma_start3A_12 : memref<64xi32, #tpu.memory_space<hbm>>) target(%arg7 : memref<64xi32, #tpu.memory_space<vmem>>) target_semaphore(%run_scoped3A : memref<!tpu.dma_semaphore, #tpu.memory_space<semaphore_mem>>)
      %dma_wait3A_13 = tpu.memref_slice %arg4[%mul3A_2] : memref<2048xi32, #tpu.memory_space<hbm>> -> memref<64xi32, #tpu.memory_space<hbm>>
      %dma_wait3A_14 = tpu.memref_slice %arg4[%mul3A_2] : memref<2048xi32, #tpu.memory_space<hbm>> -> memref<64xi32, #tpu.memory_space<hbm>>
      tpu.wait_dma2 semaphore(%run_scoped3A : memref<!tpu.dma_semaphore, #tpu.memory_space<semaphore_mem>>) src(%dma_wait3A_14 : memref<64xi32, #tpu.memory_space<hbm>>) dst(%arg7 : memref<64xi32, #tpu.memory_space<vmem>>)
      tpu.yield
    }) : () -> ()
    %dma_start3A = arith.constant 0 : i32
    %dma_start3A_3 = arith.constant 0 : i32
    %dma_start3A_4 = tpu.memref_slice %arg2[%dma_start3A, %dma_start3A_3] : memref<1000000x16xf32, #tpu.memory_space<hbm>> -> memref<1000000x16xf32, #tpu.memory_space<hbm>>
    tpu.enqueue_indirect_dma source(%dma_start3A_4 : memref<1000000x16xf32, #tpu.memory_space<hbm>>) target(%arg8 : memref<64x16xf32, #tpu.memory_space<vmem>>) offsets(%arg7 : memref<64xi32, #tpu.memory_space<vmem>>) semaphore(%arg10 : memref<!tpu.dma_semaphore, #tpu.memory_space<semaphore_mem>>)
    %dma_start3A_5 = arith.constant 0 : i32
    %dma_start3A_6 = tpu.memref_slice %arg3[%dma_start3A_5] : memref<1000000xf32, #tpu.memory_space<hbm>> -> memref<1000000xf32, #tpu.memory_space<hbm>>
    tpu.enqueue_indirect_dma source(%dma_start3A_6 : memref<1000000xf32, #tpu.memory_space<hbm>>) target(%arg9 : memref<64xf32, #tpu.memory_space<vmem>>) offsets(%arg7 : memref<64xi32, #tpu.memory_space<vmem>>) semaphore(%arg11 : memref<!tpu.dma_semaphore, #tpu.memory_space<semaphore_mem>>)
    %dma_wait3A = arith.constant 0 : i32
    %dma_wait3A_7 = arith.constant 0 : i32
    %dma_wait3A_8 = tpu.memref_slice %arg2[%dma_wait3A, %dma_wait3A_7] : memref<1000000x16xf32, #tpu.memory_space<hbm>> -> memref<1000000x16xf32, #tpu.memory_space<hbm>>
    tpu.wait_indirect_dma semaphore(%arg10 : memref<!tpu.dma_semaphore, #tpu.memory_space<semaphore_mem>>) src(%dma_wait3A_8 : memref<1000000x16xf32, #tpu.memory_space<hbm>>) dst(%arg8 : memref<64x16xf32, #tpu.memory_space<vmem>>)
    %dma_wait3A_9 = arith.constant 0 : i32
    %dma_wait3A_10 = tpu.memref_slice %arg3[%dma_wait3A_9] : memref<1000000xf32, #tpu.memory_space<hbm>> -> memref<1000000xf32, #tpu.memory_space<hbm>>
    tpu.wait_indirect_dma semaphore(%arg11 : memref<!tpu.dma_semaphore, #tpu.memory_space<semaphore_mem>>) src(%dma_wait3A_10 : memref<1000000xf32, #tpu.memory_space<hbm>>) dst(%arg9 : memref<64xf32, #tpu.memory_space<vmem>>)
    "tpu.region"() ({
      %run_scoped3A = tpu.sem_alloc : memref<!tpu.dma_semaphore, #tpu.memory_space<semaphore_mem>>
      %dma_start3A_11 = arith.constant 0 : i32
      %dma_start3A_12 = tpu.memref_slice %arg5[%mul3A_2, %dma_start3A_11] : memref<2048x16xf32, #tpu.memory_space<hbm>> -> memref<64x16xf32, #tpu.memory_space<hbm>>
      %dma_start3A_13 = arith.constant 0 : i32
      %dma_start3A_14 = tpu.memref_slice %arg5[%mul3A_2, %dma_start3A_13] : memref<2048x16xf32, #tpu.memory_space<hbm>> -> memref<64x16xf32, #tpu.memory_space<hbm>>
      tpu.enqueue_dma source(%arg8 : memref<64x16xf32, #tpu.memory_space<vmem>>) target(%dma_start3A_14 : memref<64x16xf32, #tpu.memory_space<hbm>>) target_semaphore(%run_scoped3A : memref<!tpu.dma_semaphore, #tpu.memory_space<semaphore_mem>>)
      %dma_wait3A_15 = arith.constant 0 : i32
      %dma_wait3A_16 = tpu.memref_slice %arg5[%mul3A_2, %dma_wait3A_15] : memref<2048x16xf32, #tpu.memory_space<hbm>> -> memref<64x16xf32, #tpu.memory_space<hbm>>
      %dma_wait3A_17 = arith.constant 0 : i32
      %dma_wait3A_18 = tpu.memref_slice %arg5[%mul3A_2, %dma_wait3A_17] : memref<2048x16xf32, #tpu.memory_space<hbm>> -> memref<64x16xf32, #tpu.memory_space<hbm>>
      tpu.wait_dma2 semaphore(%run_scoped3A : memref<!tpu.dma_semaphore, #tpu.memory_space<semaphore_mem>>) src(%arg8 : memref<64x16xf32, #tpu.memory_space<vmem>>) dst(%dma_wait3A_18 : memref<64x16xf32, #tpu.memory_space<hbm>>)
      tpu.yield
    }) : () -> ()
    "tpu.region"() ({
      %run_scoped3A = tpu.sem_alloc : memref<!tpu.dma_semaphore, #tpu.memory_space<semaphore_mem>>
      %dma_start3A_11 = tpu.memref_slice %arg6[%mul3A_2] : memref<2048xf32, #tpu.memory_space<hbm>> -> memref<64xf32, #tpu.memory_space<hbm>>
      %dma_start3A_12 = tpu.memref_slice %arg6[%mul3A_2] : memref<2048xf32, #tpu.memory_space<hbm>> -> memref<64xf32, #tpu.memory_space<hbm>>
      tpu.enqueue_dma source(%arg9 : memref<64xf32, #tpu.memory_space<vmem>>) target(%dma_start3A_12 : memref<64xf32, #tpu.memory_space<hbm>>) target_semaphore(%run_scoped3A : memref<!tpu.dma_semaphore, #tpu.memory_space<semaphore_mem>>)
      %dma_wait3A_13 = tpu.memref_slice %arg6[%mul3A_2] : memref<2048xf32, #tpu.memory_space<hbm>> -> memref<64xf32, #tpu.memory_space<hbm>>
      %dma_wait3A_14 = tpu.memref_slice %arg6[%mul3A_2] : memref<2048xf32, #tpu.memory_space<hbm>> -> memref<64xf32, #tpu.memory_space<hbm>>
      tpu.wait_dma2 semaphore(%run_scoped3A : memref<!tpu.dma_semaphore, #tpu.memory_space<semaphore_mem>>) src(%arg9 : memref<64xf32, #tpu.memory_space<vmem>>) dst(%dma_wait3A_14 : memref<64xf32, #tpu.memory_space<hbm>>)
      tpu.yield
    }) : () -> ()
    return
  }
}

#map = affine_map<(d0, d1) -> (0, 0)>
#map1 = affine_map<(d0, d1) -> (0)>
module attributes {stable_mosaic.version = 14 : i64} {
  func.func @k(%arg0: i32, %arg1: i32, %arg2: memref<1000000x16xf32, #tpu.memory_space<hbm>>, %arg3: memref<1000000xf32, #tpu.memory_space<hbm>>, %arg4: memref<16384xi32, #tpu.memory_space<hbm>>, %arg5: memref<16384x16xf32, #tpu.memory_space<hbm>>, %arg6: memref<16384xf32, #tpu.memory_space<hbm>>, %arg7: memref<512xi32, #tpu.memory_space<vmem>>, %arg8: memref<512x16xf32, #tpu.memory_space<vmem>>, %arg9: memref<512xf32, #tpu.memory_space<vmem>>, %arg10: memref<!tpu.dma_semaphore, #tpu.memory_space<semaphore_mem>>, %arg11: memref<!tpu.dma_semaphore, #tpu.memory_space<semaphore_mem>>) attributes {dimension_semantics = [#tpu.dimension_semantics<core_parallel>, #tpu.dimension_semantics<subcore_parallel>], iteration_bounds = array<i64: 2, 16>, scalar_prefetch = 0 : i64, scratch_operands = 5 : i64, tpu.core_type = #tpu.core_type<sc_vector_subcore>, window_params = [{transform_indices = #map}, {transform_indices = #map1}, {transform_indices = #map1}, {transform_indices = #map}, {transform_indices = #map1}]} {
    %mul3A = arith.constant 2 : i32
    %mul3A_0 = arith.muli %arg1, %mul3A : i32
    %add3A = arith.addi %mul3A_0, %arg0 : i32
    %mul3A_1 = arith.constant 512 : i32
    %mul3A_2 = arith.muli %add3A, %mul3A_1 : i32
    "tpu.region"() ({
      %run_scoped3A = tpu.sem_alloc : memref<!tpu.dma_semaphore, #tpu.memory_space<semaphore_mem>>
      %dma_start3A_11 = tpu.memref_slice %arg4[%mul3A_2] : memref<16384xi32, #tpu.memory_space<hbm>> -> memref<512xi32, #tpu.memory_space<hbm>>
      %dma_start3A_12 = tpu.memref_slice %arg4[%mul3A_2] : memref<16384xi32, #tpu.memory_space<hbm>> -> memref<512xi32, #tpu.memory_space<hbm>>
      tpu.enqueue_dma source(%dma_start3A_12 : memref<512xi32, #tpu.memory_space<hbm>>) target(%arg7 : memref<512xi32, #tpu.memory_space<vmem>>) target_semaphore(%run_scoped3A : memref<!tpu.dma_semaphore, #tpu.memory_space<semaphore_mem>>)
      %dma_wait3A_13 = tpu.memref_slice %arg4[%mul3A_2] : memref<16384xi32, #tpu.memory_space<hbm>> -> memref<512xi32, #tpu.memory_space<hbm>>
      %dma_wait3A_14 = tpu.memref_slice %arg4[%mul3A_2] : memref<16384xi32, #tpu.memory_space<hbm>> -> memref<512xi32, #tpu.memory_space<hbm>>
      tpu.wait_dma2 semaphore(%run_scoped3A : memref<!tpu.dma_semaphore, #tpu.memory_space<semaphore_mem>>) src(%dma_wait3A_14 : memref<512xi32, #tpu.memory_space<hbm>>) dst(%arg7 : memref<512xi32, #tpu.memory_space<vmem>>)
      tpu.yield
    }) : () -> ()
    %dma_start3A = arith.constant 0 : i32
    %dma_start3A_3 = arith.constant 0 : i32
    %dma_start3A_4 = tpu.memref_slice %arg2[%dma_start3A, %dma_start3A_3] : memref<1000000x16xf32, #tpu.memory_space<hbm>> -> memref<1000000x16xf32, #tpu.memory_space<hbm>>
    tpu.enqueue_indirect_dma source(%dma_start3A_4 : memref<1000000x16xf32, #tpu.memory_space<hbm>>) target(%arg8 : memref<512x16xf32, #tpu.memory_space<vmem>>) offsets(%arg7 : memref<512xi32, #tpu.memory_space<vmem>>) semaphore(%arg10 : memref<!tpu.dma_semaphore, #tpu.memory_space<semaphore_mem>>)
    %dma_start3A_5 = arith.constant 0 : i32
    %dma_start3A_6 = tpu.memref_slice %arg3[%dma_start3A_5] : memref<1000000xf32, #tpu.memory_space<hbm>> -> memref<1000000xf32, #tpu.memory_space<hbm>>
    tpu.enqueue_indirect_dma source(%dma_start3A_6 : memref<1000000xf32, #tpu.memory_space<hbm>>) target(%arg9 : memref<512xf32, #tpu.memory_space<vmem>>) offsets(%arg7 : memref<512xi32, #tpu.memory_space<vmem>>) semaphore(%arg11 : memref<!tpu.dma_semaphore, #tpu.memory_space<semaphore_mem>>)
    %dma_wait3A = arith.constant 0 : i32
    %dma_wait3A_7 = arith.constant 0 : i32
    %dma_wait3A_8 = tpu.memref_slice %arg2[%dma_wait3A, %dma_wait3A_7] : memref<1000000x16xf32, #tpu.memory_space<hbm>> -> memref<1000000x16xf32, #tpu.memory_space<hbm>>
    tpu.wait_indirect_dma semaphore(%arg10 : memref<!tpu.dma_semaphore, #tpu.memory_space<semaphore_mem>>) src(%dma_wait3A_8 : memref<1000000x16xf32, #tpu.memory_space<hbm>>) dst(%arg8 : memref<512x16xf32, #tpu.memory_space<vmem>>)
    %dma_wait3A_9 = arith.constant 0 : i32
    %dma_wait3A_10 = tpu.memref_slice %arg3[%dma_wait3A_9] : memref<1000000xf32, #tpu.memory_space<hbm>> -> memref<1000000xf32, #tpu.memory_space<hbm>>
    tpu.wait_indirect_dma semaphore(%arg11 : memref<!tpu.dma_semaphore, #tpu.memory_space<semaphore_mem>>) src(%dma_wait3A_10 : memref<1000000xf32, #tpu.memory_space<hbm>>) dst(%arg9 : memref<512xf32, #tpu.memory_space<vmem>>)
    "tpu.region"() ({
      %run_scoped3A = tpu.sem_alloc : memref<!tpu.dma_semaphore, #tpu.memory_space<semaphore_mem>>
      %dma_start3A_11 = arith.constant 0 : i32
      %dma_start3A_12 = tpu.memref_slice %arg5[%mul3A_2, %dma_start3A_11] : memref<16384x16xf32, #tpu.memory_space<hbm>> -> memref<512x16xf32, #tpu.memory_space<hbm>>
      %dma_start3A_13 = arith.constant 0 : i32
      %dma_start3A_14 = tpu.memref_slice %arg5[%mul3A_2, %dma_start3A_13] : memref<16384x16xf32, #tpu.memory_space<hbm>> -> memref<512x16xf32, #tpu.memory_space<hbm>>
      tpu.enqueue_dma source(%arg8 : memref<512x16xf32, #tpu.memory_space<vmem>>) target(%dma_start3A_14 : memref<512x16xf32, #tpu.memory_space<hbm>>) target_semaphore(%run_scoped3A : memref<!tpu.dma_semaphore, #tpu.memory_space<semaphore_mem>>)
      %dma_wait3A_15 = arith.constant 0 : i32
      %dma_wait3A_16 = tpu.memref_slice %arg5[%mul3A_2, %dma_wait3A_15] : memref<16384x16xf32, #tpu.memory_space<hbm>> -> memref<512x16xf32, #tpu.memory_space<hbm>>
      %dma_wait3A_17 = arith.constant 0 : i32
      %dma_wait3A_18 = tpu.memref_slice %arg5[%mul3A_2, %dma_wait3A_17] : memref<16384x16xf32, #tpu.memory_space<hbm>> -> memref<512x16xf32, #tpu.memory_space<hbm>>
      tpu.wait_dma2 semaphore(%run_scoped3A : memref<!tpu.dma_semaphore, #tpu.memory_space<semaphore_mem>>) src(%arg8 : memref<512x16xf32, #tpu.memory_space<vmem>>) dst(%dma_wait3A_18 : memref<512x16xf32, #tpu.memory_space<hbm>>)
      tpu.yield
    }) : () -> ()
    "tpu.region"() ({
      %run_scoped3A = tpu.sem_alloc : memref<!tpu.dma_semaphore, #tpu.memory_space<semaphore_mem>>
      %dma_start3A_11 = tpu.memref_slice %arg6[%mul3A_2] : memref<16384xf32, #tpu.memory_space<hbm>> -> memref<512xf32, #tpu.memory_space<hbm>>
      %dma_start3A_12 = tpu.memref_slice %arg6[%mul3A_2] : memref<16384xf32, #tpu.memory_space<hbm>> -> memref<512xf32, #tpu.memory_space<hbm>>
      tpu.enqueue_dma source(%arg9 : memref<512xf32, #tpu.memory_space<vmem>>) target(%dma_start3A_12 : memref<512xf32, #tpu.memory_space<hbm>>) target_semaphore(%run_scoped3A : memref<!tpu.dma_semaphore, #tpu.memory_space<semaphore_mem>>)
      %dma_wait3A_13 = tpu.memref_slice %arg6[%mul3A_2] : memref<16384xf32, #tpu.memory_space<hbm>> -> memref<512xf32, #tpu.memory_space<hbm>>
      %dma_wait3A_14 = tpu.memref_slice %arg6[%mul3A_2] : memref<16384xf32, #tpu.memory_space<hbm>> -> memref<512xf32, #tpu.memory_space<hbm>>
      tpu.wait_dma2 semaphore(%run_scoped3A : memref<!tpu.dma_semaphore, #tpu.memory_space<semaphore_mem>>) src(%arg9 : memref<512xf32, #tpu.memory_space<vmem>>) dst(%dma_wait3A_14 : memref<512xf32, #tpu.memory_space<hbm>>)
      tpu.yield
    }) : () -> ()
    return
  }
}

module attributes {stable_mosaic.version = 14 : i64} {
  func.func @_recip_body(%arg0: memref<7872x128xf32, #tpu.memory_space<vmem>>, %arg1: memref<7872x128xf32, #tpu.memory_space<vmem>>) attributes {dimension_semantics = [], scalar_prefetch = 0 : i64, scratch_operands = 0 : i64, tpu.core_type = #tpu.core_type<tc>} {
    %get3A = arith.constant 0 : index
    %get3A_0 = arith.constant 0 : index
    %get3A_1 = vector.load %arg0[%get3A, %get3A_0] : memref<7872x128xf32, #tpu.memory_space<vmem>>, vector<7872x128xf32>
    %add3A = arith.constant 1.000000e-10 : f32
    %add3A_2 = vector.broadcast %add3A : f32 to vector<7872x128xf32>
    %add3A_3 = arith.addf %get3A_1, %add3A_2 : vector<7872x128xf32>
    %div3A = arith.constant 1.1920929E-7 : f32
    %div3A_4 = vector.broadcast %div3A : f32 to vector<7872x128xf32>
    %div3A_5 = arith.divf %div3A_4, %add3A_3 : vector<7872x128xf32>
    %swap3A = arith.constant 0 : index
    %swap3A_6 = arith.constant 0 : index
    %swap3A_7 = vector.load %arg1[%swap3A, %swap3A_6] : memref<7872x128xf32, #tpu.memory_space<vmem>>, vector<7872x128xf32>
    tpu.vector_store %arg1[%swap3A, %swap3A_6], %div3A_5 {strides = array<i32>} : memref<7872x128xf32, #tpu.memory_space<vmem>>, vector<7872x128xf32>,
    return
  }
}

module attributes {stable_mosaic.version = 14 : i64} {
  func.func @_sample_body(%arg0: i32, %arg1: memref<5568x128xf32, #tpu.memory_space<vmem>>, %arg2: memref<1x1x1xi32, #tpu.memory_space<vmem>>, %arg3: memref<1x1x1xf32, #tpu.memory_space<vmem>>) attributes {dimension_semantics = [#tpu.dimension_semantics<arbitrary>], iteration_bounds = array<i64: 2048>, scalar_prefetch = 0 : i64, scratch_operands = 0 : i64, tpu.core_type = #tpu.core_type<tc>, window_params = [{transform_indices = @transform_0, window_bounds = array<i64: 5568, 128>}, {transform_indices = @transform_1, window_bounds = array<i64: 1, 1, 1>}, {transform_indices = @transform_2, window_bounds = array<i64: 1, 1, 1>}]} {
    %mul3A = arith.constant 1000000 : i32
    %mul3A_0 = arith.muli %arg0, %mul3A : i32
    %iota3A = tpu.iota {dimensions = array<i32: 0>} : vector<96x128xi32>
    %mul3A_1 = arith.constant 128 : i32
    %mul3A_2 = vector.broadcast %mul3A_1 : i32 to vector<96x128xi32>
    %mul3A_3 = arith.muli %iota3A, %mul3A_2 : vector<96x128xi32>
    %iota3A_4 = tpu.iota {dimensions = array<i32: 1>} : vector<96x128xi32>
    %add3A = arith.addi %mul3A_3, %iota3A_4 : vector<96x128xi32>
    %broadcast_in_dim3A = arith.constant 0x7F800000 : f32
    %broadcast_in_dim3A_5 = vector.broadcast %broadcast_in_dim3A : f32 to vector<96x128xf32>
    %broadcast_in_dim3A_6 = arith.constant 0 : i32
    %broadcast_in_dim3A_7 = vector.broadcast %broadcast_in_dim3A_6 : i32 to vector<96x128xi32>
    %scan3A = arith.constant 0 : i32
    %scan3A_8 = arith.constant 58 : i32
    %scan3A_9 = arith.addi %scan3A, %scan3A_8 : i32
    %scan3A_10 = arith.constant 1 : i32
    %scan3A_11:2 = scf.for %scan3A_38 = %scan3A to %scan3A_9 step %scan3A_10 iter_args(%scan3A_39 = %broadcast_in_dim3A_5, %scan3A_40 = %broadcast_in_dim3A_7) -> (vector<96x128xf32>, vector<96x128xi32>)  : i32 {
      %mul3A_41 = arith.constant 12288 : i32
      %mul3A_42 = arith.muli %scan3A_38, %mul3A_41 : i32
      %add3A_43 = arith.addi %mul3A_0, %mul3A_42 : i32
      %add3A_44 = vector.broadcast %add3A_43 : i32 to vector<96x128xi32>
      %add3A_45 = arith.addi %add3A, %add3A_44 : vector<96x128xi32>
      %add3A_46 = arith.constant 42 : i32
      %add3A_47 = vector.broadcast %add3A_46 : i32 to vector<96x128xi32>
      %add3A_48 = arith.addi %add3A_45, %add3A_47 : vector<96x128xi32>
      %shift_left3A = arith.constant 13 : i32
      %shift_left3A_49 = vector.broadcast %shift_left3A : i32 to vector<96x128xi32>
      %shift_left3A_50 = arith.shli %add3A_48, %shift_left3A_49 : vector<96x128xi32>
      %shift_right_logical3A = arith.constant 19 : i32
      %shift_right_logical3A_51 = vector.broadcast %shift_right_logical3A : i32 to vector<96x128xi32>
      %shift_right_logical3A_52 = arith.shrui %add3A_48, %shift_right_logical3A_51 : vector<96x128xi32>
      %or3A = arith.ori %shift_left3A_50, %shift_right_logical3A_52 : vector<96x128xi32>
      %xor3A_53 = arith.xori %or3A, %add3A_48 : vector<96x128xi32>
      %add3A_54 = arith.addi %add3A_48, %xor3A_53 : vector<96x128xi32>
      %shift_left3A_55 = arith.constant 15 : i32
      %shift_left3A_56 = vector.broadcast %shift_left3A_55 : i32 to vector<96x128xi32>
      %shift_left3A_57 = arith.shli %xor3A_53, %shift_left3A_56 : vector<96x128xi32>
      %shift_right_logical3A_58 = arith.constant 17 : i32
      %shift_right_logical3A_59 = vector.broadcast %shift_right_logical3A_58 : i32 to vector<96x128xi32>
      %shift_right_logical3A_60 = arith.shrui %xor3A_53, %shift_right_logical3A_59 : vector<96x128xi32>
      %or3A_61 = arith.ori %shift_left3A_57, %shift_right_logical3A_60 : vector<96x128xi32>
      %xor3A_62 = arith.xori %or3A_61, %add3A_54 : vector<96x128xi32>
      %add3A_63 = arith.addi %add3A_54, %xor3A_62 : vector<96x128xi32>
      %shift_left3A_64 = arith.constant 26 : i32
      %shift_left3A_65 = vector.broadcast %shift_left3A_64 : i32 to vector<96x128xi32>
      %shift_left3A_66 = arith.shli %xor3A_62, %shift_left3A_65 : vector<96x128xi32>
      %shift_right_logical3A_67 = arith.constant 6 : i32
      %shift_right_logical3A_68 = vector.broadcast %shift_right_logical3A_67 : i32 to vector<96x128xi32>
      %shift_right_logical3A_69 = arith.shrui %xor3A_62, %shift_right_logical3A_68 : vector<96x128xi32>
      %or3A_70 = arith.ori %shift_left3A_66, %shift_right_logical3A_69 : vector<96x128xi32>
      %xor3A_71 = arith.xori %or3A_70, %add3A_63 : vector<96x128xi32>
      %add3A_72 = arith.addi %add3A_63, %xor3A_71 : vector<96x128xi32>
      %shift_left3A_73 = arith.constant 6 : i32
      %shift_left3A_74 = vector.broadcast %shift_left3A_73 : i32 to vector<96x128xi32>
      %shift_left3A_75 = arith.shli %xor3A_71, %shift_left3A_74 : vector<96x128xi32>
      %shift_right_logical3A_76 = arith.constant 26 : i32
      %shift_right_logical3A_77 = vector.broadcast %shift_right_logical3A_76 : i32 to vector<96x128xi32>
      %shift_right_logical3A_78 = arith.shrui %xor3A_71, %shift_right_logical3A_77 : vector<96x128xi32>
      %or3A_79 = arith.ori %shift_left3A_75, %shift_right_logical3A_78 : vector<96x128xi32>
      %xor3A_80 = arith.xori %or3A_79, %add3A_72 : vector<96x128xi32>
      %add3A_81 = arith.constant 42 : i32
      %add3A_82 = vector.broadcast %add3A_81 : i32 to vector<96x128xi32>
      %add3A_83 = arith.addi %add3A_72, %add3A_82 : vector<96x128xi32>
      %add3A_84 = arith.constant 466689009 : i32
      %add3A_85 = vector.broadcast %add3A_84 : i32 to vector<96x128xi32>
      %add3A_86 = arith.addi %xor3A_80, %add3A_85 : vector<96x128xi32>
      %add3A_87 = arith.addi %add3A_83, %add3A_86 : vector<96x128xi32>
      %shift_left3A_88 = arith.constant 17 : i32
      %shift_left3A_89 = vector.broadcast %shift_left3A_88 : i32 to vector<96x128xi32>
      %shift_left3A_90 = arith.shli %add3A_86, %shift_left3A_89 : vector<96x128xi32>
      %shift_right_logical3A_91 = arith.constant 15 : i32
      %shift_right_logical3A_92 = vector.broadcast %shift_right_logical3A_91 : i32 to vector<96x128xi32>
      %shift_right_logical3A_93 = arith.shrui %add3A_86, %shift_right_logical3A_92 : vector<96x128xi32>
      %or3A_94 = arith.ori %shift_left3A_90, %shift_right_logical3A_93 : vector<96x128xi32>
      %xor3A_95 = arith.xori %or3A_94, %add3A_87 : vector<96x128xi32>
      %add3A_96 = arith.addi %add3A_87, %xor3A_95 : vector<96x128xi32>
      %shift_left3A_97 = arith.constant 29 : i32
      %shift_left3A_98 = vector.broadcast %shift_left3A_97 : i32 to vector<96x128xi32>
      %shift_left3A_99 = arith.shli %xor3A_95, %shift_left3A_98 : vector<96x128xi32>
      %shift_right_logical3A_100 = arith.constant 3 : i32
      %shift_right_logical3A_101 = vector.broadcast %shift_right_logical3A_100 : i32 to vector<96x128xi32>
      %shift_right_logical3A_102 = arith.shrui %xor3A_95, %shift_right_logical3A_101 : vector<96x128xi32>
      %or3A_103 = arith.ori %shift_left3A_99, %shift_right_logical3A_102 : vector<96x128xi32>
      %xor3A_104 = arith.xori %or3A_103, %add3A_96 : vector<96x128xi32>
      %add3A_105 = arith.addi %add3A_96, %xor3A_104 : vector<96x128xi32>
      %shift_left3A_106 = arith.constant 16 : i32
      %shift_left3A_107 = vector.broadcast %shift_left3A_106 : i32 to vector<96x128xi32>
      %shift_left3A_108 = arith.shli %xor3A_104, %shift_left3A_107 : vector<96x128xi32>
      %shift_right_logical3A_109 = arith.constant 16 : i32
      %shift_right_logical3A_110 = vector.broadcast %shift_right_logical3A_109 : i32 to vector<96x128xi32>
      %shift_right_logical3A_111 = arith.shrui %xor3A_104, %shift_right_logical3A_110 : vector<96x128xi32>
      %or3A_112 = arith.ori %shift_left3A_108, %shift_right_logical3A_111 : vector<96x128xi32>
      %xor3A_113 = arith.xori %or3A_112, %add3A_105 : vector<96x128xi32>
      %add3A_114 = arith.addi %add3A_105, %xor3A_113 : vector<96x128xi32>
      %shift_left3A_115 = arith.constant 24 : i32
      %shift_left3A_116 = vector.broadcast %shift_left3A_115 : i32 to vector<96x128xi32>
      %shift_left3A_117 = arith.shli %xor3A_113, %shift_left3A_116 : vector<96x128xi32>
      %shift_right_logical3A_118 = arith.constant 8 : i32
      %shift_right_logical3A_119 = vector.broadcast %shift_right_logical3A_118 : i32 to vector<96x128xi32>
      %shift_right_logical3A_120 = arith.shrui %xor3A_113, %shift_right_logical3A_119 : vector<96x128xi32>
      %or3A_121 = arith.ori %shift_left3A_117, %shift_right_logical3A_120 : vector<96x128xi32>
      %xor3A_122 = arith.xori %or3A_121, %add3A_114 : vector<96x128xi32>
      %add3A_123 = arith.constant 466689008 : i32
      %add3A_124 = vector.broadcast %add3A_123 : i32 to vector<96x128xi32>
      %add3A_125 = arith.addi %add3A_114, %add3A_124 : vector<96x128xi32>
      %add3A_126 = arith.constant 2 : i32
      %add3A_127 = vector.broadcast %add3A_126 : i32 to vector<96x128xi32>
      %add3A_128 = arith.addi %xor3A_122, %add3A_127 : vector<96x128xi32>
      %add3A_129 = arith.addi %add3A_125, %add3A_128 : vector<96x128xi32>
      %shift_left3A_130 = arith.constant 13 : i32
      %shift_left3A_131 = vector.broadcast %shift_left3A_130 : i32 to vector<96x128xi32>
      %shift_left3A_132 = arith.shli %add3A_128, %shift_left3A_131 : vector<96x128xi32>
      %shift_right_logical3A_133 = arith.constant 19 : i32
      %shift_right_logical3A_134 = vector.broadcast %shift_right_logical3A_133 : i32 to vector<96x128xi32>
      %shift_right_logical3A_135 = arith.shrui %add3A_128, %shift_right_logical3A_134 : vector<96x128xi32>
      %or3A_136 = arith.ori %shift_left3A_132, %shift_right_logical3A_135 : vector<96x128xi32>
      %xor3A_137 = arith.xori %or3A_136, %add3A_129 : vector<96x128xi32>
      %add3A_138 = arith.addi %add3A_129, %xor3A_137 : vector<96x128xi32>
      %shift_left3A_139 = arith.constant 15 : i32
      %shift_left3A_140 = vector.broadcast %shift_left3A_139 : i32 to vector<96x128xi32>
      %shift_left3A_141 = arith.shli %xor3A_137, %shift_left3A_140 : vector<96x128xi32>
      %shift_right_logical3A_142 = arith.constant 17 : i32
      %shift_right_logical3A_143 = vector.broadcast %shift_right_logical3A_142 : i32 to vector<96x128xi32>
      %shift_right_logical3A_144 = arith.shrui %xor3A_137, %shift_right_logical3A_143 : vector<96x128xi32>
      %or3A_145 = arith.ori %shift_left3A_141, %shift_right_logical3A_144 : vector<96x128xi32>
      %xor3A_146 = arith.xori %or3A_145, %add3A_138 : vector<96x128xi32>
      %add3A_147 = arith.addi %add3A_138, %xor3A_146 : vector<96x128xi32>
      %shift_left3A_148 = arith.constant 26 : i32
      %shift_left3A_149 = vector.broadcast %shift_left3A_148 : i32 to vector<96x128xi32>
      %shift_left3A_150 = arith.shli %xor3A_146, %shift_left3A_149 : vector<96x128xi32>
      %shift_right_logical3A_151 = arith.constant 6 : i32
      %shift_right_logical3A_152 = vector.broadcast %shift_right_logical3A_151 : i32 to vector<96x128xi32>
      %shift_right_logical3A_153 = arith.shrui %xor3A_146, %shift_right_logical3A_152 : vector<96x128xi32>
      %or3A_154 = arith.ori %shift_left3A_150, %shift_right_logical3A_153 : vector<96x128xi32>
      %xor3A_155 = arith.xori %or3A_154, %add3A_147 : vector<96x128xi32>
      %add3A_156 = arith.addi %add3A_147, %xor3A_155 : vector<96x128xi32>
      %shift_left3A_157 = arith.constant 6 : i32
      %shift_left3A_158 = vector.broadcast %shift_left3A_157 : i32 to vector<96x128xi32>
      %shift_left3A_159 = arith.shli %xor3A_155, %shift_left3A_158 : vector<96x128xi32>
      %shift_right_logical3A_160 = arith.constant 26 : i32
      %shift_right_logical3A_161 = vector.broadcast %shift_right_logical3A_160 : i32 to vector<96x128xi32>
      %shift_right_logical3A_162 = arith.shrui %xor3A_155, %shift_right_logical3A_161 : vector<96x128xi32>
      %or3A_163 = arith.ori %shift_left3A_159, %shift_right_logical3A_162 : vector<96x128xi32>
      %xor3A_164 = arith.xori %or3A_163, %add3A_156 : vector<96x128xi32>
      %add3A_165 = arith.constant 45 : i32
      %add3A_166 = vector.broadcast %add3A_165 : i32 to vector<96x128xi32>
      %add3A_167 = arith.addi %xor3A_164, %add3A_166 : vector<96x128xi32>
      %add3A_168 = arith.addi %add3A_156, %add3A_167 : vector<96x128xi32>
      %shift_left3A_169 = arith.constant 17 : i32
      %shift_left3A_170 = vector.broadcast %shift_left3A_169 : i32 to vector<96x128xi32>
      %shift_left3A_171 = arith.shli %add3A_167, %shift_left3A_170 : vector<96x128xi32>
      %shift_right_logical3A_172 = arith.constant 15 : i32
      %shift_right_logical3A_173 = vector.broadcast %shift_right_logical3A_172 : i32 to vector<96x128xi32>
      %shift_right_logical3A_174 = arith.shrui %add3A_167, %shift_right_logical3A_173 : vector<96x128xi32>
      %or3A_175 = arith.ori %shift_left3A_171, %shift_right_logical3A_174 : vector<96x128xi32>
      %xor3A_176 = arith.xori %or3A_175, %add3A_168 : vector<96x128xi32>
      %add3A_177 = arith.addi %add3A_168, %xor3A_176 : vector<96x128xi32>
      %shift_left3A_178 = arith.constant 29 : i32
      %shift_left3A_179 = vector.broadcast %shift_left3A_178 : i32 to vector<96x128xi32>
      %shift_left3A_180 = arith.shli %xor3A_176, %shift_left3A_179 : vector<96x128xi32>
      %shift_right_logical3A_181 = arith.constant 3 : i32
      %shift_right_logical3A_182 = vector.broadcast %shift_right_logical3A_181 : i32 to vector<96x128xi32>
      %shift_right_logical3A_183 = arith.shrui %xor3A_176, %shift_right_logical3A_182 : vector<96x128xi32>
      %or3A_184 = arith.ori %shift_left3A_180, %shift_right_logical3A_183 : vector<96x128xi32>
      %xor3A_185 = arith.xori %or3A_184, %add3A_177 : vector<96x128xi32>
      %add3A_186 = arith.addi %add3A_177, %xor3A_185 : vector<96x128xi32>
      %shift_left3A_187 = arith.constant 16 : i32
      %shift_left3A_188 = vector.broadcast %shift_left3A_187 : i32 to vector<96x128xi32>
      %shift_left3A_189 = arith.shli %xor3A_185, %shift_left3A_188 : vector<96x128xi32>
      %shift_right_logical3A_190 = arith.constant 16 : i32
      %shift_right_logical3A_191 = vector.broadcast %shift_right_logical3A_190 : i32 to vector<96x128xi32>
      %shift_right_logical3A_192 = arith.shrui %xor3A_185, %shift_right_logical3A_191 : vector<96x128xi32>
      %or3A_193 = arith.ori %shift_left3A_189, %shift_right_logical3A_192 : vector<96x128xi32>
      %xor3A_194 = arith.xori %or3A_193, %add3A_186 : vector<96x128xi32>
      %add3A_195 = arith.addi %add3A_186, %xor3A_194 : vector<96x128xi32>
      %shift_left3A_196 = arith.constant 24 : i32
      %shift_left3A_197 = vector.broadcast %shift_left3A_196 : i32 to vector<96x128xi32>
      %shift_left3A_198 = arith.shli %xor3A_194, %shift_left3A_197 : vector<96x128xi32>
      %shift_right_logical3A_199 = arith.constant 8 : i32
      %shift_right_logical3A_200 = vector.broadcast %shift_right_logical3A_199 : i32 to vector<96x128xi32>
      %shift_right_logical3A_201 = arith.shrui %xor3A_194, %shift_right_logical3A_200 : vector<96x128xi32>
      %or3A_202 = arith.ori %shift_left3A_198, %shift_right_logical3A_201 : vector<96x128xi32>
      %xor3A_203 = arith.xori %or3A_202, %add3A_195 : vector<96x128xi32>
      %add3A_204 = arith.constant 42 : i32
      %add3A_205 = vector.broadcast %add3A_204 : i32 to vector<96x128xi32>
      %add3A_206 = arith.addi %add3A_195, %add3A_205 : vector<96x128xi32>
      %add3A_207 = arith.constant 466689012 : i32
      %add3A_208 = vector.broadcast %add3A_207 : i32 to vector<96x128xi32>
      %add3A_209 = arith.addi %xor3A_203, %add3A_208 : vector<96x128xi32>
      %add3A_210 = arith.addi %add3A_206, %add3A_209 : vector<96x128xi32>
      %shift_left3A_211 = arith.constant 13 : i32
      %shift_left3A_212 = vector.broadcast %shift_left3A_211 : i32 to vector<96x128xi32>
      %shift_left3A_213 = arith.shli %add3A_209, %shift_left3A_212 : vector<96x128xi32>
      %shift_right_logical3A_214 = arith.constant 19 : i32
      %shift_right_logical3A_215 = vector.broadcast %shift_right_logical3A_214 : i32 to vector<96x128xi32>
      %shift_right_logical3A_216 = arith.shrui %add3A_209, %shift_right_logical3A_215 : vector<96x128xi32>
      %or3A_217 = arith.ori %shift_left3A_213, %shift_right_logical3A_216 : vector<96x128xi32>
      %xor3A_218 = arith.xori %or3A_217, %add3A_210 : vector<96x128xi32>
      %add3A_219 = arith.addi %add3A_210, %xor3A_218 : vector<96x128xi32>
      %shift_left3A_220 = arith.constant 15 : i32
      %shift_left3A_221 = vector.broadcast %shift_left3A_220 : i32 to vector<96x128xi32>
      %shift_left3A_222 = arith.shli %xor3A_218, %shift_left3A_221 : vector<96x128xi32>
      %shift_right_logical3A_223 = arith.constant 17 : i32
      %shift_right_logical3A_224 = vector.broadcast %shift_right_logical3A_223 : i32 to vector<96x128xi32>
      %shift_right_logical3A_225 = arith.shrui %xor3A_218, %shift_right_logical3A_224 : vector<96x128xi32>
      %or3A_226 = arith.ori %shift_left3A_222, %shift_right_logical3A_225 : vector<96x128xi32>
      %xor3A_227 = arith.xori %or3A_226, %add3A_219 : vector<96x128xi32>
      %add3A_228 = arith.addi %add3A_219, %xor3A_227 : vector<96x128xi32>
      %shift_left3A_229 = arith.constant 26 : i32
      %shift_left3A_230 = vector.broadcast %shift_left3A_229 : i32 to vector<96x128xi32>
      %shift_left3A_231 = arith.shli %xor3A_227, %shift_left3A_230 : vector<96x128xi32>
      %shift_right_logical3A_232 = arith.constant 6 : i32
      %shift_right_logical3A_233 = vector.broadcast %shift_right_logical3A_232 : i32 to vector<96x128xi32>
      %shift_right_logical3A_234 = arith.shrui %xor3A_227, %shift_right_logical3A_233 : vector<96x128xi32>
      %or3A_235 = arith.ori %shift_left3A_231, %shift_right_logical3A_234 : vector<96x128xi32>
      %xor3A_236 = arith.xori %or3A_235, %add3A_228 : vector<96x128xi32>
      %add3A_237 = arith.addi %add3A_228, %xor3A_236 : vector<96x128xi32>
      %shift_left3A_238 = arith.constant 6 : i32
      %shift_left3A_239 = vector.broadcast %shift_left3A_238 : i32 to vector<96x128xi32>
      %shift_left3A_240 = arith.shli %xor3A_236, %shift_left3A_239 : vector<96x128xi32>
      %shift_right_logical3A_241 = arith.constant 26 : i32
      %shift_right_logical3A_242 = vector.broadcast %shift_right_logical3A_241 : i32 to vector<96x128xi32>
      %shift_right_logical3A_243 = arith.shrui %xor3A_236, %shift_right_logical3A_242 : vector<96x128xi32>
      %or3A_244 = arith.ori %shift_left3A_240, %shift_right_logical3A_243 : vector<96x128xi32>
      %xor3A_245 = arith.xori %or3A_244, %add3A_237 : vector<96x128xi32>
      %add3A_246 = arith.constant 466689008 : i32
      %add3A_247 = vector.broadcast %add3A_246 : i32 to vector<96x128xi32>
      %add3A_248 = arith.addi %add3A_237, %add3A_247 : vector<96x128xi32>
      %add3A_249 = arith.constant 5 : i32
      %add3A_250 = vector.broadcast %add3A_249 : i32 to vector<96x128xi32>
      %add3A_251 = arith.addi %xor3A_245, %add3A_250 : vector<96x128xi32>
      %xor3A_252 = arith.xori %add3A_248, %add3A_251 : vector<96x128xi32>
      %shift_right_logical3A_253 = arith.constant 9 : i32
      %shift_right_logical3A_254 = vector.broadcast %shift_right_logical3A_253 : i32 to vector<96x128xi32>
      %shift_right_logical3A_255 = arith.shrui %xor3A_252, %shift_right_logical3A_254 : vector<96x128xi32>
      %sub3A_256 = arith.constant 8388608 : i32
      %sub3A_257 = vector.broadcast %sub3A_256 : i32 to vector<96x128xi32>
      %sub3A_258 = arith.subi %sub3A_257, %shift_right_logical3A_255 : vector<96x128xi32>
      %convert_element_type3A = arith.uitofp %sub3A_258 : vector<96x128xi32> to vector<96x128xf32>
      %mul3A_259 = arith.constant 96 : i32
      %mul3A_260 = arith.muli %scan3A_38, %mul3A_259 : i32
      %get3A = arith.index_cast %mul3A_260 : i32 to index
      %get3A_261 = arith.constant 0 : index
      %get3A_262 = vector.load %arg1[%get3A, %get3A_261] : memref<5568x128xf32, #tpu.memory_space<vmem>>, vector<96x128xf32>
      %mul3A_263 = arith.mulf %convert_element_type3A, %get3A_262 : vector<96x128xf32>
      %lt3A = arith.cmpf olt, %mul3A_263, %scan3A_39 : vector<96x128xf32>
      %select_n3A_264 = arith.select %lt3A, %mul3A_263, %scan3A_39 : vector<96x128xi1>, vector<96x128xf32>
      %select_n3A_265 = arith.select %lt3A, %add3A_45, %scan3A_40 : vector<96x128xi1>, vector<96x128xi32>
      scf.yield %select_n3A_264, %select_n3A_265 : vector<96x128xf32>, vector<96x128xi32>
    }
    %scan3A_12 = arith.constant 58 : i32
    %reduce_min3A = vector.shape_cast %scan3A_11#0 : vector<96x128xf32> to vector<1x96x128xf32>
    %reduce_min3A_13 = arith.constant dense<0x7F800000> : vector<1xf32>
    %reduce_min3A_14 = vector.multi_reduction <minimumf>, %reduce_min3A, %reduce_min3A_13 [1, 2] : vector<1x96x128xf32> to vector<1xf32>
    %reduce_min3A_15 = vector.shape_cast %reduce_min3A_14 : vector<1xf32> to vector<1x1x1xf32>
    %reduce_min3A_16 = vector.extract %reduce_min3A_15[0, 0, 0] : f32 from vector<1x1x1xf32>
    %xor3A = arith.constant -2147483648 : i32
    %xor3A_17 = vector.broadcast %xor3A : i32 to vector<96x128xi32>
    %xor3A_18 = arith.xori %scan3A_11#1, %xor3A_17 : vector<96x128xi32>
    %bitcast_convert_type3A = tpu.bitcast %xor3A_18 : vector<96x128xi32> -> vector<96x128xi32>
    %eq3A = vector.broadcast %reduce_min3A_16 : f32 to vector<96x128xf32>
    %eq3A_19 = arith.cmpf oeq, %scan3A_11#0, %eq3A : vector<96x128xf32>
    %jit3A = arith.constant 2147483647 : i32
    %broadcast_in_dim3A_20 = vector.broadcast %jit3A : i32 to vector<96x128xi32>
    %select_n3A = arith.select %eq3A_19, %bitcast_convert_type3A, %broadcast_in_dim3A_20 : vector<96x128xi1>, vector<96x128xi32>
    %reduce_min3A_21 = vector.shape_cast %select_n3A : vector<96x128xi32> to vector<1x96x128xi32>
    %reduce_min3A_22 = arith.constant dense<2147483647> : vector<1xi32>
    %reduce_min3A_23 = vector.multi_reduction <minsi>, %reduce_min3A_21, %reduce_min3A_22 [1, 2] : vector<1x96x128xi32> to vector<1xi32>
    %reduce_min3A_24 = vector.shape_cast %reduce_min3A_23 : vector<1xi32> to vector<1x1x1xi32>
    %reduce_min3A_25 = vector.extract %reduce_min3A_24[0, 0, 0] : i32 from vector<1x1x1xi32>
    %bitcast_convert_type3A_26 = arith.bitcast %reduce_min3A_25 : i32 to i32
    %xor3A_27 = arith.constant -2147483648 : i32
    %xor3A_28 = arith.xori %bitcast_convert_type3A_26, %xor3A_27 : i32
    %sub3A = arith.subi %xor3A_28, %mul3A_0 : i32
    %broadcast_in_dim3A_29 = vector.broadcast %sub3A : i32 to vector<1x1x1xi32>
    %swap3A = arith.constant 0 : index
    %swap3A_30 = arith.constant 0 : index
    %swap3A_31 = arith.constant 0 : index
    %swap3A_32 = vector.load %arg2[%swap3A, %swap3A_30, %swap3A_31] : memref<1x1x1xi32, #tpu.memory_space<vmem>>, vector<1x1x1xi32>
    tpu.vector_store %arg2[%swap3A, %swap3A_30, %swap3A_31], %broadcast_in_dim3A_29 {strides = array<i32>} : memref<1x1x1xi32, #tpu.memory_space<vmem>>, vector<1x1x1xi32>,
    %broadcast_in_dim3A_33 = vector.broadcast %reduce_min3A_16 : f32 to vector<1x1x1xf32>
    %swap3A_34 = arith.constant 0 : index
    %swap3A_35 = arith.constant 0 : index
    %swap3A_36 = arith.constant 0 : index
    %swap3A_37 = vector.load %arg3[%swap3A_34, %swap3A_35, %swap3A_36] : memref<1x1x1xf32, #tpu.memory_space<vmem>>, vector<1x1x1xf32>
    tpu.vector_store %arg3[%swap3A_34, %swap3A_35, %swap3A_36], %broadcast_in_dim3A_33 {strides = array<i32>} : memref<1x1x1xf32, #tpu.memory_space<vmem>>, vector<1x1x1xf32>,
    return
  }
  func.func @transform_0(%arg0: i32) -> (i32, i32) {
    %c0_i32 = arith.constant 0 : i32
    %c0_i32_0 = arith.constant 0 : i32
    %c0_i32_1 = arith.constant 0 : i32
    return %c0_i32, %c0_i32_0 : i32, i32
  }
  func.func @transform_1(%arg0: i32) -> (i32, i32, i32) {
    %c0_i32 = arith.constant 0 : i32
    %c0_i32_0 = arith.constant 0 : i32
    %c0_i32_1 = arith.constant 0 : i32
    return %arg0, %c0_i32, %c0_i32_0 : i32, i32, i32
  }
  func.func @transform_2(%arg0: i32) -> (i32, i32, i32) {
    %c0_i32 = arith.constant 0 : i32
    %c0_i32_0 = arith.constant 0 : i32
    %c0_i32_1 = arith.constant 0 : i32
    return %arg0, %c0_i32, %c0_i32_0 : i32, i32, i32
  }
}

module attributes {stable_mosaic.version = 14 : i64} {
  func.func @_combine_body(%arg0: memref<2048x1xf32, #tpu.memory_space<vmem>>, %arg1: memref<2048x1xi32, #tpu.memory_space<vmem>>, %arg2: memref<2048x16xf32, #tpu.memory_space<vmem>>, %arg3: memref<2048x16xi32, #tpu.memory_space<vmem>>, %arg4: memref<2048x1xi32, #tpu.memory_space<vmem>>) attributes {dimension_semantics = [], scalar_prefetch = 0 : i64, scratch_operands = 0 : i64, tpu.core_type = #tpu.core_type<tc>} {
    %get3A = arith.constant 0 : index
    %get3A_0 = arith.constant 0 : index
    %get3A_1 = vector.load %arg0[%get3A, %get3A_0] : memref<2048x1xf32, #tpu.memory_space<vmem>>, vector<2048x1xf32>
    %get3A_2 = arith.constant 0 : index
    %get3A_3 = arith.constant 0 : index
    %get3A_4 = vector.load %arg1[%get3A_2, %get3A_3] : memref<2048x1xi32, #tpu.memory_space<vmem>>, vector<2048x1xi32>
    %get3A_5 = arith.constant 0 : index
    %get3A_6 = arith.constant 0 : index
    %get3A_7 = vector.load %arg2[%get3A_5, %get3A_6] : memref<2048x16xf32, #tpu.memory_space<vmem>>, vector<2048x16xf32>
    %get3A_8 = arith.constant 0 : index
    %get3A_9 = arith.constant 0 : index
    %get3A_10 = vector.load %arg3[%get3A_8, %get3A_9] : memref<2048x16xi32, #tpu.memory_space<vmem>>, vector<2048x16xi32>
    %reduce_min3A = arith.constant dense<0x7F800000> : vector<2048xf32>
    %reduce_min3A_11 = vector.multi_reduction <minimumf>, %get3A_7, %reduce_min3A [1] : vector<2048x16xf32> to vector<2048xf32>
    %broadcast_in_dim3A = vector.shape_cast %reduce_min3A_11 : vector<2048xf32> to vector<2048x1xf32>
    %eq3A = vector.broadcast %broadcast_in_dim3A : vector<2048x1xf32> to vector<2048x16xf32>
    %eq3A_12 = arith.cmpf oeq, %get3A_7, %eq3A : vector<2048x16xf32>
    %jit3A = arith.constant 2147483647 : i32
    %broadcast_in_dim3A_13 = vector.broadcast %jit3A : i32 to vector<2048x16xi32>
    %select_n3A = arith.select %eq3A_12, %get3A_10, %broadcast_in_dim3A_13 : vector<2048x16xi1>, vector<2048x16xi32>
    %reduce_min3A_14 = arith.constant dense<2147483647> : vector<2048xi32>
    %reduce_min3A_15 = vector.multi_reduction <minsi>, %select_n3A, %reduce_min3A_14 [1] : vector<2048x16xi32> to vector<2048xi32>
    %broadcast_in_dim3A_16 = vector.shape_cast %reduce_min3A_15 : vector<2048xi32> to vector<2048x1xi32>
    %bitcast_convert_type3A = tpu.bitcast %broadcast_in_dim3A_16 : vector<2048x1xi32> -> vector<2048x1xi32>
    %xor3A = arith.constant -2147483648 : i32
    %xor3A_17 = vector.broadcast %xor3A : i32 to vector<2048x1xi32>
    %xor3A_18 = arith.xori %bitcast_convert_type3A, %xor3A_17 : vector<2048x1xi32>
    %iota3A = tpu.iota {dimensions = array<i32: 0>} : vector<2048x1xi32>
    %mul3A = arith.constant 1000000 : i32
    %mul3A_19 = vector.broadcast %mul3A : i32 to vector<2048x1xi32>
    %mul3A_20 = arith.muli %iota3A, %mul3A_19 : vector<2048x1xi32>
    %bitcast_convert_type3A_21 = tpu.bitcast %mul3A_20 : vector<2048x1xi32> -> vector<2048x1xi32>
    %sub3A = arith.subi %xor3A_18, %bitcast_convert_type3A_21 : vector<2048x1xi32>
    %bitcast_convert_type3A_22 = tpu.bitcast %sub3A : vector<2048x1xi32> -> vector<2048x1xi32>
    %lt3A = arith.cmpf olt, %broadcast_in_dim3A, %get3A_1 : vector<2048x1xf32>
    %eq3A_23 = arith.cmpf oeq, %broadcast_in_dim3A, %get3A_1 : vector<2048x1xf32>
    %lt3A_24 = arith.cmpi slt, %bitcast_convert_type3A_22, %get3A_4 : vector<2048x1xi32>
    %and3A = arith.andi %eq3A_23, %lt3A_24 : vector<2048x1xi1>
    %or3A = arith.ori %lt3A, %and3A : vector<2048x1xi1>
    %select_n3A_25 = arith.select %or3A, %bitcast_convert_type3A_22, %get3A_4 : vector<2048x1xi1>, vector<2048x1xi32>
    %swap3A = arith.constant 0 : index
    %swap3A_26 = arith.constant 0 : index
    %swap3A_27 = vector.load %arg4[%swap3A, %swap3A_26] : memref<2048x1xi32, #tpu.memory_space<vmem>>, vector<2048x1xi32>
    tpu.vector_store %arg4[%swap3A, %swap3A_26], %select_n3A_25 {strides = array<i32>} : memref<2048x1xi32, #tpu.memory_space<vmem>>, vector<2048x1xi32>,
    return
  }
}

module attributes {stable_mosaic.version = 14 : i64} {
  func.func @_loss_body(%arg0: i32, %arg1: memref<2048x16xf32, #tpu.memory_space<vmem>>, %arg2: memref<2048x16xf32, #tpu.memory_space<vmem>>, %arg3: memref<1x2048x1xi32, #tpu.memory_space<vmem>>, %arg4: memref<1x2048x1xf32, #tpu.memory_space<vmem>>, %arg5: memref<2048x16xf32, #tpu.memory_space<vmem>>, %arg6: memref<1x2048xi32, #tpu.memory_space<vmem>>, %arg7: memref<1x2048xf32, #tpu.memory_space<vmem>>, %arg8: memref<1x1xf32, #tpu.memory_space<smem>>, %arg9: memref<2xf32, #tpu.memory_space<smem>>) attributes {dimension_semantics = [#tpu.dimension_semantics<arbitrary>], iteration_bounds = array<i64: 8>, scalar_prefetch = 0 : i64, scratch_operands = 1 : i64, tpu.core_type = #tpu.core_type<tc>, window_params = [{transform_indices = @transform_0, window_bounds = array<i64: 2048, 16>}, {transform_indices = @transform_1, window_bounds = array<i64: 2048, 16>}, {transform_indices = @transform_2, window_bounds = array<i64: 1, 2048, 1>}, {transform_indices = @transform_3, window_bounds = array<i64: 1, 2048, 1>}, {pipeline_mode = #tpu.pipeline_mode<synchronous>, transform_indices = @transform_4, window_bounds = array<i64: 2048, 16>}, {pipeline_mode = #tpu.pipeline_mode<synchronous>, transform_indices = @transform_5, window_bounds = array<i64: 1, 2048>}, {pipeline_mode = #tpu.pipeline_mode<synchronous>, transform_indices = @transform_6, window_bounds = array<i64: 1, 2048>}, {transform_indices = @transform_7, window_bounds = array<i64: 1, 1>}]} {
    %eq3A = arith.constant 0 : i32
    %eq3A_0 = arith.cmpi eq, %arg0, %eq3A : i32
    %convert_element_type3A = arith.extui %eq3A_0 : i1 to i32
    %cond3A = arith.constant 0 : i32
    %cond3A_1 = arith.cmpi ne, %convert_element_type3A, %cond3A : i32
    scf.if %cond3A_1 {
      %swap3A_84 = arith.constant 0.000000e+00 : f32
      %swap3A_85 = arith.constant 0 : index
      %swap3A_86 = memref.load %arg9[%swap3A_85] : memref<2xf32, #tpu.memory_space<smem>>
      memref.store %swap3A_84, %arg9[%swap3A_85] : memref<2xf32, #tpu.memory_space<smem>>
      %swap3A_87 = arith.constant 0.000000e+00 : f32
      %swap3A_88 = arith.constant 1 : index
      %swap3A_89 = memref.load %arg9[%swap3A_88] : memref<2xf32, #tpu.memory_space<smem>>
      memref.store %swap3A_87, %arg9[%swap3A_88] : memref<2xf32, #tpu.memory_space<smem>>
    } else {
    }
    %get3A = arith.constant 0 : index
    %get3A_2 = arith.constant 0 : index
    %get3A_3 = vector.load %arg1[%get3A, %get3A_2] : memref<2048x16xf32, #tpu.memory_space<vmem>>, vector<2048x16xf32>
    %get3A_4 = arith.constant 0 : index
    %get3A_5 = arith.constant 0 : index
    %get3A_6 = arith.constant 0 : index
    %get3A_7 = vector.load %arg3[%get3A_4, %get3A_5, %get3A_6] : memref<1x2048x1xi32, #tpu.memory_space<vmem>>, vector<1x2048x1xi32>
    %get3A_8 = vector.shape_cast %get3A_7 : vector<1x2048x1xi32> to vector<2048x1xi32>
    %get3A_9 = arith.constant 0 : index
    %get3A_10 = arith.constant 0 : index
    %get3A_11 = arith.constant 0 : index
    %get3A_12 = vector.load %arg4[%get3A_9, %get3A_10, %get3A_11] : memref<1x2048x1xf32, #tpu.memory_space<vmem>>, vector<1x2048x1xf32>
    %get3A_13 = vector.shape_cast %get3A_12 : vector<1x2048x1xf32> to vector<2048x1xf32>
    %get3A_14 = arith.constant 0 : index
    %get3A_15 = arith.constant 0 : index
    %get3A_16 = vector.load %arg5[%get3A_14, %get3A_15] : memref<2048x16xf32, #tpu.memory_space<vmem>>, vector<2048x16xf32>
    %get3A_17 = arith.constant 0 : index
    %get3A_18 = arith.constant 0 : index
    %get3A_19 = vector.load %arg6[%get3A_17, %get3A_18] : memref<1x2048xi32, #tpu.memory_space<vmem>>, vector<1x2048xi32>
    %get3A_20 = arith.constant 0 : index
    %get3A_21 = arith.constant 0 : index
    %get3A_22 = vector.load %arg7[%get3A_20, %get3A_21] : memref<1x2048xf32, #tpu.memory_space<vmem>>, vector<1x2048xf32>
    %dot_general3A = arith.constant dense<0.000000e+00> : vector<2048x2048xf32>
    %dot_general3A_23 = tpu.matmul %get3A_3, %get3A_16, %dot_general3A {dimension_numbers = #tpu.dot_dimension_numbers<[1], [1], [0], [0], [0, 0, 1, 0], [], []>, transpose_lhs_hint = false} : vector<2048x16xf32>, vector<2048x16xf32>, vector<2048x2048xf32> -> vector<2048x2048xf32>
    %eq3A_24 = vector.broadcast %get3A_8 : vector<2048x1xi32> to vector<2048x2048xi32>
    %eq3A_25 = vector.broadcast %get3A_19 : vector<1x2048xi32> to vector<2048x2048xi32>
    %eq3A_26 = arith.cmpi eq, %eq3A_24, %eq3A_25 : vector<2048x2048xi32>
    %jit3A = arith.constant -1.000000e+09 : f32
    %broadcast_in_dim3A = vector.broadcast %jit3A : f32 to vector<2048x2048xf32>
    %select_n3A = arith.select %eq3A_26, %broadcast_in_dim3A, %dot_general3A_23 : vector<2048x2048xi1>, vector<2048x2048xf32>
    %add3A = arith.constant 1.000000e-10 : f32
    %add3A_27 = vector.broadcast %add3A : f32 to vector<1x2048xf32>
    %add3A_28 = arith.addf %get3A_22, %add3A_27 : vector<1x2048xf32>
    %log3A = math.log %add3A_28 : vector<1x2048xf32>
    %sub3A = vector.broadcast %log3A : vector<1x2048xf32> to vector<2048x2048xf32>
    %sub3A_29 = arith.subf %select_n3A, %sub3A : vector<2048x2048xf32>
    %get3A_30 = arith.constant 0 : index
    %get3A_31 = arith.constant 0 : index
    %get3A_32 = vector.load %arg2[%get3A_30, %get3A_31] : memref<2048x16xf32, #tpu.memory_space<vmem>>, vector<2048x16xf32>
    %mul3A = arith.mulf %get3A_3, %get3A_32 : vector<2048x16xf32>
    %reduce_sum3A = arith.constant dense<0.000000e+00> : vector<2048xf32>
    %reduce_sum3A_33 = vector.multi_reduction <add>, %mul3A, %reduce_sum3A [1] : vector<2048x16xf32> to vector<2048xf32>
    %broadcast_in_dim3A_34 = vector.shape_cast %reduce_sum3A_33 : vector<2048xf32> to vector<2048x1xf32>
    %add3A_35 = arith.constant 1.000000e-10 : f32
    %add3A_36 = vector.broadcast %add3A_35 : f32 to vector<2048x1xf32>
    %add3A_37 = arith.addf %get3A_13, %add3A_36 : vector<2048x1xf32>
    %log3A_38 = math.log %add3A_37 : vector<2048x1xf32>
    %sub3A_39 = arith.subf %broadcast_in_dim3A_34, %log3A_38 : vector<2048x1xf32>
    %reduce_max3A = arith.constant dense<0xFF800000> : vector<2048xf32>
    %reduce_max3A_40 = vector.multi_reduction <maximumf>, %sub3A_29, %reduce_max3A [1] : vector<2048x2048xf32> to vector<2048xf32>
    %broadcast_in_dim3A_41 = vector.shape_cast %reduce_max3A_40 : vector<2048xf32> to vector<2048x1xf32>
    %max3A = arith.maximumf %broadcast_in_dim3A_41, %sub3A_39 : vector<2048x1xf32>
    %sub3A_42 = vector.broadcast %max3A : vector<2048x1xf32> to vector<2048x2048xf32>
    %sub3A_43 = arith.subf %sub3A_29, %sub3A_42 : vector<2048x2048xf32>
    %exp3A = math.exp %sub3A_43 : vector<2048x2048xf32>
    %reduce_sum3A_44 = arith.constant dense<0.000000e+00> : vector<2048xf32>
    %reduce_sum3A_45 = vector.multi_reduction <add>, %exp3A, %reduce_sum3A_44 [1] : vector<2048x2048xf32> to vector<2048xf32>
    %broadcast_in_dim3A_46 = vector.shape_cast %reduce_sum3A_45 : vector<2048xf32> to vector<2048x1xf32>
    %sub3A_47 = arith.subf %sub3A_39, %max3A : vector<2048x1xf32>
    %exp3A_48 = math.exp %sub3A_47 : vector<2048x1xf32>
    %add3A_49 = arith.addf %broadcast_in_dim3A_46, %exp3A_48 : vector<2048x1xf32>
    %log3A_50 = math.log %add3A_49 : vector<2048x1xf32>
    %add3A_51 = arith.addf %max3A, %log3A_50 : vector<2048x1xf32>
    %sub3A_52 = arith.subf %add3A_51, %sub3A_39 : vector<2048x1xf32>
    %ne3A = arith.constant 0 : i32
    %ne3A_53 = vector.broadcast %ne3A : i32 to vector<2048x1xi32>
    %ne3A_54 = arith.cmpi ne, %get3A_8, %ne3A_53 : vector<2048x1xi32>
    %get3A_55 = arith.constant 0 : index
    %get3A_56 = memref.load %arg9[%get3A_55] : memref<2xf32, #tpu.memory_space<smem>>
    %jit3A_57 = arith.constant 0.000000e+00 : f32
    %broadcast_in_dim3A_58 = vector.broadcast %jit3A_57 : f32 to vector<2048x1xf32>
    %select_n3A_59 = arith.select %ne3A_54, %sub3A_52, %broadcast_in_dim3A_58 : vector<2048x1xi1>, vector<2048x1xf32>
    %reduce_sum3A_60 = vector.shape_cast %select_n3A_59 : vector<2048x1xf32> to vector<1x2048x1xf32>
    %reduce_sum3A_61 = arith.constant dense<0.000000e+00> : vector<1xf32>
    %reduce_sum3A_62 = vector.multi_reduction <add>, %reduce_sum3A_60, %reduce_sum3A_61 [1, 2] : vector<1x2048x1xf32> to vector<1xf32>
    %reduce_sum3A_63 = vector.shape_cast %reduce_sum3A_62 : vector<1xf32> to vector<1x1x1xf32>
    %reduce_sum3A_64 = vector.extract %reduce_sum3A_63[0, 0, 0] : f32 from vector<1x1x1xf32>
    %add3A_65 = arith.addf %get3A_56, %reduce_sum3A_64 : f32
    %swap3A = arith.constant 0 : index
    %swap3A_66 = memref.load %arg9[%swap3A] : memref<2xf32, #tpu.memory_space<smem>>
    memref.store %add3A_65, %arg9[%swap3A] : memref<2xf32, #tpu.memory_space<smem>>
    %get3A_67 = arith.constant 1 : index
    %get3A_68 = memref.load %arg9[%get3A_67] : memref<2xf32, #tpu.memory_space<smem>>
    %convert_element_type3A_69 = arith.extui %ne3A_54 : vector<2048x1xi1> to vector<2048x1xi32>
    %convert_element_type3A_70 = arith.sitofp %convert_element_type3A_69 : vector<2048x1xi32> to vector<2048x1xf32>
    %reduce_sum3A_71 = vector.shape_cast %convert_element_type3A_70 : vector<2048x1xf32> to vector<1x2048x1xf32>
    %reduce_sum3A_72 = arith.constant dense<0.000000e+00> : vector<1xf32>
    %reduce_sum3A_73 = vector.multi_reduction <add>, %reduce_sum3A_71, %reduce_sum3A_72 [1, 2] : vector<1x2048x1xf32> to vector<1xf32>
    %reduce_sum3A_74 = vector.shape_cast %reduce_sum3A_73 : vector<1xf32> to vector<1x1x1xf32>
    %reduce_sum3A_75 = vector.extract %reduce_sum3A_74[0, 0, 0] : f32 from vector<1x1x1xf32>
    %add3A_76 = arith.addf %get3A_68, %reduce_sum3A_75 : f32
    %swap3A_77 = arith.constant 1 : index
    %swap3A_78 = memref.load %arg9[%swap3A_77] : memref<2xf32, #tpu.memory_space<smem>>
    memref.store %add3A_76, %arg9[%swap3A_77] : memref<2xf32, #tpu.memory_space<smem>>
    %eq3A_79 = arith.constant 7 : i32
    %eq3A_80 = arith.cmpi eq, %arg0, %eq3A_79 : i32
    %convert_element_type3A_81 = arith.extui %eq3A_80 : i1 to i32
    %cond3A_82 = arith.constant 0 : i32
    %cond3A_83 = arith.cmpi ne, %convert_element_type3A_81, %cond3A_82 : i32
    scf.if %cond3A_83 {
      %get3A_84 = arith.constant 0 : index
      %get3A_85 = memref.load %arg9[%get3A_84] : memref<2xf32, #tpu.memory_space<smem>>
      %get3A_86 = arith.constant 1 : index
      %get3A_87 = memref.load %arg9[%get3A_86] : memref<2xf32, #tpu.memory_space<smem>>
      %div3A = arith.divf %get3A_85, %get3A_87 : f32
      %swap3A_88 = arith.constant 0 : index
      %swap3A_89 = arith.constant 0 : index
      %swap3A_90 = memref.load %arg8[%swap3A_88, %swap3A_89] : memref<1x1xf32, #tpu.memory_space<smem>>
      memref.store %div3A, %arg8[%swap3A_88, %swap3A_89] : memref<1x1xf32, #tpu.memory_space<smem>>
    } else {
    }
    return
  }
  func.func @transform_0(%arg0: i32) -> (i32, i32) {
    %c0_i32 = arith.constant 0 : i32
    %c0_i32_0 = arith.constant 0 : i32
    return %arg0, %c0_i32 : i32, i32
  }
  func.func @transform_1(%arg0: i32) -> (i32, i32) {
    %c0_i32 = arith.constant 0 : i32
    %c0_i32_0 = arith.constant 0 : i32
    return %arg0, %c0_i32 : i32, i32
  }
  func.func @transform_2(%arg0: i32) -> (i32, i32, i32) {
    %c0_i32 = arith.constant 0 : i32
    %c0_i32_0 = arith.constant 0 : i32
    %c0_i32_1 = arith.constant 0 : i32
    return %arg0, %c0_i32, %c0_i32_0 : i32, i32, i32
  }
  func.func @transform_3(%arg0: i32) -> (i32, i32, i32) {
    %c0_i32 = arith.constant 0 : i32
    %c0_i32_0 = arith.constant 0 : i32
    %c0_i32_1 = arith.constant 0 : i32
    return %arg0, %c0_i32, %c0_i32_0 : i32, i32, i32
  }
  func.func @transform_4(%arg0: i32) -> (i32, i32) {
    %c0_i32 = arith.constant 0 : i32
    %c0_i32_0 = arith.constant 0 : i32
    %c0_i32_1 = arith.constant 0 : i32
    return %c0_i32, %c0_i32_0 : i32, i32
  }
  func.func @transform_5(%arg0: i32) -> (i32, i32) {
    %c0_i32 = arith.constant 0 : i32
    %c0_i32_0 = arith.constant 0 : i32
    %c0_i32_1 = arith.constant 0 : i32
    return %c0_i32, %c0_i32_0 : i32, i32
  }
  func.func @transform_6(%arg0: i32) -> (i32, i32) {
    %c0_i32 = arith.constant 0 : i32
    %c0_i32_0 = arith.constant 0 : i32
    %c0_i32_1 = arith.constant 0 : i32
    return %c0_i32, %c0_i32_0 : i32, i32
  }
  func.func @transform_7(%arg0: i32) -> (i32, i32) {
    %c0_i32 = arith.constant 0 : i32
    %c0_i32_0 = arith.constant 0 : i32
    %c0_i32_1 = arith.constant 0 : i32
    return %c0_i32, %c0_i32_0 : i32, i32
  }
}

</mosaic_0001>

<sc_bundles>
// kernel: kernel.12.cloned.1.call-start
scs
__scs_entry_jumppad:
0x0: {  	(pc) =	sbr.rel $0x88, $3  }
0x1: {  	(tag) =	ssettag $0x0;
	lr =	simm.s32 $0x1  }
0x2: {  	[smem:$0x3F9D] =	sst lr;
	_ =	strace $0xD0000000  }
0x3: {  	_ = 	snop  }
0x4: {  	_ = 	snop  }
0x5: {  	_ = 	snop  }
0x6: {  	_ = 	snop  }
0x7: {  	_ = 	snop  }
__scs_overlays_trampoline_lowered:
0x8: {  	[smem:$0x3FAC] =	sst s0  }
0x9: {  	[smem:$0x3FAD] =	sst s1  }
0xa: {  	[smem:$0x3FAE] =	sst s2  }
0xb: {  	[smem:$0x3FAF] =	sst s3  }
0xc: {  	[smem:$0x3FB0] =	sst s4  }
0xd: {  	[smem:$0x3FB1] =	sst s5  }
0xe: {  	[smem:$0x3FB2] =	sst s6  }
0xf: {  	[smem:$0x3FB3] =	sst s7  }
0x10: {  	[smem:$0x3FB4] =	sst s8  }
0x11: {  	[smem:$0x3FB5] =	sst s9;
	s0 =	simm.s32 @!p0 $0x0  }
0x12: {  	s1 =	sld [smem:$0x3F9B];
	s0 =	simm.s32 @p0 $0x1  }
0x13: {  	[smem:$0x3FB6] =	sst s0;
	s0 =	simm.s32 @!p1 $0x0  }
0x14: {  	s2 =	sld [smem:$0x3F9A];
	s0 =	simm.s32 @p1 $0x1  }
0x15: {  	[smem:$0x3FB7] =	sst s0;
	s0 =	simm.s32 @!p2 $0x0  }
0x16: {  	s3 =	sld [smem:$0x3FDB];
	s0 =	simm.s32 @p2 $0x1  }
0x17: {  	s4 =	simm.s32 $0x1BF5;
	[smem:$0x3FB9] =	sst s0  }
0x18: {  	s0 =	sld [smem:$0x3F9C];
	_ =	swait.ge [sflag:s4], $0x0  }
0x19: {  	s7 =	sld [smem:$0x3F9D]  }
0x1a: {  	s8 =	sadd.s32 $0xFFFFE003, lr  }
0x1b: {  	s9 =	sadd.s32 $0xFFFFFEF7, lr;
	s5 =	simm.s32 $0xFFFFFFFF;
	p2 =	slt.u32 s8, $0xFFFFF086  }
0x1c: {  	p1 =	slt.u32 s9, $0xF7A;
	s5 =	simm.s32 @!p2 $0x0  }
0x1d: {  	s5 =	simm.s32 @p1 $0x1;
	p0 =	seq.s32 s7, s2  }
0x1e: {  	s7 =	smul.u32 @!p0 $0xF7A, s2;
	p2 =	seq.s32 @!p0 s5, $0x0  }
0x1f: {  	s9 =	smul.u32 $0xF7A, s1;
	s8 =	simm.s32 @!p0 $0x1BF5;
	p2 =	por !p2, p0  }
0x20: {  	[sflag:s8] =	ssyncset.s32 @!p0 $0xFFFFF086;
	s6 =	sadd.s32 @!p0 s3, s7;
	s7 =	simm.s32 @!p0 $0x108  }
0x21: {  	s3 =	sadd.s32 s3, s9;
	s6 =	sadd.s32 @!p0 $0x88, s6;
	s7 =	simm.s32 @p2 $0x1082  }
0x22: {  	[simem:s7], [sflag:s8] =	dma.local @!p0 [hbm:s6], $0xF7A  }
0x23: {  	s9 =	sor.u32 $0xD0000000, s2;
	s6 =	simm.s32 $0x108;
	_ =	swait.ge @!p0 [sflag:s8], $0x0  }
0x24: {  	s3 =	sadd.s32 $0x88, s3;
	s6 =	simm.s32 @!p1 $0x1082;
	[sflag:s4] =	ssyncset.s32 $0xFFFFF086  }
0x25: {  	[simem:s6], [sflag:s4] =	dma.local [hbm:s3], $0xF7A  }
0x26: {  	[smem:$0x3F9D] =	sst s1;
	(tag) =	ssettag s2;
	_ =	strace s9  }
0x27: {  	s1 =	sld [smem:$0x3FAD]  }
0x28: {  	s2 =	sld [smem:$0x3FAE]  }
0x29: {  	s4 =	sld [smem:$0x3FB0]  }
0x2a: {  	p0 =	seq.s32 s5, $0x0;
	s5 =	sld [smem:$0x3FB1]  }
0x2b: {  	s6 =	sld [smem:$0x3FB2]  }
0x2c: {  	s7 =	sld [smem:$0x3FB3]  }
0x2d: {  	s3 =	simm.s32 $0x108;
	s8 =	sld [smem:$0x3FB4]  }
0x2e: {  	s3 =	simm.s32 @!p0 $0x1082;
	s9 =	sld [smem:$0x3FB5]  }
0x2f: {  	lr =	sadd.s32 s0, s3;
	s0 =	sld [smem:$0x3FAC]  }
0x30: {  	s3 =	sld [smem:$0x3FAF]  }
0x31: {  	[smem:$0x3FB8] =	sst s10  }
0x32: {  	s10 =	sld [smem:$0x3FB6];
	_ =	sdelay $0x3  }
0x33: {  	p0 =	seq.s32 s10, $0x1;
	s10 =	sld [smem:$0x3FB8];
	_ =	sdelay $0x3  }
0x34: {  	[smem:$0x3FB8] =	sst s10  }
0x35: {  	s10 =	sld [smem:$0x3FB7];
	_ =	sdelay $0x3  }
0x36: {  	p1 =	seq.s32 s10, $0x1;
	s10 =	sld [smem:$0x3FB8];
	_ =	sdelay $0x3  }
0x37: {  	[smem:$0x3FB8] =	sst s10  }
0x38: {  	s10 =	sld [smem:$0x3FB9]  }
0x39: {  	_ = 	snop;
	(pc) =	sbr.ind lr, $3  }
0x3a: {  	_ = 	snop  }
0x3b: {  	_ = 	snop  }
0x3c: {  	p2 =	seq.s32 s10, $0x1;
	s10 =	sld [smem:$0x3FB8]  }
0x3d: {  	_ =	shalt  }
0x3e: {  	_ =	shalt  }
0x3f: {  	_ =	shalt  }
0x40: {  	_ =	shalt  }
0x41: {  	_ =	shalt  }
0x42: {  	_ =	shalt  }
0x43: {  	_ =	shalt  }
0x44: {  	_ =	shalt  }
0x45: {  	_ =	shalt  }
0x46: {  	_ =	shalt  }
0x47: {  	_ =	shalt  }
0x48: {  	_ =	shalt  }
0x49: {  	_ =	shalt  }
0x4a: {  	_ =	shalt  }
0x4b: {  	_ =	shalt  }
0x4c: {  	_ =	shalt  }
0x4d: {  	_ =	shalt  }
0x4e: {  	_ =	shalt  }
0x4f: {  	_ =	shalt  }
0x50: {  	_ =	shalt  }
0x51: {  	_ =	shalt  }
0x52: {  	_ =	shalt  }
0x53: {  	_ =	shalt  }
0x54: {  	_ =	shalt  }
0x55: {  	_ =	shalt  }
0x56: {  	_ =	shalt  }
0x57: {  	_ =	shalt  }
0x58: {  	_ =	shalt  }
0x59: {  	_ =	shalt  }
0x5a: {  	_ =	shalt  }
0x5b: {  	_ =	shalt  }
0x5c: {  	_ =	shalt  }
0x5d: {  	_ =	shalt  }
0x5e: {  	_ =	shalt  }
0x5f: {  	_ =	shalt  }
0x60: {  	_ =	shalt  }
0x61: {  	_ =	shalt  }
0x62: {  	_ =	shalt  }
0x63: {  	_ =	shalt  }
0x64: {  	_ =	shalt  }
0x65: {  	_ =	shalt  }
0x66: {  	_ =	shalt  }
0x67: {  	_ =	shalt  }
0x68: {  	_ =	shalt  }
0x69: {  	_ =	shalt  }
0x6a: {  	_ =	shalt  }
0x6b: {  	_ =	shalt  }
0x6c: {  	_ =	shalt  }
0x6d: {  	_ =	shalt  }
0x6e: {  	_ =	shalt  }
0x6f: {  	_ =	shalt  }
0x70: {  	_ =	shalt  }
0x71: {  	_ =	shalt  }
0x72: {  	_ =	shalt  }
0x73: {  	_ =	shalt  }
0x74: {  	_ =	shalt  }
0x75: {  	_ =	shalt  }
0x76: {  	_ =	shalt  }
0x77: {  	_ =	shalt  }
0x78: {  	_ =	shalt  }
0x79: {  	_ =	shalt  }
0x7a: {  	_ =	shalt  }
0x7b: {  	_ =	shalt  }
0x7c: {  	_ =	shalt  }
0x7d: {  	_ =	shalt  }
0x7e: {  	_ =	shalt  }
0x7f: {  	_ =	shalt  }
0x80: {  	_ =	shalt  }
0x81: {  	_ =	shalt  }
0x82: {  	_ =	shalt  }
0x83: {  	_ =	shalt  }
0x84: {  	_ =	shalt  }
0x85: {  	_ =	shalt  }
0x86: {  	_ =	shalt  }
0x87: {  	_ =	shalt  }
.Lfunc_end0:
.L_simem_size_0:
called_computation.1_lowered:
.L_overlay_start_0:
0x88: {  	s2 =	sld [smem:$0x3FD9]  }
0x89: {  	s3 =	sld [smem:$0x3FFE];
	_ =	sdelay $0x1  }
0x8a: {  	s1 =	srdreg.scid  }
0x8b: {  	s0 =	sand.u32 $0x1, s1  }
0x8c: {  	s17 =	sshll.u32 s0, $0xA;
	s2 =	sadd.s32 s3, s2  }
0x8d: {  	s2 =	sadd.s32 s2, s17  }
0x8e: {  	[smem:$0x3FC4] =	sst s2  }
0x8f: {  	_ = 	snop  }
0x90: {  	s18 =	sld [smem:$0x3FC8]  }
0x91: {  	s4 =	sld [smem:$0x3FC6];
	(tm) =	ssettm $0x1  }
0x92: {  	s19 =	sld [smem:$0x3FFB];
	_ =	sdelay $0x3  }
0x93: {  	_ =	strace s19  }
0x94: {  	s2 =	sld [smem:$0x3FFC];
	_ =	sdelay $0x3  }
0x95: {  	_ =	strace s2  }
0x96: {  	s2 =	sld [smem:$0x3FFD];
	_ =	sdelay $0x3  }
0x97: {  	_ =	strace s2  }
0x98: {  	_ =	strace $0x8FFFFFFF  }
0x99: {  	s20 =	sld [smem:$0x3FDB];
	_ =	sdelay $0x1  }
0x9a: {  	s5 =	simm.s32 $_scs_section_size  }
0x9b: {  	s6 =	simm.s32 $_size__tile_overlayer_lowered;
	s7 =	simm.s32 $_tile_overlayer_lowered  }
0x9c: {  	s8 =	simm.s32 $0x1BFF;
	s21 =	sshll.u32 s7, $0x1;
	s5 =	sadd.s32 s5, s20  }
0x9d: {  	s22 =	simm.s32 $0x0;
	s6 =	sshll.u32 s6, $0x1;
	s7 =	sadd.s32 s21, s5  }
0x9e: {  	[timem:s22], [sflag:s8] =	dma.local [hbm:s7], s6  }
0x9f: {  	_ =	swait.ge [sflag:s8], s6  }
0xa0: {  	s6 =	ssub.s32 $0x0, s6;
	[sflag:s8] =	ssyncset.done $0x0  }
0xa1: {  	[sflag:s8] =	ssyncadd.s32 s6;
	_ =	sdelay $0x1  }
0xa2: {  	s23 =	simm.s32 $0x1B8B  }
0xa3: {  	_ =	swait.ge [sflag:s23], $0x1  }
0xa4: {  	[sflag:s23] =	ssyncset.done $0x0  }
0xa5: {  	[sflag:s23] =	ssyncadd.s32 $0xFFFFFFFF  }
0xa6: {  	s6 =	sld [smem:$0x0]  }
0xa7: {  	s7 =	sand.u32 $0xFFFFFFFE, s1  }
0xa8: {  	p0 =	sne.s32 s1, s7  }
0xa9: {  	s7 =	sshll.u32 @p0 s7, $0xE  }
0xaa: {  	s7 =	sadd.s32 @p0 $0x11B8D, s7;
	s8 =	sshll.u32 @p0 s6, $0x11  }
0xab: {  	s7 =	sor.u32 @p0 s8, s7  }
0xac: {  	[sflag:s7] =	ssyncadd.remote.s32 @p0 $0x1;
	_ =	sdelay $0x1  }
0xad: {  	s7 =	simm.s32 @p0 $0x1B8D  }
0xae: {  	_ =	swait.eq @p0 [sflag:s7], $0x1  }
0xaf: {  	[sflag:s7] =	ssyncadd.s32 @p0 $0xFFFFFFFF  }
0xb0: {  	s8 =	sshll.u32 @!p0 s1, $0xE  }
0xb1: {  	s8 =	sor.u32 @!p0 $0x4000, s8;
	s7 =	simm.s32 @!p0 $0x1B8D  }
0xb2: {  	s6 =	sshll.u32 @!p0 s6, $0x11;
	s8 =	sadd.s32 @!p0 $0x11B8D, s8;
	_ =	swait.eq @!p0 [sflag:s7], $0x1  }
0xb3: {  	s6 =	sor.u32 @!p0 s6, s8;
	[sflag:s7] =	ssyncadd.s32 @!p0 $0xFFFFFFFF  }
0xb4: {  	s25 =	simm.s32 $0x1B8E;
	s24 =	sld [smem:$0x3FFE];
	[sflag:s6] =	ssyncadd.remote.s32 @!p0 $0x1  }
0xb5: {  	s26 =	simm.s32 $execute0_lowered;
	[smem:$0x3FD2] =	sst s25  }
0xb6: {  	s7 =	sshll.u32 s26, $0x1;
	_ =	strace $0x80000049;
	[dreg:$0x1] =	wrdreg $0xFFFFFFFF  }
0xb7: {  	s28 =	simm.s32 $_size_execute0_lowered;
	s5 =	sadd.s32 s5, s7;
	[dreg:$0x0] =	wrdreg $0x0  }
0xb8: {  	s7 =	sshll.u32 s28, $0x1;
	[dreg:$0x2] =	wrdreg s5  }
0xb9: {  	[dreg:$0x3] =	wrdreg s7  }
0xba: {  	[dreg:$0x4] =	wrdreg $0xC0  }
0xbb: {  	_ =	task [dreg:s22], $0x5FFFF  }
0xbc: {  	[dreg:$0x1] =	wrdreg $0xFFFFFFFF  }
0xbd: {  	[dreg:$0x0] =	wrdreg $0x60  }
0xbe: {  	[dreg:$0x2] =	wrdreg s24  }
0xbf: {  	[dreg:$0x3] =	wrdreg s4  }
0xc0: {  	[dreg:$0x4] =	wrdreg s18  }
0xc1: {  	[dreg:$0x5] =	wrdreg $0x9  }
0xc2: {  	_ =	task.clear_ibuf [dreg:s22], $0x6FFFF;
	_ =	strace $0x90000049  }
0xc3: {  	s29 =	simm.s32 $0x9;
	_ =	strace $0x8000004B  }
0xc4: {  	_ =	swait.ge [sflag:s29], $0x1  }
0xc5: {  	[sflag:s29] =	ssyncadd.s32 $0xFFFFFFFF  }
0xc6: {  	_ =	strace $0x9000004B  }
0xc7: {  	_ =	sfence  }
0xc8: {  	s30 =	sld [smem:$0x0];
	_ =	sdelay $0x2  }
0xc9: {  	s31 =	sshll.u32 s1, $0xD;
	s1 =	sshrl.u32 s1, $0x2  }
0xca: {  	s4 =	sand.u32 $0x4000, s31;
	s1 =	sadd.s32 s1, s30  }
0xcb: {  	s0 =	sor.u32 s4, s0;
	s1 =	sshll.u32 s1, $0x11  }
0xcc: {  	s0 =	sor.u32 s1, s0  }
0xcd: {  	s0 =	sadd.s32 $0x8F2B, s0  }
0xce: {  	[sflag:s0] =	ssyncadd.remote.s32 $0x1  }
0xcf: {  	_ =	sfence.sel $0xFFFF  }
0xd0: {  	[dreg:$0x0] =	wrdreg $0xFFFFFFFF;
	(pc) =	sbr.abs _section_cstart, $3  }
0xd1: {  	[dreg:$0x1] =	wrdreg $0xFFFFFFFF  }
0xd2: {  	_ =	task.clear_ibuf [dreg:s22], $0x2FFFF;
	_ =	strace $0x9FFFFFFF  }
0xd3: {  	(tm) =	ssettm $0x7FFFFFFF  }
tec
execute0_lowered:
.L_overlay_start_1:
0x0: {  	(tag) =	ssettag $0x1  }
0x1: {  	s12 =	rddreg [dreg:$0x0];
	s1 =	srdreg.scid  }
0x2: {  	s2 =	rddreg [dreg:$0x1];
	s0 =	stileid.u32;
	s11 =	sand.u32 $0x1, s1  }
0x3: {  	s4 =	rddreg [dreg:$0x2];
	s5 =	sshll.u32 s0, $0xA;
	s6 =	sshll.u32 s11, $0x9  }
0x4: {  	s3 =	simm.s32 $0x0;
	s1 =	rddreg [dreg:$0x3];
	s13 =	sor.u32 s6, s5  }
0x5: {  	[smem:$0x7FF] =	sst s3;
	s14 =	sshrl.u32 s13, $0x3  }
0x6: {  	_ =	strace $0x8000004A;
	s5 =	sadd.s32 s4, s14;
	s4 =	simm.s32 $0x3  }
0x7: {  	[tilespmem:s3], [sflag:$0x3] =	stream.linear.gather [hbm4b:s5+s3], $0x200, $0x38;
	[tilespmem:$0x2400] =	vst v63  }
0x8: {  	_ =	swait.ge [sflag:s4], $0x200  }
0x9: {  	[sflag:s4] =	ssyncset.done $0x0  }
0xa: {  	s7 =	simm.s32 $0x200;
	s6 =	sadd.s32 $0xF65400, s12;
	[sflag:s4] =	ssyncadd.s32 $0xFFFFFE00  }
0xb: {  	[tilespmem:s7], [sflag:$0x1] =	stream.indirect.gather [hbm4b:s6+s7], $0x10, s3, s7, $0xb8;
	[tilespmem:$0x2400] =	vst v63  }
0xc: {  	s8 =	simm.s32 $0x2200;
	s9 =	simm.s32 $0x1  }
0xd: {  	[tilespmem:s8], [sflag:$0x2] =	stream.indirect.gather [hbm4b:s2+s7], $0x1, s3, s7, $0xb8;
	[tilespmem:$0x2400] =	vst v63  }
0xe: {  	_ =	swait.ge [sflag:s9], $0x2000  }
0xf: {  	s10 =	simm.s32 $0x2;
	[sflag:s9] =	ssyncset.done $0x0  }
0x10: {  	s15 =	ssub.s32 $0x2, s11;
	s13 =	sshll.u32 s13, $0x1;
	[sflag:s9] =	ssyncadd.s32 $0xFFFFE000  }
0x11: {  	s31 =	sshrl.u32 s15, $0x1;
	s13 =	sadd.s32 s13, s12;
	_ =	swait.ge [sflag:s10], $0x200  }
0x12: {  	s11 =	sadd.s32 $0x23000, s13;
	s13 =	ssub.s32 s15, s31;
	[sflag:s10] =	ssyncset.done $0x0  }
0x13: {  	s13 =	smax.u32 s13, $0x1;
	[sflag:s10] =	ssyncadd.s32 $0xFFFFFE00  }
0x14: {  	[hbm4b:s11+s3] =	stream.linear.scatter [tilespmem:s7], [sflag:$0x3], $0x2000, $0x38;
	[tilespmem:$0x2400] =	vst v63  }
0x15: {  	p0 =	sne.s32 s13, $0x1;
	_ =	swait.ge [sflag:s4], $0x2000  }
.Ltmp0:
0x16: {  	s12 =	sadd.s32 s14, s12;
	[sflag:s4] =	ssyncset.done $0x0;
	(pc) =	sbr.rel @!p0 .LBB2_2-.Ltmp0, $4  }
0x17: {  	s12 =	sadd.s32 $0x2B000, s12;
	[sflag:s4] =	ssyncadd.s32 $0xFFFFE000  }
0x18: {  	[hbm4b:s12+s3] =	stream.linear.scatter [tilespmem:s8], [sflag:$0x3], $0x200, $0x38;
	[tilespmem:$0x2400] =	vst v63  }
0x19: {  	_ =	swait.ge [sflag:s4], $0x200  }
0x1a: {  	s13 =	sadd.s32 $0xFFFFFFFF, s13;
	[sflag:s4] =	ssyncset.done $0x0  }
.LBB2_1:
0x1b: {  	p0 =	sne.s32 s13, $0x1;
	s13 =	sadd.s32 $0xFFFFFFFF, s13;
	[sflag:s4] =	ssyncadd.s32 $0xFFFFFE00  }
0x1c: {  	[tilespmem:s3], [sflag:$0x3] =	stream.linear.gather [hbm4b:s5+s3], $0x200, $0x38;
	[tilespmem:$0x2400] =	vst v63  }
0x1d: {  	_ =	swait.ge [sflag:s4], $0x200  }
0x1e: {  	[sflag:s4] =	ssyncset.done $0x0  }
0x1f: {  	[sflag:s4] =	ssyncadd.s32 $0xFFFFFE00  }
0x20: {  	[tilespmem:s7], [sflag:$0x1] =	stream.indirect.gather [hbm4b:s6+s7], $0x10, s3, s7, $0xb8;
	[tilespmem:$0x2400] =	vst v63  }
0x21: {  	_ = 	snop  }
0x22: {  	[tilespmem:s8], [sflag:$0x2] =	stream.indirect.gather [hbm4b:s2+s7], $0x1, s3, s7, $0xb8;
	[tilespmem:$0x2400] =	vst v63  }
0x23: {  	_ =	swait.ge [sflag:s9], $0x2000  }
0x24: {  	[sflag:s9] =	ssyncset.done $0x0  }
0x25: {  	[sflag:s9] =	ssyncadd.s32 $0xFFFFE000  }
0x26: {  	_ =	swait.ge [sflag:s10], $0x200  }
0x27: {  	[sflag:s10] =	ssyncset.done $0x0  }
0x28: {  	[sflag:s10] =	ssyncadd.s32 $0xFFFFFE00  }
0x29: {  	[hbm4b:s11+s3] =	stream.linear.scatter [tilespmem:s7], [sflag:$0x3], $0x2000, $0x38;
	[tilespmem:$0x2400] =	vst v63  }
0x2a: {  	_ =	swait.ge [sflag:s4], $0x2000  }
.Ltmp1:
0x2b: {  	[sflag:s4] =	ssyncset.done $0x0;
	(pc) =	sbr.rel @p0 .LBB2_1-.Ltmp1, $4  }
0x2c: {  	[sflag:s4] =	ssyncadd.s32 $0xFFFFE000  }
0x2d: {  	[hbm4b:s12+s3] =	stream.linear.scatter [tilespmem:s8], [sflag:$0x3], $0x200, $0x38;
	[tilespmem:$0x2400] =	vst v63  }
0x2e: {  	_ =	swait.ge [sflag:s4], $0x200  }
0x2f: {  	[sflag:s4] =	ssyncset.done $0x0  }
.LBB2_2:
0x30: {  	[sflag:s4] =	ssyncadd.s32 $0xFFFFFE00  }
0x31: {  	_ =	sfence.sel $0x180000  }
0x32: {  	[bflag:$0x0] =	sbarrier.arrive $0xFFFF  }
0x33: {  	p0 =	sne.s32 s0, $0x0;
	_ =	strace $0x9000004A  }
0x34: {  	s0 =	sadd.s32 @!p0 $0x100000, s1;
	[bflag:$0x2] =	sbarrier.arrive $0xFFFF  }
0x35: {  	[sflag:s0] =	ssyncadd.tile.s32 @!p0 $0x1;
	_ =	shalt  }
.Lfunc_end2:
_tile_overlayer_lowered:
.L_overlay_start_2:
0x36: {  	(tag) =	ssettag $0x2  }
0x37: {  	s0 =	rddreg [dreg:$0x0];
	s2 =	stileid.u32  }
0x38: {  	s1 =	rddreg [dreg:$0x1];
	p0 =	sne.s32 s2, $0x0  }
0x39: {  	s3 =	rddreg [dreg:$0x2];
	[bflag:$0x3] =	sbarrier.arrive $0xFFFF;
	s2 =	simm.s32 @!p0 $0x1C03  }
0x3a: {  	[timem:s3], [sflag:s2] =	dma.local @!p0 [hbm:s0], s1  }
0x3b: {  	s0 =	simm.s32 @!p0 $0x3  }
0x3c: {  	_ =	swait.ge @!p0 [sflag:s0], s1  }
0x3d: {  	s1 =	ssub.s32 @!p0 $0x0, s1;
	[sflag:s0] =	ssyncset.done @!p0 $0x0  }
0x3e: {  	[sflag:s0] =	ssyncadd.s32 @!p0 s1  }
0x3f: {  	[bflag:$0x3] =	sbarrier.arrive $0xFFFF  }
0x40: {  	_ =	shalt  }

// kernel: kernel.15.cloned.1.call-start
scs
__scs_entry_jumppad:
0x0: {  	(pc) =	sbr.rel $0x88, $3  }
0x1: {  	(tag) =	ssettag $0x0;
	lr =	simm.s32 $0x1  }
0x2: {  	[smem:$0x3F9D] =	sst lr;
	_ =	strace $0xD0000000  }
0x3: {  	_ = 	snop  }
0x4: {  	_ = 	snop  }
0x5: {  	_ = 	snop  }
0x6: {  	_ = 	snop  }
0x7: {  	_ = 	snop  }
__scs_overlays_trampoline_lowered:
0x8: {  	[smem:$0x3FAC] =	sst s0  }
0x9: {  	[smem:$0x3FAD] =	sst s1  }
0xa: {  	[smem:$0x3FAE] =	sst s2  }
0xb: {  	[smem:$0x3FAF] =	sst s3  }
0xc: {  	[smem:$0x3FB0] =	sst s4  }
0xd: {  	[smem:$0x3FB1] =	sst s5  }
0xe: {  	[smem:$0x3FB2] =	sst s6  }
0xf: {  	[smem:$0x3FB3] =	sst s7  }
0x10: {  	[smem:$0x3FB4] =	sst s8  }
0x11: {  	[smem:$0x3FB5] =	sst s9;
	s0 =	simm.s32 @!p0 $0x0  }
0x12: {  	s1 =	sld [smem:$0x3F9B];
	s0 =	simm.s32 @p0 $0x1  }
0x13: {  	[smem:$0x3FB6] =	sst s0;
	s0 =	simm.s32 @!p1 $0x0  }
0x14: {  	s2 =	sld [smem:$0x3F9A];
	s0 =	simm.s32 @p1 $0x1  }
0x15: {  	[smem:$0x3FB7] =	sst s0;
	s0 =	simm.s32 @!p2 $0x0  }
0x16: {  	s3 =	sld [smem:$0x3FDB];
	s0 =	simm.s32 @p2 $0x1  }
0x17: {  	s4 =	simm.s32 $0x1BF5;
	[smem:$0x3FB9] =	sst s0  }
0x18: {  	s0 =	sld [smem:$0x3F9C];
	_ =	swait.ge [sflag:s4], $0x0  }
0x19: {  	s7 =	sld [smem:$0x3F9D]  }
0x1a: {  	s8 =	sadd.s32 $0xFFFFE003, lr  }
0x1b: {  	s9 =	sadd.s32 $0xFFFFFEF7, lr;
	s5 =	simm.s32 $0xFFFFFFFF;
	p2 =	slt.u32 s8, $0xFFFFF086  }
0x1c: {  	p1 =	slt.u32 s9, $0xF7A;
	s5 =	simm.s32 @!p2 $0x0  }
0x1d: {  	s5 =	simm.s32 @p1 $0x1;
	p0 =	seq.s32 s7, s2  }
0x1e: {  	s7 =	smul.u32 @!p0 $0xF7A, s2;
	p2 =	seq.s32 @!p0 s5, $0x0  }
0x1f: {  	s9 =	smul.u32 $0xF7A, s1;
	s8 =	simm.s32 @!p0 $0x1BF5;
	p2 =	por !p2, p0  }
0x20: {  	[sflag:s8] =	ssyncset.s32 @!p0 $0xFFFFF086;
	s6 =	sadd.s32 @!p0 s3, s7;
	s7 =	simm.s32 @!p0 $0x108  }
0x21: {  	s3 =	sadd.s32 s3, s9;
	s6 =	sadd.s32 @!p0 $0x88, s6;
	s7 =	simm.s32 @p2 $0x1082  }
0x22: {  	[simem:s7], [sflag:s8] =	dma.local @!p0 [hbm:s6], $0xF7A  }
0x23: {  	s9 =	sor.u32 $0xD0000000, s2;
	s6 =	simm.s32 $0x108;
	_ =	swait.ge @!p0 [sflag:s8], $0x0  }
0x24: {  	s3 =	sadd.s32 $0x88, s3;
	s6 =	simm.s32 @!p1 $0x1082;
	[sflag:s4] =	ssyncset.s32 $0xFFFFF086  }
0x25: {  	[simem:s6], [sflag:s4] =	dma.local [hbm:s3], $0xF7A  }
0x26: {  	[smem:$0x3F9D] =	sst s1;
	(tag) =	ssettag s2;
	_ =	strace s9  }
0x27: {  	s1 =	sld [smem:$0x3FAD]  }
0x28: {  	s2 =	sld [smem:$0x3FAE]  }
0x29: {  	s4 =	sld [smem:$0x3FB0]  }
0x2a: {  	p0 =	seq.s32 s5, $0x0;
	s5 =	sld [smem:$0x3FB1]  }
0x2b: {  	s6 =	sld [smem:$0x3FB2]  }
0x2c: {  	s7 =	sld [smem:$0x3FB3]  }
0x2d: {  	s3 =	simm.s32 $0x108;
	s8 =	sld [smem:$0x3FB4]  }
0x2e: {  	s3 =	simm.s32 @!p0 $0x1082;
	s9 =	sld [smem:$0x3FB5]  }
0x2f: {  	lr =	sadd.s32 s0, s3;
	s0 =	sld [smem:$0x3FAC]  }
0x30: {  	s3 =	sld [smem:$0x3FAF]  }
0x31: {  	[smem:$0x3FB8] =	sst s10  }
0x32: {  	s10 =	sld [smem:$0x3FB6];
	_ =	sdelay $0x3  }
0x33: {  	p0 =	seq.s32 s10, $0x1;
	s10 =	sld [smem:$0x3FB8];
	_ =	sdelay $0x3  }
0x34: {  	[smem:$0x3FB8] =	sst s10  }
0x35: {  	s10 =	sld [smem:$0x3FB7];
	_ =	sdelay $0x3  }
0x36: {  	p1 =	seq.s32 s10, $0x1;
	s10 =	sld [smem:$0x3FB8];
	_ =	sdelay $0x3  }
0x37: {  	[smem:$0x3FB8] =	sst s10  }
0x38: {  	s10 =	sld [smem:$0x3FB9]  }
0x39: {  	_ = 	snop;
	(pc) =	sbr.ind lr, $3  }
0x3a: {  	_ = 	snop  }
0x3b: {  	_ = 	snop  }
0x3c: {  	p2 =	seq.s32 s10, $0x1;
	s10 =	sld [smem:$0x3FB8]  }
0x3d: {  	_ =	shalt  }
0x3e: {  	_ =	shalt  }
0x3f: {  	_ =	shalt  }
0x40: {  	_ =	shalt  }
0x41: {  	_ =	shalt  }
0x42: {  	_ =	shalt  }
0x43: {  	_ =	shalt  }
0x44: {  	_ =	shalt  }
0x45: {  	_ =	shalt  }
0x46: {  	_ =	shalt  }
0x47: {  	_ =	shalt  }
0x48: {  	_ =	shalt  }
0x49: {  	_ =	shalt  }
0x4a: {  	_ =	shalt  }
0x4b: {  	_ =	shalt  }
0x4c: {  	_ =	shalt  }
0x4d: {  	_ =	shalt  }
0x4e: {  	_ =	shalt  }
0x4f: {  	_ =	shalt  }
0x50: {  	_ =	shalt  }
0x51: {  	_ =	shalt  }
0x52: {  	_ =	shalt  }
0x53: {  	_ =	shalt  }
0x54: {  	_ =	shalt  }
0x55: {  	_ =	shalt  }
0x56: {  	_ =	shalt  }
0x57: {  	_ =	shalt  }
0x58: {  	_ =	shalt  }
0x59: {  	_ =	shalt  }
0x5a: {  	_ =	shalt  }
0x5b: {  	_ =	shalt  }
0x5c: {  	_ =	shalt  }
0x5d: {  	_ =	shalt  }
0x5e: {  	_ =	shalt  }
0x5f: {  	_ =	shalt  }
0x60: {  	_ =	shalt  }
0x61: {  	_ =	shalt  }
0x62: {  	_ =	shalt  }
0x63: {  	_ =	shalt  }
0x64: {  	_ =	shalt  }
0x65: {  	_ =	shalt  }
0x66: {  	_ =	shalt  }
0x67: {  	_ =	shalt  }
0x68: {  	_ =	shalt  }
0x69: {  	_ =	shalt  }
0x6a: {  	_ =	shalt  }
0x6b: {  	_ =	shalt  }
0x6c: {  	_ =	shalt  }
0x6d: {  	_ =	shalt  }
0x6e: {  	_ =	shalt  }
0x6f: {  	_ =	shalt  }
0x70: {  	_ =	shalt  }
0x71: {  	_ =	shalt  }
0x72: {  	_ =	shalt  }
0x73: {  	_ =	shalt  }
0x74: {  	_ =	shalt  }
0x75: {  	_ =	shalt  }
0x76: {  	_ =	shalt  }
0x77: {  	_ =	shalt  }
0x78: {  	_ =	shalt  }
0x79: {  	_ =	shalt  }
0x7a: {  	_ =	shalt  }
0x7b: {  	_ =	shalt  }
0x7c: {  	_ =	shalt  }
0x7d: {  	_ =	shalt  }
0x7e: {  	_ =	shalt  }
0x7f: {  	_ =	shalt  }
0x80: {  	_ =	shalt  }
0x81: {  	_ =	shalt  }
0x82: {  	_ =	shalt  }
0x83: {  	_ =	shalt  }
0x84: {  	_ =	shalt  }
0x85: {  	_ =	shalt  }
0x86: {  	_ =	shalt  }
0x87: {  	_ =	shalt  }
.Lfunc_end0:
.L_simem_size_0:
called_computation.2_lowered:
.L_overlay_start_0:
0x88: {  	s2 =	sld [smem:$0x3FD9]  }
0x89: {  	s3 =	sld [smem:$0x3FFE];
	_ =	sdelay $0x1  }
0x8a: {  	s1 =	srdreg.scid  }
0x8b: {  	s0 =	sand.u32 $0x1, s1  }
0x8c: {  	s17 =	sshll.u32 s0, $0xA;
	s2 =	sadd.s32 s3, s2  }
0x8d: {  	s2 =	sadd.s32 s2, s17  }
0x8e: {  	[smem:$0x3FC4] =	sst s2  }
0x8f: {  	_ = 	snop  }
0x90: {  	s18 =	sld [smem:$0x3FC6];
	(tm) =	ssettm $0x1  }
0x91: {  	s19 =	sld [smem:$0x3FFB];
	_ =	sdelay $0x3  }
0x92: {  	_ =	strace s19  }
0x93: {  	s2 =	sld [smem:$0x3FFC];
	_ =	sdelay $0x3  }
0x94: {  	_ =	strace s2  }
0x95: {  	s2 =	sld [smem:$0x3FFD];
	_ =	sdelay $0x3  }
0x96: {  	_ =	strace s2  }
0x97: {  	_ =	strace $0x8FFFFFFF  }
0x98: {  	s20 =	sld [smem:$0x3FDB];
	_ =	sdelay $0x1  }
0x99: {  	s4 =	simm.s32 $_scs_section_size  }
0x9a: {  	s5 =	simm.s32 $_size__tile_overlayer_lowered;
	s6 =	simm.s32 $_tile_overlayer_lowered  }
0x9b: {  	s7 =	simm.s32 $0x1BFF;
	s21 =	sshll.u32 s6, $0x1;
	s4 =	sadd.s32 s4, s20  }
0x9c: {  	s22 =	simm.s32 $0x0;
	s5 =	sshll.u32 s5, $0x1;
	s6 =	sadd.s32 s21, s4  }
0x9d: {  	[timem:s22], [sflag:s7] =	dma.local [hbm:s6], s5  }
0x9e: {  	_ =	swait.ge [sflag:s7], s5  }
0x9f: {  	s5 =	ssub.s32 $0x0, s5;
	[sflag:s7] =	ssyncset.done $0x0  }
0xa0: {  	[sflag:s7] =	ssyncadd.s32 s5;
	_ =	sdelay $0x1  }
0xa1: {  	s23 =	simm.s32 $0x1B8B  }
0xa2: {  	_ =	swait.ge [sflag:s23], $0x1  }
0xa3: {  	[sflag:s23] =	ssyncset.done $0x0  }
0xa4: {  	[sflag:s23] =	ssyncadd.s32 $0xFFFFFFFF  }
0xa5: {  	s5 =	sld [smem:$0x0]  }
0xa6: {  	s6 =	sand.u32 $0xFFFFFFFE, s1  }
0xa7: {  	p0 =	sne.s32 s1, s6  }
0xa8: {  	s6 =	sshll.u32 @p0 s6, $0xE  }
0xa9: {  	s6 =	sadd.s32 @p0 $0x11B8D, s6;
	s7 =	sshll.u32 @p0 s5, $0x11  }
0xaa: {  	s6 =	sor.u32 @p0 s7, s6  }
0xab: {  	[sflag:s6] =	ssyncadd.remote.s32 @p0 $0x1;
	_ =	sdelay $0x1  }
0xac: {  	s6 =	simm.s32 @p0 $0x1B8D  }
0xad: {  	_ =	swait.eq @p0 [sflag:s6], $0x1  }
0xae: {  	[sflag:s6] =	ssyncadd.s32 @p0 $0xFFFFFFFF  }
0xaf: {  	s7 =	sshll.u32 @!p0 s1, $0xE  }
0xb0: {  	s7 =	sor.u32 @!p0 $0x4000, s7;
	s6 =	simm.s32 @!p0 $0x1B8D  }
0xb1: {  	s5 =	sshll.u32 @!p0 s5, $0x11;
	s7 =	sadd.s32 @!p0 $0x11B8D, s7;
	_ =	swait.eq @!p0 [sflag:s6], $0x1  }
0xb2: {  	s5 =	sor.u32 @!p0 s5, s7;
	[sflag:s6] =	ssyncadd.s32 @!p0 $0xFFFFFFFF  }
0xb3: {  	s25 =	simm.s32 $0x1B8E;
	s24 =	sld [smem:$0x3FFE];
	[sflag:s5] =	ssyncadd.remote.s32 @!p0 $0x1  }
0xb4: {  	s26 =	simm.s32 $execute0_lowered;
	[smem:$0x3FD2] =	sst s25  }
0xb5: {  	s6 =	sshll.u32 s26, $0x1;
	_ =	strace $0x8000004C;
	[dreg:$0x1] =	wrdreg $0xFFFFFFFF  }
0xb6: {  	s28 =	simm.s32 $_size_execute0_lowered;
	s4 =	sadd.s32 s4, s6;
	[dreg:$0x0] =	wrdreg $0x0  }
0xb7: {  	s6 =	sshll.u32 s28, $0x1;
	[dreg:$0x2] =	wrdreg s4  }
0xb8: {  	[dreg:$0x3] =	wrdreg s6  }
0xb9: {  	[dreg:$0x4] =	wrdreg $0xC0  }
0xba: {  	_ =	task [dreg:s22], $0x5FFFF  }
0xbb: {  	[dreg:$0x1] =	wrdreg $0xFFFFFFFF  }
0xbc: {  	[dreg:$0x0] =	wrdreg $0x60  }
0xbd: {  	[dreg:$0x2] =	wrdreg s24  }
0xbe: {  	[dreg:$0x3] =	wrdreg s18  }
0xbf: {  	[dreg:$0x4] =	wrdreg $0xA  }
0xc0: {  	_ =	task.clear_ibuf [dreg:s22], $0x5FFFF;
	_ =	strace $0x9000004C  }
0xc1: {  	s29 =	simm.s32 $0xA;
	_ =	strace $0x8000004E  }
0xc2: {  	_ =	swait.ge [sflag:s29], $0x1  }
0xc3: {  	[sflag:s29] =	ssyncadd.s32 $0xFFFFFFFF  }
0xc4: {  	_ =	strace $0x9000004E  }
0xc5: {  	_ =	sfence  }
0xc6: {  	s30 =	sld [smem:$0x0];
	_ =	sdelay $0x2  }
0xc7: {  	s31 =	sshll.u32 s1, $0xD;
	s1 =	sshrl.u32 s1, $0x2  }
0xc8: {  	s4 =	sand.u32 $0x4000, s31;
	s1 =	sadd.s32 s1, s30  }
0xc9: {  	s0 =	sor.u32 s4, s0;
	s1 =	sshll.u32 s1, $0x11  }
0xca: {  	s0 =	sor.u32 s1, s0  }
0xcb: {  	s0 =	sadd.s32 $0x8F2B, s0  }
0xcc: {  	[sflag:s0] =	ssyncadd.remote.s32 $0x1  }
0xcd: {  	_ =	sfence.sel $0xFFFF  }
0xce: {  	[dreg:$0x0] =	wrdreg $0xFFFFFFFF;
	(pc) =	sbr.abs _section_cstart, $3  }
0xcf: {  	[dreg:$0x1] =	wrdreg $0xFFFFFFFF  }
0xd0: {  	_ =	task.clear_ibuf [dreg:s22], $0x2FFFF;
	_ =	strace $0x9FFFFFFF  }
0xd1: {  	(tm) =	ssettm $0x7FFFFFFF  }
tec
execute0_lowered:
.L_overlay_start_1:
0x0: {  	(tag) =	ssettag $0x1  }
0x1: {  	s1 =	srdreg.scid  }
0x2: {  	s0 =	stileid.u32;
	s11 =	sand.u32 $0x1, s1  }
0x3: {  	s12 =	rddreg [dreg:$0x0];
	s29 =	sshll.u32 s0, $0x7;
	s3 =	sshll.u32 s11, $0x6  }
0x4: {  	s2 =	rddreg [dreg:$0x1];
	s13 =	sor.u32 s3, s29  }
0x5: {  	s1 =	rddreg [dreg:$0x2];
	s3 =	simm.s32 $0x0;
	s4 =	sshrl.u32 s13, $0x3  }
0x6: {  	[smem:$0x7FF] =	sst s3;
	s14 =	sadd.s32 s4, s12  }
0x7: {  	_ =	strace $0x8000004D;
	s4 =	simm.s32 $0x3;
	s5 =	sadd.s32 $0x2400, s14  }
0x8: {  	[tilespmem:s3], [sflag:$0x3] =	stream.linear.gather [hbm4b:s5+s3], $0x40, $0x38;
	[tilespmem:$0x480] =	vst v63  }
0x9: {  	_ =	swait.ge [sflag:s4], $0x40  }
0xa: {  	[sflag:s4] =	ssyncset.done $0x0  }
0xb: {  	s7 =	simm.s32 $0x40;
	s6 =	sadd.s32 $0xF65400, s12;
	[sflag:s4] =	ssyncadd.s32 $0xFFFFFFC0  }
0xc: {  	[tilespmem:s7], [sflag:$0x1] =	stream.indirect.gather [hbm4b:s6+s7], $0x10, s3, s7, $0xb8;
	[tilespmem:$0x480] =	vst v63  }
0xd: {  	s8 =	simm.s32 $0x440;
	s9 =	simm.s32 $0x1  }
0xe: {  	[tilespmem:s8], [sflag:$0x2] =	stream.indirect.gather [hbm4b:s2+s7], $0x1, s3, s7, $0xb8;
	[tilespmem:$0x480] =	vst v63  }
0xf: {  	_ =	swait.ge [sflag:s9], $0x400  }
0x10: {  	[sflag:s9] =	ssyncset.done $0x0  }
0x11: {  	s10 =	simm.s32 $0x2;
	s30 =	ssub.s32 $0x2, s11;
	[sflag:s9] =	ssyncadd.s32 $0xFFFFFC00  }
0x12: {  	s31 =	sshrl.u32 s30, $0x1;
	s13 =	sshll.u32 s13, $0x1;
	_ =	swait.ge [sflag:s10], $0x40  }
0x13: {  	s12 =	sadd.s32 s13, s12;
	s13 =	ssub.s32 s30, s31;
	[sflag:s10] =	ssyncset.done $0x0  }
0x14: {  	s11 =	sadd.s32 $0x2600, s12;
	s13 =	smax.u32 s13, $0x1;
	[sflag:s10] =	ssyncadd.s32 $0xFFFFFFC0  }
0x15: {  	[hbm4b:s11+s3] =	stream.linear.scatter [tilespmem:s7], [sflag:$0x3], $0x400, $0x38;
	[tilespmem:$0x480] =	vst v63  }
0x16: {  	p0 =	sne.s32 s13, $0x1;
	_ =	swait.ge [sflag:s4], $0x400  }
.Ltmp0:
0x17: {  	[sflag:s4] =	ssyncset.done $0x0;
	(pc) =	sbr.rel @!p0 .LBB2_2-.Ltmp0, $4  }
0x18: {  	s12 =	sadd.s32 $0x3600, s14;
	[sflag:s4] =	ssyncadd.s32 $0xFFFFFC00  }
0x19: {  	[hbm4b:s12+s3] =	stream.linear.scatter [tilespmem:s8], [sflag:$0x3], $0x40, $0x38;
	[tilespmem:$0x480] =	vst v63  }
0x1a: {  	_ =	swait.ge [sflag:s4], $0x40  }
0x1b: {  	s13 =	sadd.s32 $0xFFFFFFFF, s13;
	[sflag:s4] =	ssyncset.done $0x0  }
.LBB2_1:
0x1c: {  	p0 =	sne.s32 s13, $0x1;
	s13 =	sadd.s32 $0xFFFFFFFF, s13;
	[sflag:s4] =	ssyncadd.s32 $0xFFFFFFC0  }
0x1d: {  	[tilespmem:s3], [sflag:$0x3] =	stream.linear.gather [hbm4b:s5+s3], $0x40, $0x38;
	[tilespmem:$0x480] =	vst v63  }
0x1e: {  	_ =	swait.ge [sflag:s4], $0x40  }
0x1f: {  	[sflag:s4] =	ssyncset.done $0x0  }
0x20: {  	[sflag:s4] =	ssyncadd.s32 $0xFFFFFFC0  }
0x21: {  	[tilespmem:s7], [sflag:$0x1] =	stream.indirect.gather [hbm4b:s6+s7], $0x10, s3, s7, $0xb8;
	[tilespmem:$0x480] =	vst v63  }
0x22: {  	_ = 	snop  }
0x23: {  	[tilespmem:s8], [sflag:$0x2] =	stream.indirect.gather [hbm4b:s2+s7], $0x1, s3, s7, $0xb8;
	[tilespmem:$0x480] =	vst v63  }
0x24: {  	_ =	swait.ge [sflag:s9], $0x400  }
0x25: {  	[sflag:s9] =	ssyncset.done $0x0  }
0x26: {  	[sflag:s9] =	ssyncadd.s32 $0xFFFFFC00  }
0x27: {  	_ =	swait.ge [sflag:s10], $0x40  }
0x28: {  	[sflag:s10] =	ssyncset.done $0x0  }
0x29: {  	[sflag:s10] =	ssyncadd.s32 $0xFFFFFFC0  }
0x2a: {  	[hbm4b:s11+s3] =	stream.linear.scatter [tilespmem:s7], [sflag:$0x3], $0x400, $0x38;
	[tilespmem:$0x480] =	vst v63  }
0x2b: {  	_ =	swait.ge [sflag:s4], $0x400  }
.Ltmp1:
0x2c: {  	[sflag:s4] =	ssyncset.done $0x0;
	(pc) =	sbr.rel @p0 .LBB2_1-.Ltmp1, $4  }
0x2d: {  	[sflag:s4] =	ssyncadd.s32 $0xFFFFFC00  }
0x2e: {  	[hbm4b:s12+s3] =	stream.linear.scatter [tilespmem:s8], [sflag:$0x3], $0x40, $0x38;
	[tilespmem:$0x480] =	vst v63  }
0x2f: {  	_ =	swait.ge [sflag:s4], $0x40  }
0x30: {  	[sflag:s4] =	ssyncset.done $0x0  }
.LBB2_2:
0x31: {  	[sflag:s4] =	ssyncadd.s32 $0xFFFFFFC0  }
0x32: {  	_ =	sfence.sel $0x180000  }
0x33: {  	[bflag:$0x0] =	sbarrier.arrive $0xFFFF  }
0x34: {  	p0 =	sne.s32 s0, $0x0;
	_ =	strace $0x9000004D  }
0x35: {  	s0 =	sadd.s32 @!p0 $0x100000, s1;
	[bflag:$0x2] =	sbarrier.arrive $0xFFFF  }
0x36: {  	[sflag:s0] =	ssyncadd.tile.s32 @!p0 $0x1;
	_ =	shalt  }
.Lfunc_end2:
_tile_overlayer_lowered:
.L_overlay_start_2:
0x37: {  	(tag) =	ssettag $0x2  }
0x38: {  	s0 =	rddreg [dreg:$0x0];
	s2 =	stileid.u32  }
0x39: {  	s1 =	rddreg [dreg:$0x1];
	p0 =	sne.s32 s2, $0x0  }
0x3a: {  	s3 =	rddreg [dreg:$0x2];
	[bflag:$0x3] =	sbarrier.arrive $0xFFFF;
	s2 =	simm.s32 @!p0 $0x1C03  }
0x3b: {  	[timem:s3], [sflag:s2] =	dma.local @!p0 [hbm:s0], s1  }
0x3c: {  	s0 =	simm.s32 @!p0 $0x3  }
0x3d: {  	_ =	swait.ge @!p0 [sflag:s0], s1  }
0x3e: {  	s1 =	ssub.s32 @!p0 $0x0, s1;
	[sflag:s0] =	ssyncset.done @!p0 $0x0  }
0x3f: {  	[sflag:s0] =	ssyncadd.s32 @!p0 s1  }
0x40: {  	[bflag:$0x3] =	sbarrier.arrive $0xFFFF  }
0x41: {  	_ =	shalt  }

// kernel: kernel.9.cloned.1.call-start
scs
__scs_entry_jumppad:
0x0: {  	(pc) =	sbr.rel $0x88, $3  }
0x1: {  	(tag) =	ssettag $0x0;
	lr =	simm.s32 $0x1  }
0x2: {  	[smem:$0x3F9D] =	sst lr;
	_ =	strace $0xD0000000  }
0x3: {  	_ = 	snop  }
0x4: {  	_ = 	snop  }
0x5: {  	_ = 	snop  }
0x6: {  	_ = 	snop  }
0x7: {  	_ = 	snop  }
__scs_overlays_trampoline_lowered:
0x8: {  	[smem:$0x3FAC] =	sst s0  }
0x9: {  	[smem:$0x3FAD] =	sst s1  }
0xa: {  	[smem:$0x3FAE] =	sst s2  }
0xb: {  	[smem:$0x3FAF] =	sst s3  }
0xc: {  	[smem:$0x3FB0] =	sst s4  }
0xd: {  	[smem:$0x3FB1] =	sst s5  }
0xe: {  	[smem:$0x3FB2] =	sst s6  }
0xf: {  	[smem:$0x3FB3] =	sst s7  }
0x10: {  	[smem:$0x3FB4] =	sst s8  }
0x11: {  	[smem:$0x3FB5] =	sst s9;
	s0 =	simm.s32 @!p0 $0x0  }
0x12: {  	s1 =	sld [smem:$0x3F9B];
	s0 =	simm.s32 @p0 $0x1  }
0x13: {  	[smem:$0x3FB6] =	sst s0;
	s0 =	simm.s32 @!p1 $0x0  }
0x14: {  	s2 =	sld [smem:$0x3F9A];
	s0 =	simm.s32 @p1 $0x1  }
0x15: {  	[smem:$0x3FB7] =	sst s0;
	s0 =	simm.s32 @!p2 $0x0  }
0x16: {  	s3 =	sld [smem:$0x3FDB];
	s0 =	simm.s32 @p2 $0x1  }
0x17: {  	s4 =	simm.s32 $0x1BF5;
	[smem:$0x3FB9] =	sst s0  }
0x18: {  	s0 =	sld [smem:$0x3F9C];
	_ =	swait.ge [sflag:s4], $0x0  }
0x19: {  	s7 =	sld [smem:$0x3F9D]  }
0x1a: {  	s8 =	sadd.s32 $0xFFFFE003, lr  }
0x1b: {  	s9 =	sadd.s32 $0xFFFFFEF7, lr;
	s5 =	simm.s32 $0xFFFFFFFF;
	p2 =	slt.u32 s8, $0xFFFFF086  }
0x1c: {  	p1 =	slt.u32 s9, $0xF7A;
	s5 =	simm.s32 @!p2 $0x0  }
0x1d: {  	s5 =	simm.s32 @p1 $0x1;
	p0 =	seq.s32 s7, s2  }
0x1e: {  	s7 =	smul.u32 @!p0 $0xF7A, s2;
	p2 =	seq.s32 @!p0 s5, $0x0  }
0x1f: {  	s9 =	smul.u32 $0xF7A, s1;
	s8 =	simm.s32 @!p0 $0x1BF5;
	p2 =	por !p2, p0  }
0x20: {  	[sflag:s8] =	ssyncset.s32 @!p0 $0xFFFFF086;
	s6 =	sadd.s32 @!p0 s3, s7;
	s7 =	simm.s32 @!p0 $0x108  }
0x21: {  	s3 =	sadd.s32 s3, s9;
	s6 =	sadd.s32 @!p0 $0x88, s6;
	s7 =	simm.s32 @p2 $0x1082  }
0x22: {  	[simem:s7], [sflag:s8] =	dma.local @!p0 [hbm:s6], $0xF7A  }
0x23: {  	s9 =	sor.u32 $0xD0000000, s2;
	s6 =	simm.s32 $0x108;
	_ =	swait.ge @!p0 [sflag:s8], $0x0  }
0x24: {  	s3 =	sadd.s32 $0x88, s3;
	s6 =	simm.s32 @!p1 $0x1082;
	[sflag:s4] =	ssyncset.s32 $0xFFFFF086  }
0x25: {  	[simem:s6], [sflag:s4] =	dma.local [hbm:s3], $0xF7A  }
0x26: {  	[smem:$0x3F9D] =	sst s1;
	(tag) =	ssettag s2;
	_ =	strace s9  }
0x27: {  	s1 =	sld [smem:$0x3FAD]  }
0x28: {  	s2 =	sld [smem:$0x3FAE]  }
0x29: {  	s4 =	sld [smem:$0x3FB0]  }
0x2a: {  	p0 =	seq.s32 s5, $0x0;
	s5 =	sld [smem:$0x3FB1]  }
0x2b: {  	s6 =	sld [smem:$0x3FB2]  }
0x2c: {  	s7 =	sld [smem:$0x3FB3]  }
0x2d: {  	s3 =	simm.s32 $0x108;
	s8 =	sld [smem:$0x3FB4]  }
0x2e: {  	s3 =	simm.s32 @!p0 $0x1082;
	s9 =	sld [smem:$0x3FB5]  }
0x2f: {  	lr =	sadd.s32 s0, s3;
	s0 =	sld [smem:$0x3FAC]  }
0x30: {  	s3 =	sld [smem:$0x3FAF]  }
0x31: {  	[smem:$0x3FB8] =	sst s10  }
0x32: {  	s10 =	sld [smem:$0x3FB6];
	_ =	sdelay $0x3  }
0x33: {  	p0 =	seq.s32 s10, $0x1;
	s10 =	sld [smem:$0x3FB8];
	_ =	sdelay $0x3  }
0x34: {  	[smem:$0x3FB8] =	sst s10  }
0x35: {  	s10 =	sld [smem:$0x3FB7];
	_ =	sdelay $0x3  }
0x36: {  	p1 =	seq.s32 s10, $0x1;
	s10 =	sld [smem:$0x3FB8];
	_ =	sdelay $0x3  }
0x37: {  	[smem:$0x3FB8] =	sst s10  }
0x38: {  	s10 =	sld [smem:$0x3FB9]  }
0x39: {  	_ = 	snop;
	(pc) =	sbr.ind lr, $3  }
0x3a: {  	_ = 	snop  }
0x3b: {  	_ = 	snop  }
0x3c: {  	p2 =	seq.s32 s10, $0x1;
	s10 =	sld [smem:$0x3FB8]  }
0x3d: {  	_ =	shalt  }
0x3e: {  	_ =	shalt  }
0x3f: {  	_ =	shalt  }
0x40: {  	_ =	shalt  }
0x41: {  	_ =	shalt  }
0x42: {  	_ =	shalt  }
0x43: {  	_ =	shalt  }
0x44: {  	_ =	shalt  }
0x45: {  	_ =	shalt  }
0x46: {  	_ =	shalt  }
0x47: {  	_ =	shalt  }
0x48: {  	_ =	shalt  }
0x49: {  	_ =	shalt  }
0x4a: {  	_ =	shalt  }
0x4b: {  	_ =	shalt  }
0x4c: {  	_ =	shalt  }
0x4d: {  	_ =	shalt  }
0x4e: {  	_ =	shalt  }
0x4f: {  	_ =	shalt  }
0x50: {  	_ =	shalt  }
0x51: {  	_ =	shalt  }
0x52: {  	_ =	shalt  }
0x53: {  	_ =	shalt  }
0x54: {  	_ =	shalt  }
0x55: {  	_ =	shalt  }
0x56: {  	_ =	shalt  }
0x57: {  	_ =	shalt  }
0x58: {  	_ =	shalt  }
0x59: {  	_ =	shalt  }
0x5a: {  	_ =	shalt  }
0x5b: {  	_ =	shalt  }
0x5c: {  	_ =	shalt  }
0x5d: {  	_ =	shalt  }
0x5e: {  	_ =	shalt  }
0x5f: {  	_ =	shalt  }
0x60: {  	_ =	shalt  }
0x61: {  	_ =	shalt  }
0x62: {  	_ =	shalt  }
0x63: {  	_ =	shalt  }
0x64: {  	_ =	shalt  }
0x65: {  	_ =	shalt  }
0x66: {  	_ =	shalt  }
0x67: {  	_ =	shalt  }
0x68: {  	_ =	shalt  }
0x69: {  	_ =	shalt  }
0x6a: {  	_ =	shalt  }
0x6b: {  	_ =	shalt  }
0x6c: {  	_ =	shalt  }
0x6d: {  	_ =	shalt  }
0x6e: {  	_ =	shalt  }
0x6f: {  	_ =	shalt  }
0x70: {  	_ =	shalt  }
0x71: {  	_ =	shalt  }
0x72: {  	_ =	shalt  }
0x73: {  	_ =	shalt  }
0x74: {  	_ =	shalt  }
0x75: {  	_ =	shalt  }
0x76: {  	_ =	shalt  }
0x77: {  	_ =	shalt  }
0x78: {  	_ =	shalt  }
0x79: {  	_ =	shalt  }
0x7a: {  	_ =	shalt  }
0x7b: {  	_ =	shalt  }
0x7c: {  	_ =	shalt  }
0x7d: {  	_ =	shalt  }
0x7e: {  	_ =	shalt  }
0x7f: {  	_ =	shalt  }
0x80: {  	_ =	shalt  }
0x81: {  	_ =	shalt  }
0x82: {  	_ =	shalt  }
0x83: {  	_ =	shalt  }
0x84: {  	_ =	shalt  }
0x85: {  	_ =	shalt  }
0x86: {  	_ =	shalt  }
0x87: {  	_ =	shalt  }
.Lfunc_end0:
.L_simem_size_0:
called_computation_lowered:
.L_overlay_start_0:
0x88: {  	s2 =	sld [smem:$0x3FD9]  }
0x89: {  	s3 =	sld [smem:$0x3FFE];
	_ =	sdelay $0x1  }
0x8a: {  	s1 =	srdreg.scid  }
0x8b: {  	s0 =	sand.u32 $0x1, s1  }
0x8c: {  	s16 =	sshll.u32 s0, $0xA;
	s2 =	sadd.s32 s3, s2  }
0x8d: {  	s2 =	sadd.s32 s2, s16  }
0x8e: {  	[smem:$0x3FC4] =	sst s2  }
0x8f: {  	_ = 	snop  }
0x90: {  	(tm) =	ssettm $0x1  }
0x91: {  	s17 =	sld [smem:$0x3FFB];
	_ =	sdelay $0x3  }
0x92: {  	_ =	strace s17  }
0x93: {  	s2 =	sld [smem:$0x3FFC];
	_ =	sdelay $0x3  }
0x94: {  	_ =	strace s2  }
0x95: {  	s2 =	sld [smem:$0x3FFD];
	_ =	sdelay $0x3  }
0x96: {  	_ =	strace s2  }
0x97: {  	_ =	strace $0x8FFFFFFF  }
0x98: {  	s18 =	sld [smem:$0x3FDB];
	_ =	sdelay $0x1  }
0x99: {  	s19 =	simm.s32 $_scs_section_size  }
0x9a: {  	s4 =	simm.s32 $_size__tile_overlayer_lowered;
	s5 =	simm.s32 $_tile_overlayer_lowered  }
0x9b: {  	s22 =	simm.s32 $0x1BFF;
	s21 =	sshll.u32 s5, $0x1;
	s2 =	sadd.s32 s19, s18  }
0x9c: {  	s6 =	simm.s32 $0x0;
	s20 =	sshll.u32 s4, $0x1;
	s4 =	sadd.s32 s21, s2  }
0x9d: {  	[timem:s6], [sflag:s22] =	dma.local [hbm:s4], s20  }
0x9e: {  	_ =	swait.ge [sflag:s22], s20  }
0x9f: {  	s3 =	ssub.s32 $0x0, s20;
	[sflag:s22] =	ssyncset.done $0x0  }
0xa0: {  	[sflag:s22] =	ssyncadd.s32 s3;
	_ =	sdelay $0x1  }
0xa1: {  	s23 =	simm.s32 $0x1B8B  }
0xa2: {  	_ =	swait.ge [sflag:s23], $0x1  }
0xa3: {  	[sflag:s23] =	ssyncset.done $0x0  }
0xa4: {  	s25 =	simm.s32 $0x1B8E;
	s24 =	sld [smem:$0x3FFE];
	[sflag:s23] =	ssyncadd.s32 $0xFFFFFFFF  }
0xa5: {  	s26 =	simm.s32 $execute0_lowered;
	[smem:$0x3FD2] =	sst s25  }
0xa6: {  	s4 =	sshll.u32 s26, $0x1;
	_ =	strace $0x80000046;
	[dreg:$0x1] =	wrdreg $0xFFFFFFFF  }
0xa7: {  	s28 =	simm.s32 $_size_execute0_lowered;
	s2 =	sadd.s32 s2, s4;
	[dreg:$0x0] =	wrdreg $0x0  }
0xa8: {  	s4 =	sshll.u32 s28, $0x1;
	[dreg:$0x2] =	wrdreg s2  }
0xa9: {  	[dreg:$0x3] =	wrdreg s4  }
0xaa: {  	[dreg:$0x4] =	wrdreg $0xC0  }
0xab: {  	_ =	task [dreg:s6], $0x5FFFF  }
0xac: {  	[dreg:$0x1] =	wrdreg $0xFFFFFFFF  }
0xad: {  	[dreg:$0x0] =	wrdreg $0x60  }
0xae: {  	[dreg:$0x2] =	wrdreg s24  }
0xaf: {  	[dreg:$0x3] =	wrdreg $0xA  }
0xb0: {  	_ =	task.clear_ibuf [dreg:s6], $0x4FFFF;
	_ =	strace $0x90000046  }
0xb1: {  	s29 =	simm.s32 $0xA;
	_ =	strace $0x80000048  }
0xb2: {  	_ =	swait.ge [sflag:s29], $0x1  }
0xb3: {  	[sflag:s29] =	ssyncadd.s32 $0xFFFFFFFF  }
0xb4: {  	_ =	strace $0x90000048  }
0xb5: {  	_ =	sfence  }
0xb6: {  	s30 =	sld [smem:$0x0];
	_ =	sdelay $0x2  }
0xb7: {  	s31 =	sshll.u32 s1, $0xD;
	s1 =	sshrl.u32 s1, $0x2  }
0xb8: {  	s3 =	sand.u32 $0x4000, s31;
	s1 =	sadd.s32 s1, s30  }
0xb9: {  	s0 =	sor.u32 s3, s0;
	s1 =	sshll.u32 s1, $0x11  }
0xba: {  	s0 =	sor.u32 s1, s0  }
0xbb: {  	s0 =	sadd.s32 $0x8F2B, s0  }
0xbc: {  	[sflag:s0] =	ssyncadd.remote.s32 $0x1  }
0xbd: {  	_ =	sfence.sel $0xFFFF  }
0xbe: {  	[dreg:$0x0] =	wrdreg $0xFFFFFFFF;
	(pc) =	sbr.abs _section_cstart, $3  }
0xbf: {  	[dreg:$0x1] =	wrdreg $0xFFFFFFFF  }
0xc0: {  	_ =	task.clear_ibuf [dreg:s6], $0x2FFFF;
	_ =	strace $0x9FFFFFFF  }
0xc1: {  	(tm) =	ssettm $0x7FFFFFFF  }
tec
execute0_lowered:
.L_overlay_start_1:
0x0: {  	(tag) =	ssettag $0x1  }
0x1: {  	s4 =	rddreg [dreg:$0x0]  }
0x2: {  	s0 =	rddreg [dreg:$0x1]  }
0x3: {  	s2 =	simm.s32 $0x0;
	s3 =	srdreg.scid;
	s1 =	stileid.u32  }
0x4: {  	s10 =	simm.s32 $0x14C0;
	s11 =	simm.s32 $0x0;
	[smem:$0x7FF] =	sst s2  }
0x5: {  	s5 =	sand.u32 $0x1, s3;
	s3 =	sadd.s32 $0x2400, s4;
	s6 =	sshll.u32 s1, $0x8  }
0x6: {  	s8 =	smul.u32 $0x7A12000, s1;
	s7 =	sshll.u32 s5, $0x7;
	s30 =	ssub.s32 $0x2, s5  }
0x7: {  	_ =	strace $0x80000047;
	s6 =	sor.u32 s7, s6;
	s31 =	sshrl.u32 s30, $0x1  }
0x8: {  	s9 =	smul.u32 $0x3D09000, s5;
	s6 =	sadd.s32 s6, s4;
	s7 =	ssub.s32 s30, s31  }
0x9: {  	v0 =	vimm.f32 $+Inf;
	v3 =	vlaneseq.u32;
	s4 =	sadd.s32 $0x21000, s6;
	s5 =	sadd.s32 $0x22000, s6;
	s6 =	smax.u32 s7, $0x1  }
0xa: {  	v1 =	vimm.s32 $0x0;
	v2 =	vadd.s32 $0x2A, v3;
	v3 =	vor.u32 $0x80000000, v3;
	s7 =	sadd.s32 s9, s8;
	s8 =	simm.s32 $0x1;
	s9 =	simm.s32 $0x10C0  }
.LBB2_1:
0xb: {  	s12 =	simm.s32 $0x40;
	s13 =	simm.s32 $0x0  }
.LBB2_2:
0xc: {  	p0 =	sne.s32 s12, $0xFC0;
	[tilespmem:s13+$0x10C0] =	vst v0;
	s14 =	smov.u32 s12;
	s12 =	sadd.s32 $0x40, s12  }
.Ltmp0:
0xd: {  	[tilespmem:s13+$0x14C0] =	vst v1;
	(pc) =	sbr.rel @p0 .LBB2_2-.Ltmp0, $2  }
0xe: {  	_ =	sdelay $0x2  }
0xf: {  	s13 =	sshra.s32 s14, $0x2  }
0x10: {  	[tilespmem:s13+$0x10C0] =	vst v0  }
0x11: {  	s12 =	simm.s32 $0x0;
	[tilespmem:s13+$0x14C0] =	vst v1;
	s13 =	smov.u32 s7;
	s14 =	simm.s32 $0x0  }
.LBB2_4:
0x12: {  	s15 =	smul.u32 $0x10C0, s14;
	_ =	sdelay $0x1  }
0x13: {  	s15 =	sshrl.u32 s15, $0x3  }
0x14: {  	s15 =	sadd.s32 s3, s15  }
0x15: {  	s15 =	sadd.s32 $0x15C00, s15  }
0x16: {  	[tilespmem:s12], [sflag:$0x1] =	stream.linear.gather [hbm4b:s15+s12], $0x10C0, $0x38;
	[tilespmem:$0x18C0] =	vst v63  }
0x17: {  	_ =	swait.ge [sflag:s8], $0x10C0  }
0x18: {  	[sflag:s8] =	ssyncset.done $0x0  }
0x19: {  	s16 =	simm.s32 $0x0;
	s15 =	smov.u32 s13;
	[sflag:s8] =	ssyncadd.s32 $0xFFFFEF40  }
.LBB2_5:
0x1a: {  	s17 =	sadd.s32 $0x0, s15  }
0x1b: {  	v8 =	vimm.f32 $+Inf;
	s19 =	sadd.s32 $0xAE000, s17  }
0x1c: {  	v11 =	vimm.s32 $0x0;
	s21 =	sadd.s32 $0xAE010, s17;
	s20 =	sadd.s32 $0xAE020, s17;
	s18 =	sadd.s32 $0xAE030, s17;
	v4 =	vmov s19;
	v5 =	vor.u32 s19, v2  }
0x1d: {  	v6 =	vadd.s32 s21, v2;
	v7 =	vadd.s32 s20, v2;
	v9 =	vadd.s32 s18, v2  }
0x1e: {  	v4 =	vshrl.u32 v4, $0x13;
	v10 =	vshll.u32 v5, $0xD;
	v12 =	vshrl.u32 v6, $0x13  }
0x1f: {  	v13 =	vshll.u32 v6, $0xD;
	v14 =	vshrl.u32 v7, $0x13;
	v15 =	vshll.u32 v7, $0xD  }
0x20: {  	v16 =	vshll.u32 v9, $0xD;
	v4 =	vor.u32 v4, v10;
	v10 =	vshrl.u32 v9, $0x13  }
0x21: {  	v12 =	vor.u32 v12, v13;
	v13 =	vor.u32 v14, v15;
	v10 =	vor.u32 v10, v16  }
0x22: {  	v4 =	vxor.u32 v5, v4;
	v12 =	vxor.u32 v6, v12;
	v13 =	vxor.u32 v7, v13  }
0x23: {  	v5 =	vadd.s32 v5, v4;
	v6 =	vadd.s32 v6, v12;
	v10 =	vxor.u32 v9, v10  }
0x24: {  	v14 =	vshrl.u32 v4, $0x11;
	v7 =	vadd.s32 v7, v13;
	v4 =	vshll.u32 v4, $0xF  }
0x25: {  	v15 =	vshrl.u32 v12, $0x11;
	v12 =	vshll.u32 v12, $0xF;
	v16 =	vshrl.u32 v13, $0x11  }
0x26: {  	v13 =	vshll.u32 v13, $0xF;
	v9 =	vadd.s32 v9, v10;
	v17 =	vshrl.u32 v10, $0x11  }
0x27: {  	v4 =	vor.u32 v14, v4;
	v12 =	vor.u32 v15, v12;
	v10 =	vshll.u32 v10, $0xF  }
0x28: {  	v13 =	vor.u32 v16, v13;
	v4 =	vxor.u32 v5, v4;
	v10 =	vor.u32 v17, v10  }
0x29: {  	v12 =	vxor.u32 v6, v12;
	v13 =	vxor.u32 v7, v13;
	v10 =	vxor.u32 v9, v10  }
0x2a: {  	v5 =	vadd.s32 v5, v4;
	v6 =	vadd.s32 v6, v12;
	v7 =	vadd.s32 v7, v13  }
0x2b: {  	v14 =	vshrl.u32 v4, $0x6;
	v4 =	vshll.u32 v4, $0x1A;
	v15 =	vshrl.u32 v12, $0x6  }
0x2c: {  	v12 =	vshll.u32 v12, $0x1A;
	v16 =	vshrl.u32 v13, $0x6;
	v13 =	vshll.u32 v13, $0x1A  }
0x2d: {  	v9 =	vadd.s32 v9, v10;
	v17 =	vshrl.u32 v10, $0x6;
	v10 =	vshll.u32 v10, $0x1A  }
0x2e: {  	v4 =	vor.u32 v14, v4;
	v12 =	vor.u32 v15, v12;
	v13 =	vor.u32 v16, v13  }
0x2f: {  	v4 =	vxor.u32 v5, v4;
	v12 =	vxor.u32 v6, v12;
	v10 =	vor.u32 v17, v10  }
0x30: {  	v13 =	vxor.u32 v7, v13;
	v5 =	vadd.s32 v5, v4;
	v10 =	vxor.u32 v9, v10  }
0x31: {  	v6 =	vadd.s32 v6, v12;
	v7 =	vadd.s32 v7, v13;
	v14 =	vshrl.u32 v4, $0x1A  }
0x32: {  	v4 =	vshll.u32 v4, $0x6;
	v15 =	vshrl.u32 v12, $0x1A;
	v12 =	vshll.u32 v12, $0x6  }
0x33: {  	v16 =	vshrl.u32 v13, $0x1A;
	v13 =	vshll.u32 v13, $0x6;
	v9 =	vadd.s32 v9, v10  }
0x34: {  	v4 =	vor.u32 v14, v4;
	v14 =	vshrl.u32 v10, $0x1A;
	v10 =	vshll.u32 v10, $0x6  }
0x35: {  	v12 =	vor.u32 v15, v12;
	v13 =	vor.u32 v16, v13;
	v10 =	vor.u32 v14, v10  }
0x36: {  	v4 =	vxor.u32 v5, v4;
	v12 =	vxor.u32 v6, v12;
	v13 =	vxor.u32 v7, v13  }
0x37: {  	v4 =	vadd.s32 $0x1BD11BF1, v4;
	v12 =	vadd.s32 $0x1BD11BF1, v12;
	v10 =	vxor.u32 v9, v10  }
0x38: {  	v13 =	vadd.s32 $0x1BD11BF1, v13;
	v5 =	vadd.s32 v4, v5;
	v10 =	vadd.s32 $0x1BD11BF1, v10  }
0x39: {  	v14 =	vshrl.u32 v4, $0xF;
	v4 =	vshll.u32 v4, $0x11;
	v6 =	vadd.s32 v12, v6  }
0x3a: {  	v15 =	vshrl.u32 v12, $0xF;
	v12 =	vshll.u32 v12, $0x11;
	v7 =	vadd.s32 v13, v7  }
0x3b: {  	v16 =	vshrl.u32 v13, $0xF;
	v13 =	vshll.u32 v13, $0x11;
	v9 =	vadd.s32 v10, v9  }
0x3c: {  	v5 =	vadd.s32 $0x2A, v5;
	v17 =	vshrl.u32 v10, $0xF;
	v10 =	vshll.u32 v10, $0x11  }
0x3d: {  	v4 =	vor.u32 v14, v4;
	v6 =	vadd.s32 $0x2A, v6;
	v12 =	vor.u32 v15, v12  }
0x3e: {  	v7 =	vadd.s32 $0x2A, v7;
	v13 =	vor.u32 v16, v13;
	v9 =	vadd.s32 $0x2A, v9  }
0x3f: {  	v4 =	vxor.u32 v5, v4;
	v12 =	vxor.u32 v6, v12;
	v10 =	vor.u32 v17, v10  }
0x40: {  	v13 =	vxor.u32 v7, v13;
	v5 =	vadd.s32 v5, v4;
	v10 =	vxor.u32 v9, v10  }
0x41: {  	v6 =	vadd.s32 v6, v12;
	v7 =	vadd.s32 v7, v13;
	v14 =	vshrl.u32 v4, $0x3  }
0x42: {  	v4 =	vshll.u32 v4, $0x1D;
	v15 =	vshrl.u32 v12, $0x3;
	v12 =	vshll.u32 v12, $0x1D  }
0x43: {  	v16 =	vshrl.u32 v13, $0x3;
	v13 =	vshll.u32 v13, $0x1D;
	v9 =	vadd.s32 v9, v10  }
0x44: {  	v4 =	vor.u32 v14, v4;
	v14 =	vshrl.u32 v10, $0x3;
	v10 =	vshll.u32 v10, $0x1D  }
0x45: {  	v12 =	vor.u32 v15, v12;
	v13 =	vor.u32 v16, v13;
	v10 =	vor.u32 v14, v10  }
0x46: {  	v4 =	vxor.u32 v5, v4;
	v12 =	vxor.u32 v6, v12;
	v13 =	vxor.u32 v7, v13  }
0x47: {  	v5 =	vadd.s32 v5, v4;
	v6 =	vadd.s32 v6, v12;
	v10 =	vxor.u32 v9, v10  }
0x48: {  	v14 =	vshrl.u32 v4, $0x10;
	v7 =	vadd.s32 v7, v13;
	v4 =	vshll.u32 v4, $0x10  }
0x49: {  	v15 =	vshrl.u32 v12, $0x10;
	v12 =	vshll.u32 v12, $0x10;
	v16 =	vshrl.u32 v13, $0x10  }
0x4a: {  	v13 =	vshll.u32 v13, $0x10;
	v9 =	vadd.s32 v9, v10;
	v17 =	vshrl.u32 v10, $0x10  }
0x4b: {  	v4 =	vor.u32 v14, v4;
	v12 =	vor.u32 v15, v12;
	v10 =	vshll.u32 v10, $0x10  }
0x4c: {  	v13 =	vor.u32 v16, v13;
	v4 =	vxor.u32 v5, v4;
	v10 =	vor.u32 v17, v10  }
0x4d: {  	v12 =	vxor.u32 v6, v12;
	v13 =	vxor.u32 v7, v13;
	v10 =	vxor.u32 v9, v10  }
0x4e: {  	v5 =	vadd.s32 v5, v4;
	v6 =	vadd.s32 v6, v12;
	v7 =	vadd.s32 v7, v13  }
0x4f: {  	v14 =	vshrl.u32 v4, $0x8;
	v4 =	vshll.u32 v4, $0x18;
	v15 =	vshrl.u32 v12, $0x8  }
0x50: {  	v12 =	vshll.u32 v12, $0x18;
	v16 =	vshrl.u32 v13, $0x8;
	v13 =	vshll.u32 v13, $0x18  }
0x51: {  	v9 =	vadd.s32 v9, v10;
	v17 =	vshrl.u32 v10, $0x8;
	v10 =	vshll.u32 v10, $0x18  }
0x52: {  	v4 =	vor.u32 v14, v4;
	v12 =	vor.u32 v15, v12;
	v13 =	vor.u32 v16, v13  }
0x53: {  	v4 =	vxor.u32 v5, v4;
	v12 =	vxor.u32 v6, v12;
	v10 =	vor.u32 v17, v10  }
0x54: {  	v13 =	vxor.u32 v7, v13;
	v4 =	vadd.s32 $0x2, v4;
	v10 =	vxor.u32 v9, v10  }
0x55: {  	v12 =	vadd.s32 $0x2, v12;
	v13 =	vadd.s32 $0x2, v13;
	v10 =	vadd.s32 $0x2, v10  }
0x56: {  	v5 =	vadd.s32 v4, v5;
	v14 =	vshrl.u32 v4, $0x13;
	v4 =	vshll.u32 v4, $0xD  }
0x57: {  	v6 =	vadd.s32 v12, v6;
	v15 =	vshrl.u32 v12, $0x13;
	v12 =	vshll.u32 v12, $0xD  }
0x58: {  	v7 =	vadd.s32 v13, v7;
	v16 =	vshrl.u32 v13, $0x13;
	v13 =	vshll.u32 v13, $0xD  }
0x59: {  	v9 =	vadd.s32 v10, v9;
	v17 =	vshrl.u32 v10, $0x13;
	v10 =	vshll.u32 v10, $0xD  }
0x5a: {  	v5 =	vadd.s32 $0x1BD11BF0, v5;
	v4 =	vor.u32 v14, v4;
	v6 =	vadd.s32 $0x1BD11BF0, v6  }
0x5b: {  	v12 =	vor.u32 v15, v12;
	v7 =	vadd.s32 $0x1BD11BF0, v7;
	v13 =	vor.u32 v16, v13  }
0x5c: {  	v4 =	vxor.u32 v5, v4;
	v9 =	vadd.s32 $0x1BD11BF0, v9;
	v10 =	vor.u32 v17, v10  }
0x5d: {  	v12 =	vxor.u32 v6, v12;
	v13 =	vxor.u32 v7, v13;
	v10 =	vxor.u32 v9, v10  }
0x5e: {  	v5 =	vadd.s32 v5, v4;
	v6 =	vadd.s32 v6, v12;
	v7 =	vadd.s32 v7, v13  }
0x5f: {  	v14 =	vshrl.u32 v4, $0x11;
	v4 =	vshll.u32 v4, $0xF;
	v15 =	vshrl.u32 v12, $0x11  }
0x60: {  	v12 =	vshll.u32 v12, $0xF;
	v16 =	vshrl.u32 v13, $0x11;
	v13 =	vshll.u32 v13, $0xF  }
0x61: {  	v9 =	vadd.s32 v9, v10;
	v17 =	vshrl.u32 v10, $0x11;
	v10 =	vshll.u32 v10, $0xF  }
0x62: {  	v4 =	vor.u32 v14, v4;
	v12 =	vor.u32 v15, v12;
	v13 =	vor.u32 v16, v13  }
0x63: {  	v4 =	vxor.u32 v5, v4;
	v12 =	vxor.u32 v6, v12;
	v10 =	vor.u32 v17, v10  }
0x64: {  	v13 =	vxor.u32 v7, v13;
	v5 =	vadd.s32 v5, v4;
	v10 =	vxor.u32 v9, v10  }
0x65: {  	v6 =	vadd.s32 v6, v12;
	v7 =	vadd.s32 v7, v13;
	v14 =	vshrl.u32 v4, $0x6  }
0x66: {  	v4 =	vshll.u32 v4, $0x1A;
	v15 =	vshrl.u32 v12, $0x6;
	v12 =	vshll.u32 v12, $0x1A  }
0x67: {  	v16 =	vshrl.u32 v13, $0x6;
	v13 =	vshll.u32 v13, $0x1A;
	v9 =	vadd.s32 v9, v10  }
0x68: {  	v4 =	vor.u32 v14, v4;
	v14 =	vshrl.u32 v10, $0x6;
	v10 =	vshll.u32 v10, $0x1A  }
0x69: {  	v12 =	vor.u32 v15, v12;
	v13 =	vor.u32 v16, v13;
	v10 =	vor.u32 v14, v10  }
0x6a: {  	v4 =	vxor.u32 v5, v4;
	v12 =	vxor.u32 v6, v12;
	v13 =	vxor.u32 v7, v13  }
0x6b: {  	v5 =	vadd.s32 v5, v4;
	v6 =	vadd.s32 v6, v12;
	v10 =	vxor.u32 v9, v10  }
0x6c: {  	v14 =	vshrl.u32 v4, $0x1A;
	v7 =	vadd.s32 v7, v13;
	v4 =	vshll.u32 v4, $0x6  }
0x6d: {  	v15 =	vshrl.u32 v12, $0x1A;
	v12 =	vshll.u32 v12, $0x6;
	v16 =	vshrl.u32 v13, $0x1A  }
0x6e: {  	v13 =	vshll.u32 v13, $0x6;
	v9 =	vadd.s32 v9, v10;
	v17 =	vshrl.u32 v10, $0x1A  }
0x6f: {  	v4 =	vor.u32 v14, v4;
	v12 =	vor.u32 v15, v12;
	v10 =	vshll.u32 v10, $0x6  }
0x70: {  	v13 =	vor.u32 v16, v13;
	v4 =	vxor.u32 v5, v4;
	v10 =	vor.u32 v17, v10  }
0x71: {  	v12 =	vxor.u32 v6, v12;
	v13 =	vxor.u32 v7, v13;
	v10 =	vxor.u32 v9, v10  }
0x72: {  	v4 =	vadd.s32 $0x2D, v4;
	v12 =	vadd.s32 $0x2D, v12;
	v13 =	vadd.s32 $0x2D, v13  }
0x73: {  	v5 =	vadd.s32 v5, v4;
	v6 =	vadd.s32 v6, v12;
	v10 =	vadd.s32 $0x2D, v10  }
0x74: {  	v14 =	vshrl.u32 v4, $0xF;
	v7 =	vadd.s32 v7, v13;
	v4 =	vshll.u32 v4, $0x11  }
0x75: {  	v15 =	vshrl.u32 v12, $0xF;
	v12 =	vshll.u32 v12, $0x11;
	v16 =	vshrl.u32 v13, $0xF  }
0x76: {  	v13 =	vshll.u32 v13, $0x11;
	v9 =	vadd.s32 v9, v10;
	v17 =	vshrl.u32 v10, $0xF  }
0x77: {  	v4 =	vor.u32 v14, v4;
	v12 =	vor.u32 v15, v12;
	v10 =	vshll.u32 v10, $0x11  }
0x78: {  	v13 =	vor.u32 v16, v13;
	v4 =	vxor.u32 v5, v4;
	v10 =	vor.u32 v17, v10  }
0x79: {  	v12 =	vxor.u32 v6, v12;
	v13 =	vxor.u32 v7, v13;
	v10 =	vxor.u32 v9, v10  }
0x7a: {  	v5 =	vadd.s32 v5, v4;
	v6 =	vadd.s32 v6, v12;
	v7 =	vadd.s32 v7, v13  }
0x7b: {  	v14 =	vshrl.u32 v4, $0x3;
	v4 =	vshll.u32 v4, $0x1D;
	v15 =	vshrl.u32 v12, $0x3  }
0x7c: {  	v12 =	vshll.u32 v12, $0x1D;
	v16 =	vshrl.u32 v13, $0x3;
	v13 =	vshll.u32 v13, $0x1D  }
0x7d: {  	v9 =	vadd.s32 v9, v10;
	v17 =	vshrl.u32 v10, $0x3;
	v10 =	vshll.u32 v10, $0x1D  }
0x7e: {  	v4 =	vor.u32 v14, v4;
	v12 =	vor.u32 v15, v12;
	v13 =	vor.u32 v16, v13  }
0x7f: {  	v4 =	vxor.u32 v5, v4;
	v12 =	vxor.u32 v6, v12;
	v10 =	vor.u32 v17, v10  }
0x80: {  	v13 =	vxor.u32 v7, v13;
	v5 =	vadd.s32 v5, v4;
	v10 =	vxor.u32 v9, v10  }
0x81: {  	v6 =	vadd.s32 v6, v12;
	v7 =	vadd.s32 v7, v13;
	v14 =	vshrl.u32 v4, $0x10  }
0x82: {  	v4 =	vshll.u32 v4, $0x10;
	v15 =	vshrl.u32 v12, $0x10;
	v12 =	vshll.u32 v12, $0x10  }
0x83: {  	v16 =	vshrl.u32 v13, $0x10;
	v13 =	vshll.u32 v13, $0x10;
	v9 =	vadd.s32 v9, v10  }
0x84: {  	v4 =	vor.u32 v14, v4;
	v14 =	vshrl.u32 v10, $0x10;
	v10 =	vshll.u32 v10, $0x10  }
0x85: {  	v12 =	vor.u32 v15, v12;
	v13 =	vor.u32 v16, v13;
	v10 =	vor.u32 v14, v10  }
0x86: {  	v4 =	vxor.u32 v5, v4;
	v12 =	vxor.u32 v6, v12;
	v13 =	vxor.u32 v7, v13  }
0x87: {  	v5 =	vadd.s32 v5, v4;
	v6 =	vadd.s32 v6, v12;
	v10 =	vxor.u32 v9, v10  }
0x88: {  	v14 =	vshrl.u32 v4, $0x8;
	v7 =	vadd.s32 v7, v13;
	v4 =	vshll.u32 v4, $0x18  }
0x89: {  	v15 =	vshrl.u32 v12, $0x8;
	v12 =	vshll.u32 v12, $0x18;
	v16 =	vshrl.u32 v13, $0x8  }
0x8a: {  	v13 =	vshll.u32 v13, $0x18;
	v9 =	vadd.s32 v9, v10;
	v17 =	vshrl.u32 v10, $0x8  }
0x8b: {  	v4 =	vor.u32 v14, v4;
	v12 =	vor.u32 v15, v12;
	v10 =	vshll.u32 v10, $0x18  }
0x8c: {  	v13 =	vor.u32 v16, v13;
	v4 =	vxor.u32 v5, v4;
	v10 =	vor.u32 v17, v10  }
0x8d: {  	v12 =	vxor.u32 v6, v12;
	v13 =	vxor.u32 v7, v13;
	v10 =	vxor.u32 v9, v10  }
0x8e: {  	v4 =	vadd.s32 $0x1BD11BF4, v4;
	v12 =	vadd.s32 $0x1BD11BF4, v12;
	v13 =	vadd.s32 $0x1BD11BF4, v13  }
0x8f: {  	v5 =	vadd.s32 v4, v5;
	v14 =	vshrl.u32 v4, $0x13;
	v10 =	vadd.s32 $0x1BD11BF4, v10  }
0x90: {  	v4 =	vshll.u32 v4, $0xD;
	v6 =	vadd.s32 v12, v6;
	v15 =	vshrl.u32 v12, $0x13  }
0x91: {  	v12 =	vshll.u32 v12, $0xD;
	v7 =	vadd.s32 v13, v7;
	v16 =	vshrl.u32 v13, $0x13  }
0x92: {  	v13 =	vshll.u32 v13, $0xD;
	v9 =	vadd.s32 v10, v9;
	v17 =	vshrl.u32 v10, $0x13  }
0x93: {  	v5 =	vadd.s32 $0x2A, v5;
	v4 =	vor.u32 v14, v4;
	v10 =	vshll.u32 v10, $0xD  }
0x94: {  	v6 =	vadd.s32 $0x2A, v6;
	v12 =	vor.u32 v15, v12;
	v7 =	vadd.s32 $0x2A, v7  }
0x95: {  	v13 =	vor.u32 v16, v13;
	v9 =	vadd.s32 $0x2A, v9;
	v10 =	vor.u32 v17, v10  }
0x96: {  	v4 =	vxor.u32 v5, v4;
	v12 =	vxor.u32 v6, v12;
	v13 =	vxor.u32 v7, v13  }
0x97: {  	v5 =	vadd.s32 v5, v4;
	v6 =	vadd.s32 v6, v12;
	v10 =	vxor.u32 v9, v10  }
0x98: {  	v14 =	vshrl.u32 v4, $0x11;
	v7 =	vadd.s32 v7, v13;
	v4 =	vshll.u32 v4, $0xF  }
0x99: {  	v15 =	vshrl.u32 v12, $0x11;
	v12 =	vshll.u32 v12, $0xF;
	v16 =	vshrl.u32 v13, $0x11  }
0x9a: {  	v13 =	vshll.u32 v13, $0xF;
	v9 =	vadd.s32 v9, v10;
	v17 =	vshrl.u32 v10, $0x11  }
0x9b: {  	v4 =	vor.u32 v14, v4;
	v12 =	vor.u32 v15, v12;
	v10 =	vshll.u32 v10, $0xF  }
0x9c: {  	v13 =	vor.u32 v16, v13;
	v4 =	vxor.u32 v5, v4;
	v10 =	vor.u32 v17, v10  }
0x9d: {  	v12 =	vxor.u32 v6, v12;
	v13 =	vxor.u32 v7, v13;
	v10 =	vxor.u32 v9, v10  }
0x9e: {  	v5 =	vadd.s32 v5, v4;
	v6 =	vadd.s32 v6, v12;
	v7 =	vadd.s32 v7, v13  }
0x9f: {  	v14 =	vshrl.u32 v4, $0x6;
	v4 =	vshll.u32 v4, $0x1A;
	v15 =	vshrl.u32 v12, $0x6  }
0xa0: {  	v12 =	vshll.u32 v12, $0x1A;
	v16 =	vshrl.u32 v13, $0x6;
	v13 =	vshll.u32 v13, $0x1A  }
0xa1: {  	v9 =	vadd.s32 v9, v10;
	v17 =	vshrl.u32 v10, $0x6;
	v10 =	vshll.u32 v10, $0x1A  }
0xa2: {  	v4 =	vor.u32 v14, v4;
	v12 =	vor.u32 v15, v12;
	v13 =	vor.u32 v16, v13  }
0xa3: {  	v4 =	vxor.u32 v5, v4;
	v12 =	vxor.u32 v6, v12;
	v10 =	vor.u32 v17, v10  }
0xa4: {  	v13 =	vxor.u32 v7, v13;
	v5 =	vadd.s32 v5, v4;
	v10 =	vxor.u32 v9, v10  }
0xa5: {  	v6 =	vadd.s32 v6, v12;
	v7 =	vadd.s32 v7, v13;
	v14 =	vshrl.u32 v4, $0x1A  }
0xa6: {  	v4 =	vshll.u32 v4, $0x6;
	v15 =	vshrl.u32 v12, $0x1A;
	v12 =	vshll.u32 v12, $0x6  }
0xa7: {  	v16 =	vshrl.u32 v13, $0x1A;
	v13 =	vshll.u32 v13, $0x6;
	v9 =	vadd.s32 v9, v10  }
0xa8: {  	v17 =	vadd.s32 $0x1BD11BF0, v5;
	v18 =	vshrl.u32 v10, $0x1A;
	v10 =	vshll.u32 v10, $0x6  }
0xa9: {  	v19 =	vadd.s32 $0x1BD11BF0, v6;
	v20 =	vadd.s32 $0x1BD11BF0, v7;
	v4 =	vor.u32 v14, v4  }
0xaa: {  	v12 =	vor.u32 v15, v12;
	v13 =	vor.u32 v16, v13;
	v14 =	vxor.u32 s19, v3  }
0xab: {  	s30 =	sadd.s32 $0x40, s15;
	v15 =	vxor.u32 s20, v3;
	v21 =	vadd.s32 $0x1BD11BF0, v9;
	v4 =	vxor.u32 v5, v4  }
0xac: {  	s19 =	sadd.s32 $0xAE020, s30;
	v5 =	vxor.u32 v6, v12;
	v6 =	vor.u32 v18, v10;
	v7 =	vxor.u32 v7, v13  }
0xad: {  	s17 =	simm.s32 $0x20;
	v16 =	vadd.s32 s19, v2;
	v4 =	vadd.s32 $0x5, v4;
	v6 =	vxor.u32 v9, v6  }
0xae: {  	v10 =	vld [tilespmem:s17+$0xFFFFFFF0];
	v5 =	vadd.s32 $0x5, v5;
	v7 =	vadd.s32 $0x5, v7;
	v6 =	vadd.s32 $0x5, v6  }
0xaf: {  	v9 =	vld [tilespmem:s17+$0xFFFFFFE0];
	v4 =	vxor.u32 v17, v4;
	v5 =	vxor.u32 v19, v5;
	v7 =	vxor.u32 v20, v7  }
0xb0: {  	v12 =	vld [tilespmem:s17+$0x0];
	v4 =	vshrl.u32 v4, $0x9;
	v5 =	vshrl.u32 v5, $0x9;
	v6 =	vxor.u32 v21, v6  }
0xb1: {  	v13 =	vld [tilespmem:s17+$0x10];
	v7 =	vshrl.u32 v7, $0x9;
	v4 =	vsub.s32 $0x800000, v4;
	v6 =	vshrl.u32 v6, $0x9  }
0xb2: {  	v5 =	vsub.s32 $0x800000, v5;
	v7 =	vsub.s32 $0x800000, v7;
	v4 =	vcvt.s32.f32 v4  }
0xb3: {  	v5 =	vcvt.s32.f32 v5;
	v7 =	vcvt.s32.f32 v7;
	v6 =	vsub.s32 $0x800000, v6  }
0xb4: {  	v22 =	vshll.u32 v16, $0xD;
	v6 =	vcvt.s32.f32 v6;
	v4 =	vmul.f32 v4, v9  }
0xb5: {  	v21 =	vshrl.u32 v16, $0x13;
	v10 =	vmul.f32 v5, v10;
	v7 =	vmul.f32 v7, v12  }
0xb6: {  	v9 =	vxor.u32 s21, v3;
	v12 =	vmul.f32 v6, v13;
	v13 =	vxor.u32 s18, v3  }
0xb7: {  	s18 =	sadd.s32 $0xAE030, s30;
	vm0 =	vlt.f32 v4, v8;
	vm15 =	vlt.f32 v10, v8;
	vm1 =	vlt.f32 v7, v8  }
0xb8: {  	v17 =	vadd.s32 s18, v2;
	v4 =	vsel vm0, v4, v8;
	v5 =	vsel vm0, v14, v11  }
0xb9: {  	s31 =	sadd.s32 $0xAE000, s30;
	vm2 =	vlt.f32 v12, v8;
	v6 =	vsel vm15, v10, v8;
	v7 =	vsel vm1, v7, v8  }
0xba: {  	s20 =	sadd.s32 $0xAE010, s30;
	v9 =	vsel vm15, v9, v11;
	v10 =	vsel vm1, v15, v11;
	v14 =	vor.u32 s31, v2  }
0xbb: {  	v15 =	vadd.s32 s20, v2;
	v23 =	vshll.u32 v17, $0xD;
	v8 =	vsel vm2, v12, v8  }
0xbc: {  	v11 =	vsel vm2, v13, v11;
	v13 =	vmov s31;
	v12 =	vxor.u32 s31, v3  }
0xbd: {  	v18 =	vshll.u32 v14, $0xD;
	v19 =	vshrl.u32 v15, $0x13;
	v20 =	vshll.u32 v15, $0xD  }
0xbe: {  	v13 =	vshrl.u32 v13, $0x13;
	v19 =	vor.u32 v19, v20;
	v20 =	vor.u32 v21, v22  }
0xbf: {  	v13 =	vor.u32 v13, v18;
	v18 =	vshrl.u32 v17, $0x13;
	v19 =	vxor.u32 v15, v19  }
0xc0: {  	v20 =	vxor.u32 v16, v20;
	v18 =	vor.u32 v18, v23;
	v13 =	vxor.u32 v14, v13  }
0xc1: {  	v15 =	vadd.s32 v15, v19;
	v16 =	vadd.s32 v16, v20;
	v22 =	vshrl.u32 v19, $0x11  }
0xc2: {  	v19 =	vshll.u32 v19, $0xF;
	v23 =	vshrl.u32 v20, $0x11;
	v20 =	vshll.u32 v20, $0xF  }
0xc3: {  	v14 =	vadd.s32 v14, v13;
	v18 =	vxor.u32 v17, v18;
	v21 =	vshrl.u32 v13, $0x11  }
0xc4: {  	v13 =	vshll.u32 v13, $0xF;
	v19 =	vor.u32 v22, v19;
	v20 =	vor.u32 v23, v20  }
0xc5: {  	v17 =	vadd.s32 v17, v18;
	v24 =	vshrl.u32 v18, $0x11;
	v13 =	vor.u32 v21, v13  }
0xc6: {  	v18 =	vshll.u32 v18, $0xF;
	v19 =	vxor.u32 v15, v19;
	v20 =	vxor.u32 v16, v20  }
0xc7: {  	v13 =	vxor.u32 v14, v13;
	v18 =	vor.u32 v24, v18;
	v15 =	vadd.s32 v15, v19  }
0xc8: {  	v16 =	vadd.s32 v16, v20;
	v22 =	vshrl.u32 v19, $0x6;
	v19 =	vshll.u32 v19, $0x1A  }
0xc9: {  	v23 =	vshrl.u32 v20, $0x6;
	v20 =	vshll.u32 v20, $0x1A;
	v18 =	vxor.u32 v17, v18  }
0xca: {  	v14 =	vadd.s32 v14, v13;
	v21 =	vshrl.u32 v13, $0x6;
	v13 =	vshll.u32 v13, $0x1A  }
0xcb: {  	v19 =	vor.u32 v22, v19;
	v20 =	vor.u32 v23, v20;
	v17 =	vadd.s32 v17, v18  }
0xcc: {  	v58 =	vshrl.u32 v18, $0x6;
	v18 =	vshll.u32 v18, $0x1A;
	v13 =	vor.u32 v21, v13  }
0xcd: {  	v19 =	vxor.u32 v15, v19;
	v20 =	vxor.u32 v16, v20;
	v13 =	vxor.u32 v14, v13  }
0xce: {  	v18 =	vor.u32 v58, v18;
	v15 =	vadd.s32 v15, v19;
	v16 =	vadd.s32 v16, v20  }
0xcf: {  	v22 =	vshrl.u32 v19, $0x1A;
	v19 =	vshll.u32 v19, $0x6;
	v23 =	vshrl.u32 v20, $0x1A  }
0xd0: {  	v20 =	vshll.u32 v20, $0x6;
	v14 =	vadd.s32 v14, v13;
	v18 =	vxor.u32 v17, v18  }
0xd1: {  	v21 =	vshrl.u32 v13, $0x1A;
	v13 =	vshll.u32 v13, $0x6;
	v19 =	vor.u32 v22, v19  }
0xd2: {  	v20 =	vor.u32 v23, v20;
	v17 =	vadd.s32 v17, v18;
	v13 =	vor.u32 v21, v13  }
0xd3: {  	v21 =	vshrl.u32 v18, $0x1A;
	v18 =	vshll.u32 v18, $0x6;
	v19 =	vxor.u32 v15, v19  }
0xd4: {  	v20 =	vxor.u32 v16, v20;
	v18 =	vor.u32 v21, v18;
	v13 =	vxor.u32 v14, v13  }
0xd5: {  	v19 =	vadd.s32 $0x1BD11BF1, v19;
	v20 =	vadd.s32 $0x1BD11BF1, v20;
	v13 =	vadd.s32 $0x1BD11BF1, v13  }
0xd6: {  	v18 =	vxor.u32 v17, v18;
	v15 =	vadd.s32 v19, v15;
	v22 =	vshrl.u32 v19, $0xF  }
0xd7: {  	v19 =	vshll.u32 v19, $0x11;
	v16 =	vadd.s32 v20, v16;
	v23 =	vshrl.u32 v20, $0xF  }
0xd8: {  	v20 =	vshll.u32 v20, $0x11;
	v14 =	vadd.s32 v13, v14;
	v18 =	vadd.s32 $0x1BD11BF1, v18  }
0xd9: {  	v21 =	vshrl.u32 v13, $0xF;
	v13 =	vshll.u32 v13, $0x11;
	v15 =	vadd.s32 $0x2A, v15  }
0xda: {  	v19 =	vor.u32 v22, v19;
	v16 =	vadd.s32 $0x2A, v16;
	v20 =	vor.u32 v23, v20  }
0xdb: {  	v17 =	vadd.s32 v18, v17;
	v14 =	vadd.s32 $0x2A, v14;
	v59 =	vshrl.u32 v18, $0xF  }
0xdc: {  	v18 =	vshll.u32 v18, $0x11;
	v13 =	vor.u32 v21, v13;
	v19 =	vxor.u32 v15, v19  }
0xdd: {  	v20 =	vxor.u32 v16, v20;
	v17 =	vadd.s32 $0x2A, v17;
	v13 =	vxor.u32 v14, v13  }
0xde: {  	v18 =	vor.u32 v59, v18;
	v15 =	vadd.s32 v15, v19;
	v16 =	vadd.s32 v16, v20  }
0xdf: {  	v22 =	vshrl.u32 v19, $0x3;
	v19 =	vshll.u32 v19, $0x1D;
	v23 =	vshrl.u32 v20, $0x3  }
0xe0: {  	v20 =	vshll.u32 v20, $0x1D;
	v14 =	vadd.s32 v14, v13;
	v18 =	vxor.u32 v17, v18  }
0xe1: {  	v21 =	vshrl.u32 v13, $0x3;
	v13 =	vshll.u32 v13, $0x1D;
	v19 =	vor.u32 v22, v19  }
0xe2: {  	v20 =	vor.u32 v23, v20;
	v17 =	vadd.s32 v17, v18;
	v13 =	vor.u32 v21, v13  }
0xe3: {  	v21 =	vshrl.u32 v18, $0x3;
	v18 =	vshll.u32 v18, $0x1D;
	v19 =	vxor.u32 v15, v19  }
0xe4: {  	v20 =	vxor.u32 v16, v20;
	v18 =	vor.u32 v21, v18;
	v13 =	vxor.u32 v14, v13  }
0xe5: {  	v15 =	vadd.s32 v15, v19;
	v16 =	vadd.s32 v16, v20;
	v22 =	vshrl.u32 v19, $0x10  }
0xe6: {  	v19 =	vshll.u32 v19, $0x10;
	v23 =	vshrl.u32 v20, $0x10;
	v20 =	vshll.u32 v20, $0x10  }
0xe7: {  	v14 =	vadd.s32 v14, v13;
	v18 =	vxor.u32 v17, v18;
	v21 =	vshrl.u32 v13, $0x10  }
0xe8: {  	v13 =	vshll.u32 v13, $0x10;
	v19 =	vor.u32 v22, v19;
	v20 =	vor.u32 v23, v20  }
0xe9: {  	v17 =	vadd.s32 v17, v18;
	v60 =	vshrl.u32 v18, $0x10;
	v13 =	vor.u32 v21, v13  }
0xea: {  	v18 =	vshll.u32 v18, $0x10;
	v19 =	vxor.u32 v15, v19;
	v20 =	vxor.u32 v16, v20  }
0xeb: {  	v13 =	vxor.u32 v14, v13;
	v18 =	vor.u32 v60, v18;
	v15 =	vadd.s32 v15, v19  }
0xec: {  	v16 =	vadd.s32 v16, v20;
	v22 =	vshrl.u32 v19, $0x8;
	v19 =	vshll.u32 v19, $0x18  }
0xed: {  	v23 =	vshrl.u32 v20, $0x8;
	v20 =	vshll.u32 v20, $0x18;
	v18 =	vxor.u32 v17, v18  }
0xee: {  	v14 =	vadd.s32 v14, v13;
	v21 =	vshrl.u32 v13, $0x8;
	v13 =	vshll.u32 v13, $0x18  }
0xef: {  	v19 =	vor.u32 v22, v19;
	v20 =	vor.u32 v23, v20;
	v17 =	vadd.s32 v17, v18  }
0xf0: {  	v61 =	vshrl.u32 v18, $0x8;
	v18 =	vshll.u32 v18, $0x18;
	v13 =	vor.u32 v21, v13  }
0xf1: {  	v19 =	vxor.u32 v15, v19;
	v20 =	vxor.u32 v16, v20;
	v13 =	vxor.u32 v14, v13  }
0xf2: {  	v18 =	vor.u32 v61, v18;
	v19 =	vadd.s32 $0x2, v19;
	v20 =	vadd.s32 $0x2, v20  }
0xf3: {  	v13 =	vadd.s32 $0x2, v13;
	v18 =	vxor.u32 v17, v18;
	v15 =	vadd.s32 v19, v15  }
0xf4: {  	v22 =	vshrl.u32 v19, $0x13;
	v19 =	vshll.u32 v19, $0xD;
	v16 =	vadd.s32 v20, v16  }
0xf5: {  	v23 =	vshrl.u32 v20, $0x13;
	v20 =	vshll.u32 v20, $0xD;
	v18 =	vadd.s32 $0x2, v18  }
0xf6: {  	v14 =	vadd.s32 v13, v14;
	v21 =	vshrl.u32 v13, $0x13;
	v13 =	vshll.u32 v13, $0xD  }
0xf7: {  	v15 =	vadd.s32 $0x1BD11BF0, v15;
	v19 =	vor.u32 v22, v19;
	v16 =	vadd.s32 $0x1BD11BF0, v16  }
0xf8: {  	v20 =	vor.u32 v23, v20;
	v17 =	vadd.s32 v18, v17;
	v62 =	vshrl.u32 v18, $0x13  }
0xf9: {  	v18 =	vshll.u32 v18, $0xD;
	v14 =	vadd.s32 $0x1BD11BF0, v14;
	v13 =	vor.u32 v21, v13  }
0xfa: {  	v19 =	vxor.u32 v15, v19;
	v20 =	vxor.u32 v16, v20;
	v13 =	vxor.u32 v14, v13  }
0xfb: {  	v17 =	vadd.s32 $0x1BD11BF0, v17;
	v18 =	vor.u32 v62, v18;
	v15 =	vadd.s32 v15, v19  }
0xfc: {  	v16 =	vadd.s32 v16, v20;
	v22 =	vshrl.u32 v19, $0x11;
	v19 =	vshll.u32 v19, $0xF  }
0xfd: {  	v23 =	vshrl.u32 v20, $0x11;
	v20 =	vshll.u32 v20, $0xF;
	v18 =	vxor.u32 v17, v18  }
0xfe: {  	v14 =	vadd.s32 v14, v13;
	v21 =	vshrl.u32 v13, $0x11;
	v13 =	vshll.u32 v13, $0xF  }
0xff: {  	v19 =	vor.u32 v22, v19;
	v20 =	vor.u32 v23, v20;
	v17 =	vadd.s32 v17, v18  }
0x100: {  	v63 =	vshrl.u32 v18, $0x11;
	v18 =	vshll.u32 v18, $0xF;
	v13 =	vor.u32 v21, v13  }
0x101: {  	v19 =	vxor.u32 v15, v19;
	v20 =	vxor.u32 v16, v20;
	v13 =	vxor.u32 v14, v13  }
0x102: {  	v18 =	vor.u32 v63, v18;
	v15 =	vadd.s32 v15, v19;
	v16 =	vadd.s32 v16, v20  }
0x103: {  	v21 =	vshrl.u32 v19, $0x6;
	v19 =	vshll.u32 v19, $0x1A;
	v23 =	vshrl.u32 v20, $0x6  }
0x104: {  	v20 =	vshll.u32 v20, $0x1A;
	v14 =	vadd.s32 v14, v13;
	v18 =	vxor.u32 v17, v18  }
0x105: {  	v19 =	vor.u32 v21, v19;
	v21 =	vor.u32 v23, v20;
	v22 =	vadd.s32 v17, v18  }
0x106: {  	v17 =	vshrl.u32 v13, $0x6;
	v13 =	vshll.u32 v13, $0x1A;
	v19 =	vxor.u32 v15, v19  }
0x107: {  	v13 =	vor.u32 v17, v13;
	v17 =	vshrl.u32 v18, $0x6;
	v18 =	vshll.u32 v18, $0x1A  }
0x108: {  	v17 =	vor.u32 v17, v18;
	v20 =	vxor.u32 v14, v13;
	v18 =	vxor.u32 v16, v21  }
0x109: {  	v13 =	vadd.s32 v14, v20;
	v14 =	vadd.s32 v15, v19;
	v17 =	vxor.u32 v22, v17  }
0x10a: {  	s21 =	simm.s32 $0x80;
	v21 =	vshrl.u32 v20, $0x1A;
	v15 =	vadd.s32 v16, v18;
	v16 =	vadd.s32 v22, v17  }
.LBB2_6:
0x10b: {  	p0 =	sne.s32 s21, $0x1080;
	v20 =	vshll.u32 v20, $0x6;
	v22 =	vshrl.u32 v19, $0x1A;
	v19 =	vshll.u32 v19, $0x6  }
0x10c: {  	v23 =	vshrl.u32 v18, $0x1A;
	v18 =	vshll.u32 v18, $0x6;
	v24 =	vshrl.u32 v17, $0x1A  }
0x10d: {  	v17 =	vshll.u32 v17, $0x6;
	v20 =	vor.u32 v21, v20;
	v19 =	vor.u32 v22, v19  }
0x10e: {  	v18 =	vor.u32 v23, v18;
	v17 =	vor.u32 v24, v17;
	v20 =	vxor.u32 v13, v20  }
0x10f: {  	v19 =	vxor.u32 v14, v19;
	v18 =	vxor.u32 v15, v18;
	v17 =	vxor.u32 v16, v17  }
0x110: {  	v20 =	vadd.s32 $0x2D, v20;
	v19 =	vadd.s32 $0x2D, v19;
	v18 =	vadd.s32 $0x2D, v18  }
0x111: {  	v17 =	vadd.s32 $0x2D, v17;
	v13 =	vadd.s32 v13, v20;
	v14 =	vadd.s32 v14, v19  }
0x112: {  	v21 =	vshrl.u32 v20, $0xF;
	v15 =	vadd.s32 v15, v18;
	v16 =	vadd.s32 v16, v17  }
0x113: {  	v20 =	vshll.u32 v20, $0x11;
	v22 =	vshrl.u32 v19, $0xF;
	v19 =	vshll.u32 v19, $0x11  }
0x114: {  	v23 =	vshrl.u32 v18, $0xF;
	v18 =	vshll.u32 v18, $0x11;
	v24 =	vshrl.u32 v17, $0xF  }
0x115: {  	v17 =	vshll.u32 v17, $0x11;
	v20 =	vor.u32 v21, v20;
	v19 =	vor.u32 v22, v19  }
0x116: {  	v18 =	vor.u32 v23, v18;
	v17 =	vor.u32 v24, v17;
	v20 =	vxor.u32 v13, v20  }
0x117: {  	v19 =	vxor.u32 v14, v19;
	v18 =	vxor.u32 v15, v18;
	v17 =	vxor.u32 v16, v17  }
0x118: {  	v13 =	vadd.s32 v13, v20;
	v14 =	vadd.s32 v14, v19;
	v15 =	vadd.s32 v15, v18  }
0x119: {  	v21 =	vshrl.u32 v20, $0x3;
	v20 =	vshll.u32 v20, $0x1D;
	v16 =	vadd.s32 v16, v17  }
0x11a: {  	v22 =	vshrl.u32 v19, $0x3;
	v19 =	vshll.u32 v19, $0x1D;
	v23 =	vshrl.u32 v18, $0x3  }
0x11b: {  	v18 =	vshll.u32 v18, $0x1D;
	v24 =	vshrl.u32 v17, $0x3;
	v17 =	vshll.u32 v17, $0x1D  }
0x11c: {  	v20 =	vor.u32 v21, v20;
	v19 =	vor.u32 v22, v19;
	v18 =	vor.u32 v23, v18  }
0x11d: {  	v17 =	vor.u32 v24, v17;
	v20 =	vxor.u32 v13, v20;
	v19 =	vxor.u32 v14, v19  }
0x11e: {  	v18 =	vxor.u32 v15, v18;
	v17 =	vxor.u32 v16, v17;
	v13 =	vadd.s32 v13, v20  }
0x11f: {  	v14 =	vadd.s32 v14, v19;
	v15 =	vadd.s32 v15, v18;
	v16 =	vadd.s32 v16, v17  }
0x120: {  	v21 =	vshrl.u32 v20, $0x10;
	v20 =	vshll.u32 v20, $0x10;
	v22 =	vshrl.u32 v19, $0x10  }
0x121: {  	v19 =	vshll.u32 v19, $0x10;
	v23 =	vshrl.u32 v18, $0x10;
	v18 =	vshll.u32 v18, $0x10  }
0x122: {  	v20 =	vor.u32 v21, v20;
	v21 =	vshrl.u32 v17, $0x10;
	v17 =	vshll.u32 v17, $0x10  }
0x123: {  	v19 =	vor.u32 v22, v19;
	v18 =	vor.u32 v23, v18;
	v17 =	vor.u32 v21, v17  }
0x124: {  	v20 =	vxor.u32 v13, v20;
	v19 =	vxor.u32 v14, v19;
	v18 =	vxor.u32 v15, v18  }
0x125: {  	v13 =	vadd.s32 v13, v20;
	v14 =	vadd.s32 v14, v19;
	v17 =	vxor.u32 v16, v17  }
0x126: {  	v21 =	vshrl.u32 v20, $0x8;
	v15 =	vadd.s32 v15, v18;
	v16 =	vadd.s32 v16, v17  }
0x127: {  	v20 =	vshll.u32 v20, $0x18;
	v22 =	vshrl.u32 v19, $0x8;
	v19 =	vshll.u32 v19, $0x18  }
0x128: {  	v23 =	vshrl.u32 v18, $0x8;
	v18 =	vshll.u32 v18, $0x18;
	v24 =	vshrl.u32 v17, $0x8  }
0x129: {  	v20 =	vor.u32 v21, v20;
	v19 =	vor.u32 v22, v19;
	v17 =	vshll.u32 v17, $0x18  }
0x12a: {  	v18 =	vor.u32 v23, v18;
	v20 =	vxor.u32 v13, v20;
	v17 =	vor.u32 v24, v17  }
0x12b: {  	v19 =	vxor.u32 v14, v19;
	v18 =	vxor.u32 v15, v18;
	v17 =	vxor.u32 v16, v17  }
0x12c: {  	v20 =	vadd.s32 $0x1BD11BF4, v20;
	v19 =	vadd.s32 $0x1BD11BF4, v19;
	v18 =	vadd.s32 $0x1BD11BF4, v18  }
0x12d: {  	v13 =	vadd.s32 v20, v13;
	v21 =	vshrl.u32 v20, $0x13;
	v17 =	vadd.s32 $0x1BD11BF4, v17  }
0x12e: {  	v20 =	vshll.u32 v20, $0xD;
	v14 =	vadd.s32 v19, v14;
	v22 =	vshrl.u32 v19, $0x13  }
0x12f: {  	v19 =	vshll.u32 v19, $0xD;
	v15 =	vadd.s32 v18, v15;
	v23 =	vshrl.u32 v18, $0x13  }
0x130: {  	v18 =	vshll.u32 v18, $0xD;
	v16 =	vadd.s32 v17, v16;
	v24 =	vshrl.u32 v17, $0x13  }
0x131: {  	v13 =	vadd.s32 $0x2A, v13;
	v20 =	vor.u32 v21, v20;
	v17 =	vshll.u32 v17, $0xD  }
0x132: {  	v14 =	vadd.s32 $0x2A, v14;
	v19 =	vor.u32 v22, v19;
	v15 =	vadd.s32 $0x2A, v15  }
0x133: {  	v18 =	vor.u32 v23, v18;
	v16 =	vadd.s32 $0x2A, v16;
	v17 =	vor.u32 v24, v17  }
0x134: {  	v20 =	vxor.u32 v13, v20;
	v19 =	vxor.u32 v14, v19;
	v18 =	vxor.u32 v15, v18  }
0x135: {  	v13 =	vadd.s32 v13, v20;
	v14 =	vadd.s32 v14, v19;
	v17 =	vxor.u32 v16, v17  }
0x136: {  	v21 =	vshrl.u32 v20, $0x11;
	v15 =	vadd.s32 v15, v18;
	v16 =	vadd.s32 v16, v17  }
0x137: {  	v20 =	vshll.u32 v20, $0xF;
	v22 =	vshrl.u32 v19, $0x11;
	v19 =	vshll.u32 v19, $0xF  }
0x138: {  	v23 =	vshrl.u32 v18, $0x11;
	v18 =	vshll.u32 v18, $0xF;
	v24 =	vshrl.u32 v17, $0x11  }
0x139: {  	v20 =	vor.u32 v21, v20;
	v19 =	vor.u32 v22, v19;
	v17 =	vshll.u32 v17, $0xF  }
0x13a: {  	v18 =	vor.u32 v23, v18;
	v20 =	vxor.u32 v13, v20;
	v17 =	vor.u32 v24, v17  }
0x13b: {  	v19 =	vxor.u32 v14, v19;
	v18 =	vxor.u32 v15, v18;
	v17 =	vxor.u32 v16, v17  }
0x13c: {  	v13 =	vadd.s32 v13, v20;
	v14 =	vadd.s32 v14, v19;
	v15 =	vadd.s32 v15, v18  }
0x13d: {  	v21 =	vshrl.u32 v20, $0x6;
	v20 =	vshll.u32 v20, $0x1A;
	v16 =	vadd.s32 v16, v17  }
0x13e: {  	v22 =	vshrl.u32 v19, $0x6;
	v19 =	vshll.u32 v19, $0x1A;
	v23 =	vshrl.u32 v18, $0x6  }
0x13f: {  	v18 =	vshll.u32 v18, $0x1A;
	v24 =	vshrl.u32 v17, $0x6;
	v17 =	vshll.u32 v17, $0x1A  }
0x140: {  	v20 =	vor.u32 v21, v20;
	v19 =	vor.u32 v22, v19;
	v18 =	vor.u32 v23, v18  }
0x141: {  	v20 =	vxor.u32 v13, v20;
	v19 =	vxor.u32 v14, v19;
	v17 =	vor.u32 v24, v17  }
0x142: {  	v18 =	vxor.u32 v15, v18;
	v13 =	vadd.s32 v13, v20;
	v17 =	vxor.u32 v16, v17  }
0x143: {  	v14 =	vadd.s32 v14, v19;
	v15 =	vadd.s32 v15, v18;
	v16 =	vadd.s32 v16, v17  }
0x144: {  	v21 =	vshrl.u32 v20, $0x1A;
	v20 =	vshll.u32 v20, $0x6;
	v22 =	vshrl.u32 v19, $0x1A  }
0x145: {  	v19 =	vshll.u32 v19, $0x6;
	v23 =	vshrl.u32 v18, $0x1A;
	v18 =	vshll.u32 v18, $0x6  }
0x146: {  	v24 =	vadd.s32 $0x1BD11BF0, v13;
	v25 =	vshrl.u32 v17, $0x1A;
	v17 =	vshll.u32 v17, $0x6  }
0x147: {  	v26 =	vadd.s32 $0x1BD11BF0, v14;
	v27 =	vadd.s32 $0x1BD11BF0, v15;
	v28 =	vadd.s32 $0x1BD11BF0, v16  }
0x148: {  	v20 =	vor.u32 v21, v20;
	v19 =	vor.u32 v22, v19;
	v18 =	vor.u32 v23, v18  }
0x149: {  	v13 =	vxor.u32 v13, v20;
	v14 =	vxor.u32 v14, v19;
	v17 =	vor.u32 v25, v17  }
0x14a: {  	s17 =	sadd.s32 $0x40, s17;
	v15 =	vxor.u32 v15, v18;
	v13 =	vadd.s32 $0x5, v13;
	v16 =	vxor.u32 v16, v17  }
0x14b: {  	v14 =	vadd.s32 $0x5, v14;
	v15 =	vadd.s32 $0x5, v15;
	v16 =	vadd.s32 $0x5, v16;
	v17 =	vld [tilespmem:s17+$0xFFFFFFE0]  }
0x14c: {  	v13 =	vxor.u32 v24, v13;
	v14 =	vxor.u32 v26, v14;
	v15 =	vxor.u32 v27, v15;
	v18 =	vld [tilespmem:s17+$0xFFFFFFF0]  }
0x14d: {  	v13 =	vshrl.u32 v13, $0x9;
	v14 =	vshrl.u32 v14, $0x9;
	v16 =	vxor.u32 v28, v16;
	v19 =	vld [tilespmem:s17+$0x0]  }
0x14e: {  	v15 =	vshrl.u32 v15, $0x9;
	v13 =	vsub.s32 $0x800000, v13;
	v16 =	vshrl.u32 v16, $0x9;
	v20 =	vld [tilespmem:s17+$0x10]  }
0x14f: {  	v14 =	vsub.s32 $0x800000, v14;
	v15 =	vsub.s32 $0x800000, v15;
	v13 =	vcvt.s32.f32 v13  }
0x150: {  	v14 =	vcvt.s32.f32 v14;
	v15 =	vcvt.s32.f32 v15;
	v16 =	vsub.s32 $0x800000, v16  }
0x151: {  	v16 =	vcvt.s32.f32 v16;
	v13 =	vmul.f32 v13, v17;
	v17 =	vxor.u32 s20, v3  }
0x152: {  	v21 =	vxor.u32 s18, v3;
	v14 =	vmul.f32 v14, v18;
	v18 =	vxor.u32 s19, v3  }
0x153: {  	vm0 =	vlt.f32 v13, v4;
	v15 =	vmul.f32 v15, v19;
	v16 =	vmul.f32 v16, v20  }
0x154: {  	v4 =	vsel vm0, v13, v4;
	v5 =	vsel vm0, v12, v5  }
0x155: {  	vm0 =	vlt.f32 v14, v6;
	vm1 =	vlt.f32 v15, v7;
	vm2 =	vlt.f32 v16, v8  }
0x156: {  	s18 =	sadd.s32 s21, s15;
	v6 =	vsel vm0, v14, v6;
	v7 =	vsel vm1, v15, v7;
	v8 =	vsel vm2, v16, v8  }
0x157: {  	s19 =	sadd.s32 $0xAE000, s18;
	v9 =	vsel vm0, v17, v9;
	v10 =	vsel vm1, v18, v10;
	v11 =	vsel vm2, v21, v11  }
0x158: {  	s20 =	sadd.s32 $0xAE010, s18;
	v13 =	vmov s19;
	v12 =	vxor.u32 s19, v3;
	v14 =	vor.u32 s19, v2;
	s19 =	sadd.s32 $0xAE020, s18;
	s18 =	sadd.s32 $0xAE030, s18  }
0x159: {  	v15 =	vadd.s32 s20, v2;
	v17 =	vadd.s32 s18, v2;
	v16 =	vadd.s32 s19, v2  }
0x15a: {  	v13 =	vshrl.u32 v13, $0x13;
	v18 =	vshll.u32 v14, $0xD;
	v19 =	vshrl.u32 v15, $0x13  }
0x15b: {  	v20 =	vshll.u32 v15, $0xD;
	v21 =	vshrl.u32 v16, $0x13;
	v22 =	vshll.u32 v16, $0xD  }
0x15c: {  	v13 =	vor.u32 v13, v18;
	v18 =	vshrl.u32 v17, $0x13;
	v23 =	vshll.u32 v17, $0xD  }
0x15d: {  	v19 =	vor.u32 v19, v20;
	v18 =	vor.u32 v18, v23;
	v20 =	vor.u32 v21, v22  }
0x15e: {  	v13 =	vxor.u32 v14, v13;
	v19 =	vxor.u32 v15, v19;
	v20 =	vxor.u32 v16, v20  }
0x15f: {  	v14 =	vadd.s32 v14, v13;
	v18 =	vxor.u32 v17, v18;
	v15 =	vadd.s32 v15, v19  }
0x160: {  	v21 =	vshrl.u32 v13, $0x11;
	v17 =	vadd.s32 v17, v18;
	v16 =	vadd.s32 v16, v20  }
0x161: {  	v13 =	vshll.u32 v13, $0xF;
	v22 =	vshrl.u32 v19, $0x11;
	v19 =	vshll.u32 v19, $0xF  }
0x162: {  	v24 =	vshrl.u32 v18, $0x11;
	v23 =	vshrl.u32 v20, $0x11;
	v20 =	vshll.u32 v20, $0xF  }
0x163: {  	v13 =	vor.u32 v21, v13;
	v18 =	vshll.u32 v18, $0xF;
	v19 =	vor.u32 v22, v19  }
0x164: {  	v13 =	vxor.u32 v14, v13;
	v18 =	vor.u32 v24, v18;
	v20 =	vor.u32 v23, v20  }
0x165: {  	v19 =	vxor.u32 v15, v19;
	v18 =	vxor.u32 v17, v18;
	v20 =	vxor.u32 v16, v20  }
0x166: {  	v14 =	vadd.s32 v14, v13;
	v15 =	vadd.s32 v15, v19;
	v16 =	vadd.s32 v16, v20  }
0x167: {  	v21 =	vshrl.u32 v13, $0x6;
	v13 =	vshll.u32 v13, $0x1A;
	v17 =	vadd.s32 v17, v18  }
0x168: {  	v22 =	vshrl.u32 v19, $0x6;
	v19 =	vshll.u32 v19, $0x1A;
	v23 =	vshrl.u32 v20, $0x6  }
0x169: {  	v24 =	vshrl.u32 v18, $0x6;
	v18 =	vshll.u32 v18, $0x1A;
	v20 =	vshll.u32 v20, $0x1A  }
0x16a: {  	v13 =	vor.u32 v21, v13;
	v19 =	vor.u32 v22, v19;
	v20 =	vor.u32 v23, v20  }
0x16b: {  	v13 =	vxor.u32 v14, v13;
	v18 =	vor.u32 v24, v18;
	v19 =	vxor.u32 v15, v19  }
0x16c: {  	v14 =	vadd.s32 v14, v13;
	v18 =	vxor.u32 v17, v18;
	v20 =	vxor.u32 v16, v20  }
0x16d: {  	v15 =	vadd.s32 v15, v19;
	v17 =	vadd.s32 v17, v18;
	v16 =	vadd.s32 v16, v20  }
0x16e: {  	v21 =	vshrl.u32 v13, $0x1A;
	v13 =	vshll.u32 v13, $0x6;
	v22 =	vshrl.u32 v19, $0x1A  }
0x16f: {  	v19 =	vshll.u32 v19, $0x6;
	v23 =	vshrl.u32 v20, $0x1A;
	v20 =	vshll.u32 v20, $0x6  }
0x170: {  	v13 =	vor.u32 v21, v13;
	v21 =	vshrl.u32 v18, $0x1A;
	v18 =	vshll.u32 v18, $0x6  }
0x171: {  	v19 =	vor.u32 v22, v19;
	v18 =	vor.u32 v21, v18;
	v20 =	vor.u32 v23, v20  }
0x172: {  	v13 =	vxor.u32 v14, v13;
	v19 =	vxor.u32 v15, v19;
	v20 =	vxor.u32 v16, v20  }
0x173: {  	v13 =	vadd.s32 $0x1BD11BF1, v13;
	v18 =	vxor.u32 v17, v18;
	v19 =	vadd.s32 $0x1BD11BF1, v19  }
0x174: {  	v14 =	vadd.s32 v13, v14;
	v18 =	vadd.s32 $0x1BD11BF1, v18;
	v20 =	vadd.s32 $0x1BD11BF1, v20  }
0x175: {  	v21 =	vshrl.u32 v13, $0xF;
	v13 =	vshll.u32 v13, $0x11;
	v15 =	vadd.s32 v19, v15  }
0x176: {  	v22 =	vshrl.u32 v19, $0xF;
	v19 =	vshll.u32 v19, $0x11;
	v16 =	vadd.s32 v20, v16  }
0x177: {  	v17 =	vadd.s32 v18, v17;
	v23 =	vshrl.u32 v20, $0xF;
	v20 =	vshll.u32 v20, $0x11  }
0x178: {  	v14 =	vadd.s32 $0x2A, v14;
	v24 =	vshrl.u32 v18, $0xF;
	v18 =	vshll.u32 v18, $0x11  }
0x179: {  	v13 =	vor.u32 v21, v13;
	v15 =	vadd.s32 $0x2A, v15;
	v19 =	vor.u32 v22, v19  }
0x17a: {  	v17 =	vadd.s32 $0x2A, v17;
	v16 =	vadd.s32 $0x2A, v16;
	v20 =	vor.u32 v23, v20  }
0x17b: {  	v13 =	vxor.u32 v14, v13;
	v18 =	vor.u32 v24, v18;
	v19 =	vxor.u32 v15, v19  }
0x17c: {  	v14 =	vadd.s32 v14, v13;
	v18 =	vxor.u32 v17, v18;
	v20 =	vxor.u32 v16, v20  }
0x17d: {  	v15 =	vadd.s32 v15, v19;
	v17 =	vadd.s32 v17, v18;
	v16 =	vadd.s32 v16, v20  }
0x17e: {  	v21 =	vshrl.u32 v13, $0x3;
	v13 =	vshll.u32 v13, $0x1D;
	v22 =	vshrl.u32 v19, $0x3  }
0x17f: {  	v19 =	vshll.u32 v19, $0x1D;
	v23 =	vshrl.u32 v20, $0x3;
	v20 =	vshll.u32 v20, $0x1D  }
0x180: {  	v13 =	vor.u32 v21, v13;
	v21 =	vshrl.u32 v18, $0x3;
	v18 =	vshll.u32 v18, $0x1D  }
0x181: {  	v19 =	vor.u32 v22, v19;
	v18 =	vor.u32 v21, v18;
	v20 =	vor.u32 v23, v20  }
0x182: {  	v13 =	vxor.u32 v14, v13;
	v19 =	vxor.u32 v15, v19;
	v20 =	vxor.u32 v16, v20  }
0x183: {  	v14 =	vadd.s32 v14, v13;
	v18 =	vxor.u32 v17, v18;
	v15 =	vadd.s32 v15, v19  }
0x184: {  	v21 =	vshrl.u32 v13, $0x10;
	v17 =	vadd.s32 v17, v18;
	v16 =	vadd.s32 v16, v20  }
0x185: {  	v13 =	vshll.u32 v13, $0x10;
	v22 =	vshrl.u32 v19, $0x10;
	v19 =	vshll.u32 v19, $0x10  }
0x186: {  	v24 =	vshrl.u32 v18, $0x10;
	v23 =	vshrl.u32 v20, $0x10;
	v20 =	vshll.u32 v20, $0x10  }
0x187: {  	v13 =	vor.u32 v21, v13;
	v18 =	vshll.u32 v18, $0x10;
	v19 =	vor.u32 v22, v19  }
0x188: {  	v13 =	vxor.u32 v14, v13;
	v18 =	vor.u32 v24, v18;
	v20 =	vor.u32 v23, v20  }
0x189: {  	v19 =	vxor.u32 v15, v19;
	v18 =	vxor.u32 v17, v18;
	v20 =	vxor.u32 v16, v20  }
0x18a: {  	v14 =	vadd.s32 v14, v13;
	v15 =	vadd.s32 v15, v19;
	v16 =	vadd.s32 v16, v20  }
0x18b: {  	v21 =	vshrl.u32 v13, $0x8;
	v13 =	vshll.u32 v13, $0x18;
	v17 =	vadd.s32 v17, v18  }
0x18c: {  	v22 =	vshrl.u32 v19, $0x8;
	v19 =	vshll.u32 v19, $0x18;
	v23 =	vshrl.u32 v20, $0x8  }
0x18d: {  	v24 =	vshrl.u32 v18, $0x8;
	v18 =	vshll.u32 v18, $0x18;
	v20 =	vshll.u32 v20, $0x18  }
0x18e: {  	v13 =	vor.u32 v21, v13;
	v19 =	vor.u32 v22, v19;
	v20 =	vor.u32 v23, v20  }
0x18f: {  	v13 =	vxor.u32 v14, v13;
	v18 =	vor.u32 v24, v18;
	v19 =	vxor.u32 v15, v19  }
0x190: {  	v13 =	vadd.s32 $0x2, v13;
	v18 =	vxor.u32 v17, v18;
	v20 =	vxor.u32 v16, v20  }
0x191: {  	v19 =	vadd.s32 $0x2, v19;
	v18 =	vadd.s32 $0x2, v18;
	v20 =	vadd.s32 $0x2, v20  }
0x192: {  	v14 =	vadd.s32 v13, v14;
	v21 =	vshrl.u32 v13, $0x13;
	v13 =	vshll.u32 v13, $0xD  }
0x193: {  	v15 =	vadd.s32 v19, v15;
	v22 =	vshrl.u32 v19, $0x13;
	v19 =	vshll.u32 v19, $0xD  }
0x194: {  	v16 =	vadd.s32 v20, v16;
	v23 =	vshrl.u32 v20, $0x13;
	v20 =	vshll.u32 v20, $0xD  }
0x195: {  	v17 =	vadd.s32 v18, v17;
	v24 =	vshrl.u32 v18, $0x13;
	v18 =	vshll.u32 v18, $0xD  }
0x196: {  	v14 =	vadd.s32 $0x1BD11BF0, v14;
	v13 =	vor.u32 v21, v13;
	v15 =	vadd.s32 $0x1BD11BF0, v15  }
0x197: {  	v19 =	vor.u32 v22, v19;
	v16 =	vadd.s32 $0x1BD11BF0, v16;
	v20 =	vor.u32 v23, v20  }
0x198: {  	v13 =	vxor.u32 v14, v13;
	v17 =	vadd.s32 $0x1BD11BF0, v17;
	v18 =	vor.u32 v24, v18  }
0x199: {  	v19 =	vxor.u32 v15, v19;
	v18 =	vxor.u32 v17, v18;
	v20 =	vxor.u32 v16, v20  }
0x19a: {  	v14 =	vadd.s32 v14, v13;
	v15 =	vadd.s32 v15, v19;
	v16 =	vadd.s32 v16, v20  }
0x19b: {  	v21 =	vshrl.u32 v13, $0x11;
	v13 =	vshll.u32 v13, $0xF;
	v17 =	vadd.s32 v17, v18  }
0x19c: {  	v22 =	vshrl.u32 v19, $0x11;
	v19 =	vshll.u32 v19, $0xF;
	v23 =	vshrl.u32 v20, $0x11  }
0x19d: {  	v24 =	vshrl.u32 v18, $0x11;
	v18 =	vshll.u32 v18, $0xF;
	v20 =	vshll.u32 v20, $0xF  }
0x19e: {  	v13 =	vor.u32 v21, v13;
	v19 =	vor.u32 v22, v19;
	v20 =	vor.u32 v23, v20  }
0x19f: {  	v13 =	vxor.u32 v14, v13;
	v18 =	vor.u32 v24, v18;
	v19 =	vxor.u32 v15, v19  }
0x1a0: {  	v14 =	vadd.s32 v14, v13;
	v18 =	vxor.u32 v17, v18;
	v20 =	vxor.u32 v16, v20  }
0x1a1: {  	v15 =	vadd.s32 v15, v19;
	v22 =	vadd.s32 v17, v18;
	v16 =	vadd.s32 v16, v20  }
0x1a2: {  	v17 =	vshrl.u32 v13, $0x6;
	v13 =	vshll.u32 v13, $0x1A;
	v21 =	vshrl.u32 v19, $0x6  }
0x1a3: {  	v19 =	vshll.u32 v19, $0x1A;
	v23 =	vshrl.u32 v20, $0x6;
	v20 =	vshll.u32 v20, $0x1A  }
.Ltmp1:
0x1a4: {  	v13 =	vor.u32 v17, v13;
	v17 =	vshrl.u32 v18, $0x6;
	v18 =	vshll.u32 v18, $0x1A;
	(pc) =	sbr.rel @p0 .LBB2_6-.Ltmp1, $4  }
0x1a5: {  	v19 =	vor.u32 v21, v19;
	v21 =	vor.u32 v23, v20;
	v17 =	vor.u32 v17, v18  }
0x1a6: {  	v20 =	vxor.u32 v14, v13;
	v19 =	vxor.u32 v15, v19;
	v18 =	vxor.u32 v16, v21  }
0x1a7: {  	v13 =	vadd.s32 v14, v20;
	v14 =	vadd.s32 v15, v19;
	v17 =	vxor.u32 v22, v17  }
0x1a8: {  	s21 =	sadd.s32 $0x40, s21;
	v21 =	vshrl.u32 v20, $0x1A;
	v15 =	vadd.s32 v16, v18;
	v16 =	vadd.s32 v22, v17  }
0x1a9: {  	v20 =	vshll.u32 v20, $0x6;
	v22 =	vshrl.u32 v19, $0x1A;
	v51 =	vshll.u32 v19, $0x6  }
0x1aa: {  	v23 =	vshrl.u32 v18, $0x1A;
	v52 =	vshll.u32 v18, $0x6;
	v24 =	vshrl.u32 v17, $0x1A  }
0x1ab: {  	v53 =	vshll.u32 v17, $0x6;
	v20 =	vor.u32 v21, v20;
	v19 =	vor.u32 v22, v51  }
0x1ac: {  	v18 =	vor.u32 v23, v52;
	v17 =	vor.u32 v24, v53;
	v20 =	vxor.u32 v13, v20  }
0x1ad: {  	v19 =	vxor.u32 v14, v19;
	v18 =	vxor.u32 v15, v18;
	v17 =	vxor.u32 v16, v17  }
0x1ae: {  	v20 =	vadd.s32 $0x2D, v20;
	v19 =	vadd.s32 $0x2D, v19;
	v18 =	vadd.s32 $0x2D, v18  }
0x1af: {  	v17 =	vadd.s32 $0x2D, v17;
	v54 =	vadd.s32 v13, v20;
	v55 =	vadd.s32 v14, v19  }
0x1b0: {  	v56 =	vshrl.u32 v20, $0xF;
	v57 =	vadd.s32 v15, v18;
	v58 =	vadd.s32 v16, v17  }
0x1b1: {  	v20 =	vshll.u32 v20, $0x11;
	v59 =	vshrl.u32 v19, $0xF;
	v19 =	vshll.u32 v19, $0x11  }
0x1b2: {  	v60 =	vshrl.u32 v18, $0xF;
	v18 =	vshll.u32 v18, $0x11;
	v61 =	vshrl.u32 v17, $0xF  }
0x1b3: {  	v17 =	vshll.u32 v17, $0x11;
	v20 =	vor.u32 v56, v20;
	v19 =	vor.u32 v59, v19  }
0x1b4: {  	v18 =	vor.u32 v60, v18;
	v17 =	vor.u32 v61, v17;
	v20 =	vxor.u32 v54, v20  }
0x1b5: {  	v19 =	vxor.u32 v55, v19;
	v18 =	vxor.u32 v57, v18;
	v17 =	vxor.u32 v58, v17  }
0x1b6: {  	v13 =	vadd.s32 v54, v20;
	v14 =	vadd.s32 v55, v19;
	v15 =	vadd.s32 v57, v18  }
0x1b7: {  	v62 =	vshrl.u32 v20, $0x3;
	v20 =	vshll.u32 v20, $0x1D;
	v16 =	vadd.s32 v58, v17  }
0x1b8: {  	v63 =	vshrl.u32 v19, $0x3;
	v19 =	vshll.u32 v19, $0x1D;
	v28 =	vshrl.u32 v18, $0x3  }
0x1b9: {  	v18 =	vshll.u32 v18, $0x1D;
	v29 =	vshrl.u32 v17, $0x3;
	v17 =	vshll.u32 v17, $0x1D  }
0x1ba: {  	v20 =	vor.u32 v62, v20;
	v19 =	vor.u32 v63, v19;
	v18 =	vor.u32 v28, v18  }
0x1bb: {  	v17 =	vor.u32 v29, v17;
	v20 =	vxor.u32 v13, v20;
	v19 =	vxor.u32 v14, v19  }
0x1bc: {  	v18 =	vxor.u32 v15, v18;
	v17 =	vxor.u32 v16, v17;
	v13 =	vadd.s32 v13, v20  }
0x1bd: {  	v14 =	vadd.s32 v14, v19;
	v15 =	vadd.s32 v15, v18;
	v16 =	vadd.s32 v16, v17  }
0x1be: {  	v30 =	vshrl.u32 v20, $0x10;
	v20 =	vshll.u32 v20, $0x10;
	v31 =	vshrl.u32 v19, $0x10  }
0x1bf: {  	v19 =	vshll.u32 v19, $0x10;
	v32 =	vshrl.u32 v18, $0x10;
	v18 =	vshll.u32 v18, $0x10  }
0x1c0: {  	v33 =	vshrl.u32 v17, $0x10;
	v17 =	vshll.u32 v17, $0x10;
	v20 =	vor.u32 v30, v20  }
0x1c1: {  	v19 =	vor.u32 v31, v19;
	v18 =	vor.u32 v32, v18;
	v17 =	vor.u32 v33, v17  }
0x1c2: {  	v20 =	vxor.u32 v13, v20;
	v19 =	vxor.u32 v14, v19;
	v18 =	vxor.u32 v15, v18  }
0x1c3: {  	v17 =	vxor.u32 v16, v17;
	v13 =	vadd.s32 v13, v20;
	v14 =	vadd.s32 v14, v19  }
0x1c4: {  	v34 =	vshrl.u32 v20, $0x8;
	v15 =	vadd.s32 v15, v18;
	v16 =	vadd.s32 v16, v17  }
0x1c5: {  	v20 =	vshll.u32 v20, $0x18;
	v35 =	vshrl.u32 v19, $0x8;
	v19 =	vshll.u32 v19, $0x18  }
0x1c6: {  	v36 =	vshrl.u32 v18, $0x8;
	v18 =	vshll.u32 v18, $0x18;
	v37 =	vshrl.u32 v17, $0x8  }
0x1c7: {  	v17 =	vshll.u32 v17, $0x18;
	v20 =	vor.u32 v34, v20;
	v19 =	vor.u32 v35, v19  }
0x1c8: {  	v18 =	vor.u32 v36, v18;
	v17 =	vor.u32 v37, v17;
	v20 =	vxor.u32 v13, v20  }
0x1c9: {  	v19 =	vxor.u32 v14, v19;
	v18 =	vxor.u32 v15, v18;
	v17 =	vxor.u32 v16, v17  }
0x1ca: {  	v20 =	vadd.s32 $0x1BD11BF4, v20;
	v19 =	vadd.s32 $0x1BD11BF4, v19;
	v18 =	vadd.s32 $0x1BD11BF4, v18  }
0x1cb: {  	v17 =	vadd.s32 $0x1BD11BF4, v17;
	v13 =	vadd.s32 v20, v13;
	v38 =	vshrl.u32 v20, $0x13  }
0x1cc: {  	v20 =	vshll.u32 v20, $0xD;
	v14 =	vadd.s32 v19, v14;
	v39 =	vshrl.u32 v19, $0x13  }
0x1cd: {  	v19 =	vshll.u32 v19, $0xD;
	v15 =	vadd.s32 v18, v15;
	v40 =	vshrl.u32 v18, $0x13  }
0x1ce: {  	v18 =	vshll.u32 v18, $0xD;
	v16 =	vadd.s32 v17, v16;
	v41 =	vshrl.u32 v17, $0x13  }
0x1cf: {  	v17 =	vshll.u32 v17, $0xD;
	v13 =	vadd.s32 $0x2A, v13;
	v20 =	vor.u32 v38, v20  }
0x1d0: {  	v14 =	vadd.s32 $0x2A, v14;
	v19 =	vor.u32 v39, v19;
	v15 =	vadd.s32 $0x2A, v15  }
0x1d1: {  	v18 =	vor.u32 v40, v18;
	v16 =	vadd.s32 $0x2A, v16;
	v17 =	vor.u32 v41, v17  }
0x1d2: {  	v20 =	vxor.u32 v13, v20;
	v19 =	vxor.u32 v14, v19;
	v18 =	vxor.u32 v15, v18  }
0x1d3: {  	v17 =	vxor.u32 v16, v17;
	v13 =	vadd.s32 v13, v20;
	v14 =	vadd.s32 v14, v19  }
0x1d4: {  	v42 =	vshrl.u32 v20, $0x11;
	v15 =	vadd.s32 v15, v18;
	v16 =	vadd.s32 v16, v17  }
0x1d5: {  	v20 =	vshll.u32 v20, $0xF;
	v43 =	vshrl.u32 v19, $0x11;
	v19 =	vshll.u32 v19, $0xF  }
0x1d6: {  	v44 =	vshrl.u32 v18, $0x11;
	v18 =	vshll.u32 v18, $0xF;
	v45 =	vshrl.u32 v17, $0x11  }
0x1d7: {  	v17 =	vshll.u32 v17, $0xF;
	v20 =	vor.u32 v42, v20;
	v19 =	vor.u32 v43, v19  }
0x1d8: {  	v18 =	vor.u32 v44, v18;
	v17 =	vor.u32 v45, v17;
	v20 =	vxor.u32 v13, v20  }
0x1d9: {  	v19 =	vxor.u32 v14, v19;
	v18 =	vxor.u32 v15, v18;
	v17 =	vxor.u32 v16, v17  }
0x1da: {  	v13 =	vadd.s32 v13, v20;
	v14 =	vadd.s32 v14, v19;
	v15 =	vadd.s32 v15, v18  }
0x1db: {  	v46 =	vshrl.u32 v20, $0x6;
	v20 =	vshll.u32 v20, $0x1A;
	v16 =	vadd.s32 v16, v17  }
0x1dc: {  	v47 =	vshrl.u32 v19, $0x6;
	v19 =	vshll.u32 v19, $0x1A;
	v48 =	vshrl.u32 v18, $0x6  }
0x1dd: {  	v18 =	vshll.u32 v18, $0x1A;
	v49 =	vshrl.u32 v17, $0x6;
	v17 =	vshll.u32 v17, $0x1A  }
0x1de: {  	v20 =	vor.u32 v46, v20;
	v19 =	vor.u32 v47, v19;
	v18 =	vor.u32 v48, v18  }
0x1df: {  	v17 =	vor.u32 v49, v17;
	v20 =	vxor.u32 v13, v20;
	v19 =	vxor.u32 v14, v19  }
0x1e0: {  	v18 =	vxor.u32 v15, v18;
	v17 =	vxor.u32 v16, v17;
	v13 =	vadd.s32 v13, v20  }
0x1e1: {  	v14 =	vadd.s32 v14, v19;
	v15 =	vadd.s32 v15, v18;
	v16 =	vadd.s32 v16, v17  }
0x1e2: {  	v50 =	vshrl.u32 v20, $0x1A;
	v20 =	vshll.u32 v20, $0x6;
	v51 =	vshrl.u32 v19, $0x1A  }
0x1e3: {  	v19 =	vshll.u32 v19, $0x6;
	v52 =	vshrl.u32 v18, $0x1A;
	v18 =	vshll.u32 v18, $0x6  }
0x1e4: {  	v25 =	vshrl.u32 v17, $0x1A;
	v17 =	vshll.u32 v17, $0x6;
	v53 =	vadd.s32 $0x1BD11BF0, v13  }
0x1e5: {  	v26 =	vadd.s32 $0x1BD11BF0, v14;
	v27 =	vadd.s32 $0x1BD11BF0, v15;
	v28 =	vadd.s32 $0x1BD11BF0, v16  }
0x1e6: {  	v20 =	vor.u32 v50, v20;
	v19 =	vor.u32 v51, v19;
	v18 =	vor.u32 v52, v18  }
0x1e7: {  	v17 =	vor.u32 v25, v17;
	v13 =	vxor.u32 v13, v20;
	v14 =	vxor.u32 v14, v19  }
0x1e8: {  	s17 =	sadd.s32 $0x40, s17;
	v15 =	vxor.u32 v15, v18;
	v16 =	vxor.u32 v16, v17;
	v13 =	vadd.s32 $0x5, v13  }
0x1e9: {  	v56 =	vld [tilespmem:s17+$0x0];
	v14 =	vadd.s32 $0x5, v14;
	v15 =	vadd.s32 $0x5, v15;
	v16 =	vadd.s32 $0x5, v16  }
0x1ea: {  	v54 =	vld [tilespmem:s17+$0xFFFFFFE0];
	v13 =	vxor.u32 v53, v13;
	v14 =	vxor.u32 v26, v14;
	v15 =	vxor.u32 v27, v15  }
0x1eb: {  	v55 =	vld [tilespmem:s17+$0xFFFFFFF0];
	v16 =	vxor.u32 v28, v16;
	v13 =	vshrl.u32 v13, $0x9;
	v14 =	vshrl.u32 v14, $0x9  }
0x1ec: {  	v57 =	vld [tilespmem:s17+$0x10];
	v15 =	vshrl.u32 v15, $0x9;
	v16 =	vshrl.u32 v16, $0x9;
	v13 =	vsub.s32 $0x800000, v13  }
0x1ed: {  	v14 =	vsub.s32 $0x800000, v14;
	v15 =	vsub.s32 $0x800000, v15;
	v13 =	vcvt.s32.f32 v13  }
0x1ee: {  	v16 =	vsub.s32 $0x800000, v16;
	v14 =	vcvt.s32.f32 v14;
	v15 =	vcvt.s32.f32 v15  }
0x1ef: {  	v16 =	vcvt.s32.f32 v16;
	v13 =	vmul.f32 v13, v54  }
0x1f0: {  	v59 =	vxor.u32 s19, v3;
	v14 =	vmul.f32 v14, v55;
	v15 =	vmul.f32 v15, v56  }
0x1f1: {  	v60 =	vxor.u32 s18, v3;
	v58 =	vxor.u32 s20, v3;
	v16 =	vmul.f32 v16, v57  }
0x1f2: {  	vm0 =	vlt.f32 v13, v4;
	vm14 =	vlt.f32 v14, v6;
	vm1 =	vlt.f32 v15, v7  }
0x1f3: {  	vm2 =	vlt.f32 v16, v8;
	v4 =	vsel vm0, v13, v4;
	v5 =	vsel vm0, v12, v5  }
0x1f4: {  	v6 =	vsel vm14, v14, v6;
	v7 =	vsel vm1, v15, v7;
	v8 =	vsel vm2, v16, v8  }
0x1f5: {  	v9 =	vsel vm14, v58, v9;
	v10 =	vsel vm1, v59, v10;
	v11 =	vsel vm2, v60, v11  }
0x1f6: {  	vm15 =	vlt.f32 v6, v4;
	vm6 =	veq.f32 v6, v4;
	vm7 =	vlt.s32 v9, v5  }
0x1f7: {  	vm8 =	veq.f32 v8, v7;
	vm3 =	vlt.s32 v11, v10;
	vm1 =	vmand vm6, vm7  }
0x1f8: {  	s31 =	sshll.u32 s16, $0x4;
	vm10 =	vlt.f32 v8, v7;
	vm9 =	vmand vm8, vm3;
	vm0 =	vmor vm15, vm1  }
0x1f9: {  	v61 =	vld [tilespmem:s31+$0x10C0];
	vm1 =	vmor vm10, vm9;
	v4 =	vsel vm0, v6, v4  }
0x1fa: {  	v63 =	vld [tilespmem:s31+$0x14C0];
	v5 =	vsel vm0, v9, v5;
	v7 =	vsel vm1, v8, v7;
	v62 =	vsel vm1, v11, v10  }
0x1fb: {  	vm11 =	veq.f32 v7, v4;
	vm1 =	vlt.s32 v62, v5  }
0x1fc: {  	vm12 =	vlt.f32 v7, v4;
	vm0 =	vmand vm11, vm1  }
0x1fd: {  	vm0 =	vmor vm12, vm0  }
0x1fe: {  	s16 =	sadd.s32 $0x1, s16;
	v4 =	vsel vm0, v7, v4;
	v5 =	vsel vm0, v62, v5  }
0x1ff: {  	p0 =	sne.s32 s16, $0x40;
	vm13 =	veq.f32 v4, v61;
	vm14 =	vlt.s32 v5, v63  }
.Ltmp2:
0x200: {  	vm15 =	vlt.f32 v4, v61;
	vm0 =	vmand vm13, vm14;
	(pc) =	sbr.rel @p0 .LBB2_5-.Ltmp2, $4  }
0x201: {  	vm0 =	vmor vm15, vm0  }
0x202: {  	v4 =	vsel vm0, v4, v61  }
0x203: {  	v5 =	vsel vm0, v5, v63;
	[tilespmem:s31+$0x10C0] =	vst v4  }
0x204: {  	s15 =	sadd.s32 $0xF4240, s15;
	[tilespmem:s31+$0x14C0] =	vst v5  }
0x205: {  	s14 =	sadd.s32 $0x1, s14  }
0x206: {  	p0 =	sne.s32 s14, $0x43  }
.Ltmp3:
0x207: {  	_ = 	snop;
	(pc) =	sbr.rel @p0 .LBB2_4-.Ltmp3, $2  }
0x208: {  	_ =	sdelay $0x2  }
0x209: {  	s13 =	sadd.s32 $0x10C0, s13  }
0x20a: {  	[hbm4b:s4+s2] =	stream.linear.scatter [tilespmem:s9], [sflag:$0x1], $0x400, $0x38;
	[tilespmem:$0x18C0] =	vst v63  }
0x20b: {  	s11 =	sadd.s32 $0x1, s11;
	_ =	swait.ge [sflag:s8], $0x400  }
0x20c: {  	p0 =	sne.s32 s11, s6;
	[sflag:s8] =	ssyncset.done $0x0  }
.Ltmp4:
0x20d: {  	[sflag:s8] =	ssyncadd.s32 $0xFFFFFC00;
	(pc) =	sbr.rel @p0 .LBB2_1-.Ltmp4, $4  }
0x20e: {  	[hbm4b:s5+s2] =	stream.linear.scatter [tilespmem:s10], [sflag:$0x1], $0x400, $0x38;
	[tilespmem:$0x18C0] =	vst v63  }
0x20f: {  	_ =	swait.ge [sflag:s8], $0x400  }
0x210: {  	[sflag:s8] =	ssyncset.done $0x0  }
0x211: {  	[sflag:s8] =	ssyncadd.s32 $0xFFFFFC00  }
0x212: {  	_ =	sfence.sel $0x180000  }
0x213: {  	[bflag:$0x0] =	sbarrier.arrive $0xFFFF  }
0x214: {  	p0 =	sne.s32 s1, $0x0;
	_ =	strace $0x90000047  }
0x215: {  	s0 =	sadd.s32 @!p0 $0x100000, s0;
	[bflag:$0x2] =	sbarrier.arrive $0xFFFF  }
0x216: {  	[sflag:s0] =	ssyncadd.tile.s32 @!p0 $0x1;
	_ =	shalt  }
.Lfunc_end2:
_tile_overlayer_lowered:
.L_overlay_start_2:
0x217: {  	(tag) =	ssettag $0x2  }
0x218: {  	s0 =	rddreg [dreg:$0x0];
	s2 =	stileid.u32  }
0x219: {  	s1 =	rddreg [dreg:$0x1];
	p0 =	sne.s32 s2, $0x0  }
0x21a: {  	s3 =	rddreg [dreg:$0x2];
	[bflag:$0x3] =	sbarrier.arrive $0xFFFF;
	s2 =	simm.s32 @!p0 $0x1C01  }
0x21b: {  	[timem:s3], [sflag:s2] =	dma.local @!p0 [hbm:s0], s1  }
0x21c: {  	s0 =	simm.s32 @!p0 $0x1  }
0x21d: {  	_ =	swait.ge @!p0 [sflag:s0], s1  }
0x21e: {  	s1 =	ssub.s32 @!p0 $0x0, s1;
	[sflag:s0] =	ssyncset.done @!p0 $0x0  }
0x21f: {  	[sflag:s0] =	ssyncadd.s32 @!p0 s1  }
0x220: {  	[bflag:$0x3] =	sbarrier.arrive $0xFFFF  }
0x221: {  	_ =	shalt  }

</sc_bundles>
